<compile_context>
chip_gen: v7x
topology: tpu7x:2x2x1
jax: 0.10.2.dev20260603
libtpu: 0.0.44.dev20260713+nightly
codegen_flags: <defaults>
</compile_context>

<pallas_src>
import functools

import jax
import jax.numpy as jnp
from jax import lax
from jax.experimental import pallas as pl
from jax.experimental.pallas import tpu as pltpu
from jax.experimental.pallas import tpu_sc as plsc

_N = 65536
_C = 1000
_R = 2048
_NW = 32
_CHUNK = _N // _NW
_BINS = 1024
_L = 16

_BN = 16384
_TCBLK0 = 0
_NBLK_TC = (_N - _BN) // _R
_RPT = _BN // _NW
_G = 32
_NG = _RPT // _G
_CP = 1008
_SCROWS = _BN // 2048


def _rows_body(x_ref, tgt_ref, out_ref):
    x = x_ref[...]
    tgt = tgt_ref[0, 0, :]
    m = jnp.max(x, axis=1, keepdims=True)
    col = lax.broadcasted_iota(jnp.int32, (_R, _C), 1)
    onehot = col == tgt[:, None]
    e = jnp.exp(x)
    sel = jnp.where(onehot, x, 0.0)
    s = jnp.sum(e, axis=1, keepdims=True)
    tlogit = jnp.sum(sel, axis=1, keepdims=True)
    ce = jnp.log(s) - tlogit
    signed = jnp.where(tlogit < m, ce, -ce)
    out_ref[0, 0, :] = signed[:, 0]


_rows_call = pl.pallas_call(
    _rows_body,
    grid=(_NBLK_TC,),
    in_specs=[
        pl.BlockSpec((_R, _C), lambda i: (i + _BN // _R, 0)),
        pl.BlockSpec((1, 1, _R), lambda i: (i + _TCBLK0, 0, 0)),
    ],
    out_specs=pl.BlockSpec((1, 1, _R), lambda i: (i, 0, 0)),
    out_shape=jax.ShapeDtypeStruct((_NBLK_TC, 1, _R), jnp.float32),
)


@functools.partial(
    pl.kernel,
    out_type=[
        jax.ShapeDtypeStruct((_SCROWS, 2048), jnp.float32),
        jax.ShapeDtypeStruct((_SCROWS, 2048), jnp.float32),
    ],
    mesh=plsc.VectorSubcoreMesh(core_axis_name="c", subcore_axis_name="s"),
    compiler_params=pltpu.CompilerParams(needs_layout_passes=False,
                                         use_tc_tiling_on_sc=True),
    scratch_types=[
        pltpu.VMEM((_G, _C), jnp.float32),
        pltpu.VMEM((_G,), jnp.int32),
        pltpu.VMEM((_RPT,), jnp.int32),
        pltpu.VMEM((_RPT,), jnp.float32),
        pltpu.VMEM((_RPT,), jnp.float32),
        pltpu.VMEM((_G * _L,), jnp.float32),
        pltpu.VMEM((_G * _L,), jnp.float32),
        pltpu.SemaphoreType.DMA,
    ],
)
def _sc_dense(x_hbm, tgt_hbm, ssgn_hbm, tlog_hbm, rows_v, idx_v, tgt_v,
              s_v, t_v, accst, mxst, sem):
    wid = lax.axis_index("s") * 2 + lax.axis_index("c")
    row0 = wid * _RPT
    pltpu.sync_copy(tgt_hbm.at[pl.ds(row0, _RPT)], tgt_v)

    lane = lax.iota(jnp.int32, _L)
    tailmask = lane >= (_L - (_C % _L))

    def gbody(g, carry):
        gr0 = row0 + g * _G
        pltpu.async_copy(x_hbm.at[pl.ds(gr0, _G), :], rows_v, sem).wait()

        def rbody(r, carry2):
            acc = jnp.zeros((_L,), jnp.float32)
            mx = jnp.full((_L,), -1e30, jnp.float32)
            for k in range(_C // _L):
                v = rows_v[r, pl.ds(k * _L, _L)]
                acc = acc + jnp.exp(v)
                mx = jnp.maximum(mx, v)
            v = rows_v[r, pl.ds(_C - _L, _L)]
            acc = acc + jnp.where(tailmask, jnp.exp(v), 0.0)
            mx = jnp.maximum(mx, jnp.where(tailmask, v, -1e30))
            accst[pl.ds(r * _L, _L)] = acc
            mxst[pl.ds(r * _L, _L)] = mx
            return carry2

        lax.fori_loop(0, _G, rbody, 0)

        for sub in range(_G // _L):
            rloc16 = sub * _L + lane
            off = g * _G + sub * _L
            t16 = tgt_v[pl.ds(off, _L)]
            tvals = plsc.load_gather(rows_v, [rloc16, t16])
            s16 = jnp.zeros((_L,), jnp.float32)
            m16 = jnp.full((_L,), -1e30, jnp.float32)
            for l in range(_L):
                s16 = s16 + plsc.load_gather(accst, [rloc16 * _L + l])
                m16 = jnp.maximum(m16, plsc.load_gather(mxst, [rloc16 * _L + l]))
            s_v[pl.ds(off, _L)] = jnp.where(tvals < m16, s16, -s16)
            t_v[pl.ds(off, _L)] = tvals
        return carry

    lax.fori_loop(0, _NG, gbody, 0)

    pltpu.sync_copy(s_v, ssgn_hbm.at[wid // 4, pl.ds((wid % 4) * _RPT, _RPT)])
    pltpu.sync_copy(t_v, tlog_hbm.at[wid // 4, pl.ds((wid % 4) * _RPT, _RPT)])


def _sclog_body(s_ref, t_ref, out_ref):
    s = s_ref[...]
    t = t_ref[...]
    ce = jnp.log(jnp.abs(s)) - t
    out_ref[...] = jnp.where(s > 0, ce, -ce)


_sclog_call = pl.pallas_call(
    _sclog_body,
    out_shape=jax.ShapeDtypeStruct((_SCROWS, 2048), jnp.float32),
)


@functools.partial(
    pl.kernel,
    out_type=jax.ShapeDtypeStruct((_NW, 3 * _BINS), jnp.float32),
    mesh=plsc.VectorSubcoreMesh(core_axis_name="c", subcore_axis_name="s"),
    compiler_params=pltpu.CompilerParams(needs_layout_passes=False),
    scratch_types=[
        pltpu.VMEM((_CHUNK,), jnp.int32),
        pltpu.VMEM((_CHUNK,), jnp.float32),
        pltpu.VMEM((_BINS * _L,), jnp.float32),
        pltpu.VMEM((_BINS * _L,), jnp.float32),
        pltpu.VMEM((_BINS * _L,), jnp.float32),
        pltpu.VMEM((3 * _BINS,), jnp.float32),
    ],
)
def _hist_kernel(tgt_hbm, cesc_hbm, cetc_hbm, out_hbm,
                 tgt_v, cesgn_v, cnt_v, fn_v, ces_v, red_v):
    wid = lax.axis_index("s") * 2 + lax.axis_index("c")
    base = wid * _CHUNK
    pltpu.sync_copy(tgt_hbm.at[pl.ds(base, _CHUNK)], tgt_v)

    @pl.when(wid < _SCROWS)
    def _():
        pltpu.sync_copy(cesc_hbm.at[wid], cesgn_v)

    @pl.when(wid >= _SCROWS)
    def _():
        pltpu.sync_copy(
            cetc_hbm.at[pl.ds((wid - _SCROWS) * _CHUNK, _CHUNK)], cesgn_v)

    zero16 = jnp.zeros((_L,), jnp.float32)
    ones16 = jnp.ones((_L,), jnp.float32)
    lane = lax.iota(jnp.int32, _L)

    def zbody(r, carry):
        for k in range(4):
            sl = pl.ds((r * 4 + k) * _L, _L)
            cnt_v[sl] = zero16
            fn_v[sl] = zero16
            ces_v[sl] = zero16
        return carry

    lax.fori_loop(0, _BINS // 4, zbody, 0)

    def sbody(i, carry):
        for k in range(4):
            off = (i * 4 + k) * _L
            t16 = tgt_v[pl.ds(off, _L)] * _L + lane
            v16 = cesgn_v[pl.ds(off, _L)]
            idex16 = jnp.where(v16 > 0, 1.0, 0.0).astype(jnp.float32)
            plsc.addupdate_scatter(cnt_v, [t16], ones16)
            plsc.addupdate_scatter(fn_v, [t16], idex16)
            plsc.addupdate_scatter(ces_v, [t16], jnp.abs(v16))
        return carry

    lax.fori_loop(0, _CHUNK // (4 * _L), sbody, 0)

    def rbody(g, carry):
        b16 = (g * _L + lane) * _L
        for off, hist in ((0, cnt_v), (_BINS, fn_v), (2 * _BINS, ces_v)):
            tot = zero16
            for l in range(_L):
                tot = tot + plsc.load_gather(hist, [b16 + l])
            red_v[pl.ds(off + g * _L, _L)] = tot
        return carry

    lax.fori_loop(0, _BINS // _L, rbody, 0)

    pltpu.sync_copy(red_v, out_hbm.at[wid])


def _finish_body(p_ref, loss_ref):
    p = p_ref[...]
    s = jnp.sum(p, axis=0, keepdims=True)
    cnt = s[:, 0:_BINS]
    fn = s[:, _BINS:2 * _BINS]
    ces = s[:, 2 * _BINS:3 * _BINS]
    gt_counter = jnp.where(cnt > 0, cnt, 1.0)
    fn_counter = jnp.where(fn > 0, fn, 1.0)
    w = fn_counter / gt_counter
    loss_ref[...] = jnp.sum(w * ces, axis=1, keepdims=True) / jnp.float32(_N)


_finish_call = pl.pallas_call(
    _finish_body,
    out_shape=jax.ShapeDtypeStruct((1, 1), jnp.float32),
)


@jax.jit
def kernel(logits, target):
    tgt3 = target.reshape(_N // _R, 1, _R)
    ssgn, tlog = _sc_dense(logits, target)
    ce_tc = _rows_call(logits, tgt3)
    ce_sc = _sclog_call(ssgn, tlog)
    partials = _hist_kernel(target, ce_sc, ce_tc.reshape(_N - _BN))
    loss = _finish_call(partials)
    return loss[0, 0]

# --- scband reference (transcript-rebuilt; emitter-appended) ---
"""Pipeline reference for scband-recall-cross-entropy-30227979829665 (READ-ONLY COPY).

The authoritative reference and input builder live on the scoring server;
editing this copy changes nothing except your own understanding.
"""

import jax, jax.numpy as jnp
import numpy as np

N = 65536
C = 1000

def setup_inputs(seed: int = 0) -> dict:
    key = jax.random.key(seed)
    k1, k2 = jax.random.split(key)
    logits = jax.random.normal(k1, (N, C), dtype=jnp.float32)
    target = jax.random.randint(k2, (N,), 0, C, dtype=jnp.int32)
    return {"logits": logits, "target": target}

def reference(logits, target):
    n_classes = logits.shape[1]
    # predicted class and false-negative mask
    pred = jnp.argmax(logits, axis=1)
    idex = (pred != target.astype(pred.dtype))
    # ground-truth class histogram; classes absent from target keep counter 1
    gt_count = jnp.bincount(target, length=n_classes)
    gt_counter = jnp.where(gt_count > 0, gt_count.astype(jnp.float32), jnp.float32(1.0))
    # false-negative histogram via scatter-add; absent classes keep counter 1
    fn_count = jnp.zeros((n_classes,), dtype=jnp.float32).at[target].add(idex.astype(jnp.float32))
    fn_counter = jnp.where(fn_count > 0, fn_count, jnp.float32(1.0))
    weight = fn_counter / gt_counter
    # per-sample cross entropy (reduction='none')
    logp = jax.nn.log_softmax(logits, axis=1)
    CE = -jnp.take_along_axis(logp, target[:, None].astype(jnp.int32), axis=1)[:, 0]
    loss = jnp.mean(weight[target] * CE)
    return loss

if __name__ == "__main__":
    import jax
    _d = setup_inputs()
    print(jax.jit(kernel)(*tuple(_d.values())))

</pallas_src>

<mosaic_0001>
#map = affine_map<(d0, d1) -> (0, 0)>
#map1 = affine_map<(d0, d1) -> (0)>
module attributes {stable_mosaic.version = 14 : i64} {
  func.func @_sc_dense(%arg0: i32, %arg1: i32, %arg2: memref<65536x1000xf32, #tpu.memory_space<hbm>>, %arg3: memref<65536xi32, #tpu.memory_space<hbm>>, %arg4: memref<8x2048xf32, #tpu.memory_space<hbm>>, %arg5: memref<8x2048xf32, #tpu.memory_space<hbm>>, %arg6: memref<32x1000xf32, #tpu.memory_space<vmem>>, %arg7: memref<32xi32, #tpu.memory_space<vmem>>, %arg8: memref<512xi32, #tpu.memory_space<vmem>>, %arg9: memref<512xf32, #tpu.memory_space<vmem>>, %arg10: memref<512xf32, #tpu.memory_space<vmem>>, %arg11: memref<512xf32, #tpu.memory_space<vmem>>, %arg12: memref<512xf32, #tpu.memory_space<vmem>>, %arg13: memref<!tpu.dma_semaphore, #tpu.memory_space<semaphore_mem>>) attributes {dimension_semantics = [#tpu.dimension_semantics<core_parallel>, #tpu.dimension_semantics<subcore_parallel>], iteration_bounds = array<i64: 2, 16>, scalar_prefetch = 0 : i64, scratch_operands = 8 : i64, tpu.core_type = #tpu.core_type<sc_vector_subcore>, window_params = [{transform_indices = #map}, {transform_indices = #map1}, {transform_indices = #map}, {transform_indices = #map}]} {
    %mul3A = arith.constant 2 : i32
    %mul3A_0 = arith.muli %arg1, %mul3A : i32
    %add3A = arith.addi %mul3A_0, %arg0 : i32
    %mul3A_1 = arith.constant 512 : i32
    %mul3A_2 = arith.muli %add3A, %mul3A_1 : i32
    "tpu.region"() ({
      %run_scoped3A = tpu.sem_alloc : memref<!tpu.dma_semaphore, #tpu.memory_space<semaphore_mem>>
      %dma_start3A = tpu.memref_slice %arg3[%mul3A_2] : memref<65536xi32, #tpu.memory_space<hbm>> -> memref<512xi32, #tpu.memory_space<hbm>>
      %dma_start3A_84 = tpu.memref_slice %arg3[%mul3A_2] : memref<65536xi32, #tpu.memory_space<hbm>> -> memref<512xi32, #tpu.memory_space<hbm>>
      tpu.enqueue_dma source(%dma_start3A_84 : memref<512xi32, #tpu.memory_space<hbm>>) target(%arg8 : memref<512xi32, #tpu.memory_space<vmem>>) target_semaphore(%run_scoped3A : memref<!tpu.dma_semaphore, #tpu.memory_space<semaphore_mem>>)
      %dma_wait3A = tpu.memref_slice %arg3[%mul3A_2] : memref<65536xi32, #tpu.memory_space<hbm>> -> memref<512xi32, #tpu.memory_space<hbm>>
      %dma_wait3A_85 = tpu.memref_slice %arg3[%mul3A_2] : memref<65536xi32, #tpu.memory_space<hbm>> -> memref<512xi32, #tpu.memory_space<hbm>>
      tpu.wait_dma2 semaphore(%run_scoped3A : memref<!tpu.dma_semaphore, #tpu.memory_space<semaphore_mem>>) src(%dma_wait3A_85 : memref<512xi32, #tpu.memory_space<hbm>>) dst(%arg8 : memref<512xi32, #tpu.memory_space<vmem>>)
      tpu.yield
    }) : () -> ()
    %iota3A = tpu.iota {dimensions = array<i32: 0>} : vector<16xi32>
    %ge3A = arith.constant 8 : i32
    %ge3A_3 = vector.broadcast %ge3A : i32 to vector<16xi32>
    %ge3A_4 = arith.cmpi sge, %iota3A, %ge3A_3 : vector<16xi32>
    %scan3A = arith.constant 0 : i32
    %scan3A_5 = arith.constant 0 : i32
    %scan3A_6 = arith.constant 16 : i32
    %scan3A_7 = arith.addi %scan3A_5, %scan3A_6 : i32
    %scan3A_8 = arith.constant 1 : i32
    scf.for %scan3A_84 = %scan3A_5 to %scan3A_7 step %scan3A_8  : i32 {
      %mul3A_85 = arith.constant 32 : i32
      %mul3A_86 = arith.muli %scan3A_84, %mul3A_85 : i32
      %add3A_87 = arith.addi %mul3A_2, %mul3A_86 : i32
      %dma_start3A = arith.constant 0 : i32
      %dma_start3A_88 = tpu.memref_slice %arg2[%add3A_87, %dma_start3A] : memref<65536x1000xf32, #tpu.memory_space<hbm>> -> memref<32x1000xf32, #tpu.memory_space<hbm>>
      %dma_start3A_89 = arith.constant 0 : i32
      %dma_start3A_90 = tpu.memref_slice %arg2[%add3A_87, %dma_start3A_89] : memref<65536x1000xf32, #tpu.memory_space<hbm>> -> memref<32x1000xf32, #tpu.memory_space<hbm>>
      tpu.enqueue_dma source(%dma_start3A_90 : memref<32x1000xf32, #tpu.memory_space<hbm>>) target(%arg6 : memref<32x1000xf32, #tpu.memory_space<vmem>>) target_semaphore(%arg13 : memref<!tpu.dma_semaphore, #tpu.memory_space<semaphore_mem>>)
      %dma_wait3A = arith.constant 0 : i32
      %dma_wait3A_91 = tpu.memref_slice %arg2[%add3A_87, %dma_wait3A] : memref<65536x1000xf32, #tpu.memory_space<hbm>> -> memref<32x1000xf32, #tpu.memory_space<hbm>>
      %dma_wait3A_92 = arith.constant 0 : i32
      %dma_wait3A_93 = tpu.memref_slice %arg2[%add3A_87, %dma_wait3A_92] : memref<65536x1000xf32, #tpu.memory_space<hbm>> -> memref<32x1000xf32, #tpu.memory_space<hbm>>
      tpu.wait_dma2 semaphore(%arg13 : memref<!tpu.dma_semaphore, #tpu.memory_space<semaphore_mem>>) src(%dma_wait3A_93 : memref<32x1000xf32, #tpu.memory_space<hbm>>) dst(%arg6 : memref<32x1000xf32, #tpu.memory_space<vmem>>)
      %scan3A_94 = arith.constant 0 : i32
      %scan3A_95 = arith.constant 0 : i32
      %scan3A_96 = arith.constant 32 : i32
      %scan3A_97 = arith.addi %scan3A_95, %scan3A_96 : i32
      %scan3A_98 = arith.constant 1 : i32
      scf.for %scan3A_652 = %scan3A_95 to %scan3A_97 step %scan3A_98  : i32 {
        %broadcast_in_dim3A_653 = arith.constant 0.000000e+00 : f32
        %broadcast_in_dim3A_654 = vector.broadcast %broadcast_in_dim3A_653 : f32 to vector<16xf32>
        %broadcast_in_dim3A_655 = arith.constant -1.000000e+30 : f32
        %broadcast_in_dim3A_656 = vector.broadcast %broadcast_in_dim3A_655 : f32 to vector<16xf32>
        %get3A_657 = arith.index_cast %scan3A_652 : i32 to index
        %get3A_658 = arith.constant 0 : index
        %get3A_659 = tpu.vector_load %arg6[%get3A_657, %get3A_658] {strides = array<i32>} : memref<32x1000xf32, #tpu.memory_space<vmem>>, vector<16xf32>,
        %exp3A = math.exp %get3A_659 : vector<16xf32>
        %add3A_660 = arith.addf %broadcast_in_dim3A_654, %exp3A : vector<16xf32>
        %max3A_661 = arith.maximumf %broadcast_in_dim3A_656, %get3A_659 : vector<16xf32>
        %get3A_662 = arith.index_cast %scan3A_652 : i32 to index
        %get3A_663 = arith.constant 16 : index
        %get3A_664 = tpu.vector_load %arg6[%get3A_662, %get3A_663] {strides = array<i32>} : memref<32x1000xf32, #tpu.memory_space<vmem>>, vector<16xf32>,
        %exp3A_665 = math.exp %get3A_664 : vector<16xf32>
        %add3A_666 = arith.addf %add3A_660, %exp3A_665 : vector<16xf32>
        %max3A_667 = arith.maximumf %max3A_661, %get3A_664 : vector<16xf32>
        %get3A_668 = arith.index_cast %scan3A_652 : i32 to index
        %get3A_669 = arith.constant 32 : index
        %get3A_670 = tpu.vector_load %arg6[%get3A_668, %get3A_669] {strides = array<i32>} : memref<32x1000xf32, #tpu.memory_space<vmem>>, vector<16xf32>,
        %exp3A_671 = math.exp %get3A_670 : vector<16xf32>
        %add3A_672 = arith.addf %add3A_666, %exp3A_671 : vector<16xf32>
        %max3A_673 = arith.maximumf %max3A_667, %get3A_670 : vector<16xf32>
        %get3A_674 = arith.index_cast %scan3A_652 : i32 to index
        %get3A_675 = arith.constant 48 : index
        %get3A_676 = tpu.vector_load %arg6[%get3A_674, %get3A_675] {strides = array<i32>} : memref<32x1000xf32, #tpu.memory_space<vmem>>, vector<16xf32>,
        %exp3A_677 = math.exp %get3A_676 : vector<16xf32>
        %add3A_678 = arith.addf %add3A_672, %exp3A_677 : vector<16xf32>
        %max3A_679 = arith.maximumf %max3A_673, %get3A_676 : vector<16xf32>
        %get3A_680 = arith.index_cast %scan3A_652 : i32 to index
        %get3A_681 = arith.constant 64 : index
        %get3A_682 = tpu.vector_load %arg6[%get3A_680, %get3A_681] {strides = array<i32>} : memref<32x1000xf32, #tpu.memory_space<vmem>>, vector<16xf32>,
        %exp3A_683 = math.exp %get3A_682 : vector<16xf32>
        %add3A_684 = arith.addf %add3A_678, %exp3A_683 : vector<16xf32>
        %max3A_685 = arith.maximumf %max3A_679, %get3A_682 : vector<16xf32>
        %get3A_686 = arith.index_cast %scan3A_652 : i32 to index
        %get3A_687 = arith.constant 80 : index
        %get3A_688 = tpu.vector_load %arg6[%get3A_686, %get3A_687] {strides = array<i32>} : memref<32x1000xf32, #tpu.memory_space<vmem>>, vector<16xf32>,
        %exp3A_689 = math.exp %get3A_688 : vector<16xf32>
        %add3A_690 = arith.addf %add3A_684, %exp3A_689 : vector<16xf32>
        %max3A_691 = arith.maximumf %max3A_685, %get3A_688 : vector<16xf32>
        %get3A_692 = arith.index_cast %scan3A_652 : i32 to index
        %get3A_693 = arith.constant 96 : index
        %get3A_694 = tpu.vector_load %arg6[%get3A_692, %get3A_693] {strides = array<i32>} : memref<32x1000xf32, #tpu.memory_space<vmem>>, vector<16xf32>,
        %exp3A_695 = math.exp %get3A_694 : vector<16xf32>
        %add3A_696 = arith.addf %add3A_690, %exp3A_695 : vector<16xf32>
        %max3A_697 = arith.maximumf %max3A_691, %get3A_694 : vector<16xf32>
        %get3A_698 = arith.index_cast %scan3A_652 : i32 to index
        %get3A_699 = arith.constant 112 : index
        %get3A_700 = tpu.vector_load %arg6[%get3A_698, %get3A_699] {strides = array<i32>} : memref<32x1000xf32, #tpu.memory_space<vmem>>, vector<16xf32>,
        %exp3A_701 = math.exp %get3A_700 : vector<16xf32>
        %add3A_702 = arith.addf %add3A_696, %exp3A_701 : vector<16xf32>
        %max3A_703 = arith.maximumf %max3A_697, %get3A_700 : vector<16xf32>
        %get3A_704 = arith.index_cast %scan3A_652 : i32 to index
        %get3A_705 = arith.constant 128 : index
        %get3A_706 = tpu.vector_load %arg6[%get3A_704, %get3A_705] {strides = array<i32>} : memref<32x1000xf32, #tpu.memory_space<vmem>>, vector<16xf32>,
        %exp3A_707 = math.exp %get3A_706 : vector<16xf32>
        %add3A_708 = arith.addf %add3A_702, %exp3A_707 : vector<16xf32>
        %max3A_709 = arith.maximumf %max3A_703, %get3A_706 : vector<16xf32>
        %get3A_710 = arith.index_cast %scan3A_652 : i32 to index
        %get3A_711 = arith.constant 144 : index
        %get3A_712 = tpu.vector_load %arg6[%get3A_710, %get3A_711] {strides = array<i32>} : memref<32x1000xf32, #tpu.memory_space<vmem>>, vector<16xf32>,
        %exp3A_713 = math.exp %get3A_712 : vector<16xf32>
        %add3A_714 = arith.addf %add3A_708, %exp3A_713 : vector<16xf32>
        %max3A_715 = arith.maximumf %max3A_709, %get3A_712 : vector<16xf32>
        %get3A_716 = arith.index_cast %scan3A_652 : i32 to index
        %get3A_717 = arith.constant 160 : index
        %get3A_718 = tpu.vector_load %arg6[%get3A_716, %get3A_717] {strides = array<i32>} : memref<32x1000xf32, #tpu.memory_space<vmem>>, vector<16xf32>,
        %exp3A_719 = math.exp %get3A_718 : vector<16xf32>
        %add3A_720 = arith.addf %add3A_714, %exp3A_719 : vector<16xf32>
        %max3A_721 = arith.maximumf %max3A_715, %get3A_718 : vector<16xf32>
        %get3A_722 = arith.index_cast %scan3A_652 : i32 to index
        %get3A_723 = arith.constant 176 : index
        %get3A_724 = tpu.vector_load %arg6[%get3A_722, %get3A_723] {strides = array<i32>} : memref<32x1000xf32, #tpu.memory_space<vmem>>, vector<16xf32>,
        %exp3A_725 = math.exp %get3A_724 : vector<16xf32>
        %add3A_726 = arith.addf %add3A_720, %exp3A_725 : vector<16xf32>
        %max3A_727 = arith.maximumf %max3A_721, %get3A_724 : vector<16xf32>
        %get3A_728 = arith.index_cast %scan3A_652 : i32 to index
        %get3A_729 = arith.constant 192 : index
        %get3A_730 = tpu.vector_load %arg6[%get3A_728, %get3A_729] {strides = array<i32>} : memref<32x1000xf32, #tpu.memory_space<vmem>>, vector<16xf32>,
        %exp3A_731 = math.exp %get3A_730 : vector<16xf32>
        %add3A_732 = arith.addf %add3A_726, %exp3A_731 : vector<16xf32>
        %max3A_733 = arith.maximumf %max3A_727, %get3A_730 : vector<16xf32>
        %get3A_734 = arith.index_cast %scan3A_652 : i32 to index
        %get3A_735 = arith.constant 208 : index
        %get3A_736 = tpu.vector_load %arg6[%get3A_734, %get3A_735] {strides = array<i32>} : memref<32x1000xf32, #tpu.memory_space<vmem>>, vector<16xf32>,
        %exp3A_737 = math.exp %get3A_736 : vector<16xf32>
        %add3A_738 = arith.addf %add3A_732, %exp3A_737 : vector<16xf32>
        %max3A_739 = arith.maximumf %max3A_733, %get3A_736 : vector<16xf32>
        %get3A_740 = arith.index_cast %scan3A_652 : i32 to index
        %get3A_741 = arith.constant 224 : index
        %get3A_742 = tpu.vector_load %arg6[%get3A_740, %get3A_741] {strides = array<i32>} : memref<32x1000xf32, #tpu.memory_space<vmem>>, vector<16xf32>,
        %exp3A_743 = math.exp %get3A_742 : vector<16xf32>
        %add3A_744 = arith.addf %add3A_738, %exp3A_743 : vector<16xf32>
        %max3A_745 = arith.maximumf %max3A_739, %get3A_742 : vector<16xf32>
        %get3A_746 = arith.index_cast %scan3A_652 : i32 to index
        %get3A_747 = arith.constant 240 : index
        %get3A_748 = tpu.vector_load %arg6[%get3A_746, %get3A_747] {strides = array<i32>} : memref<32x1000xf32, #tpu.memory_space<vmem>>, vector<16xf32>,
        %exp3A_749 = math.exp %get3A_748 : vector<16xf32>
        %add3A_750 = arith.addf %add3A_744, %exp3A_749 : vector<16xf32>
        %max3A_751 = arith.maximumf %max3A_745, %get3A_748 : vector<16xf32>
        %get3A_752 = arith.index_cast %scan3A_652 : i32 to index
        %get3A_753 = arith.constant 256 : index
        %get3A_754 = tpu.vector_load %arg6[%get3A_752, %get3A_753] {strides = array<i32>} : memref<32x1000xf32, #tpu.memory_space<vmem>>, vector<16xf32>,
        %exp3A_755 = math.exp %get3A_754 : vector<16xf32>
        %add3A_756 = arith.addf %add3A_750, %exp3A_755 : vector<16xf32>
        %max3A_757 = arith.maximumf %max3A_751, %get3A_754 : vector<16xf32>
        %get3A_758 = arith.index_cast %scan3A_652 : i32 to index
        %get3A_759 = arith.constant 272 : index
        %get3A_760 = tpu.vector_load %arg6[%get3A_758, %get3A_759] {strides = array<i32>} : memref<32x1000xf32, #tpu.memory_space<vmem>>, vector<16xf32>,
        %exp3A_761 = math.exp %get3A_760 : vector<16xf32>
        %add3A_762 = arith.addf %add3A_756, %exp3A_761 : vector<16xf32>
        %max3A_763 = arith.maximumf %max3A_757, %get3A_760 : vector<16xf32>
        %get3A_764 = arith.index_cast %scan3A_652 : i32 to index
        %get3A_765 = arith.constant 288 : index
        %get3A_766 = tpu.vector_load %arg6[%get3A_764, %get3A_765] {strides = array<i32>} : memref<32x1000xf32, #tpu.memory_space<vmem>>, vector<16xf32>,
        %exp3A_767 = math.exp %get3A_766 : vector<16xf32>
        %add3A_768 = arith.addf %add3A_762, %exp3A_767 : vector<16xf32>
        %max3A_769 = arith.maximumf %max3A_763, %get3A_766 : vector<16xf32>
        %get3A_770 = arith.index_cast %scan3A_652 : i32 to index
        %get3A_771 = arith.constant 304 : index
        %get3A_772 = tpu.vector_load %arg6[%get3A_770, %get3A_771] {strides = array<i32>} : memref<32x1000xf32, #tpu.memory_space<vmem>>, vector<16xf32>,
        %exp3A_773 = math.exp %get3A_772 : vector<16xf32>
        %add3A_774 = arith.addf %add3A_768, %exp3A_773 : vector<16xf32>
        %max3A_775 = arith.maximumf %max3A_769, %get3A_772 : vector<16xf32>
        %get3A_776 = arith.index_cast %scan3A_652 : i32 to index
        %get3A_777 = arith.constant 320 : index
        %get3A_778 = tpu.vector_load %arg6[%get3A_776, %get3A_777] {strides = array<i32>} : memref<32x1000xf32, #tpu.memory_space<vmem>>, vector<16xf32>,
        %exp3A_779 = math.exp %get3A_778 : vector<16xf32>
        %add3A_780 = arith.addf %add3A_774, %exp3A_779 : vector<16xf32>
        %max3A_781 = arith.maximumf %max3A_775, %get3A_778 : vector<16xf32>
        %get3A_782 = arith.index_cast %scan3A_652 : i32 to index
        %get3A_783 = arith.constant 336 : index
        %get3A_784 = tpu.vector_load %arg6[%get3A_782, %get3A_783] {strides = array<i32>} : memref<32x1000xf32, #tpu.memory_space<vmem>>, vector<16xf32>,
        %exp3A_785 = math.exp %get3A_784 : vector<16xf32>
        %add3A_786 = arith.addf %add3A_780, %exp3A_785 : vector<16xf32>
        %max3A_787 = arith.maximumf %max3A_781, %get3A_784 : vector<16xf32>
        %get3A_788 = arith.index_cast %scan3A_652 : i32 to index
        %get3A_789 = arith.constant 352 : index
        %get3A_790 = tpu.vector_load %arg6[%get3A_788, %get3A_789] {strides = array<i32>} : memref<32x1000xf32, #tpu.memory_space<vmem>>, vector<16xf32>,
        %exp3A_791 = math.exp %get3A_790 : vector<16xf32>
        %add3A_792 = arith.addf %add3A_786, %exp3A_791 : vector<16xf32>
        %max3A_793 = arith.maximumf %max3A_787, %get3A_790 : vector<16xf32>
        %get3A_794 = arith.index_cast %scan3A_652 : i32 to index
        %get3A_795 = arith.constant 368 : index
        %get3A_796 = tpu.vector_load %arg6[%get3A_794, %get3A_795] {strides = array<i32>} : memref<32x1000xf32, #tpu.memory_space<vmem>>, vector<16xf32>,
        %exp3A_797 = math.exp %get3A_796 : vector<16xf32>
        %add3A_798 = arith.addf %add3A_792, %exp3A_797 : vector<16xf32>
        %max3A_799 = arith.maximumf %max3A_793, %get3A_796 : vector<16xf32>
        %get3A_800 = arith.index_cast %scan3A_652 : i32 to index
        %get3A_801 = arith.constant 384 : index
        %get3A_802 = tpu.vector_load %arg6[%get3A_800, %get3A_801] {strides = array<i32>} : memref<32x1000xf32, #tpu.memory_space<vmem>>, vector<16xf32>,
        %exp3A_803 = math.exp %get3A_802 : vector<16xf32>
        %add3A_804 = arith.addf %add3A_798, %exp3A_803 : vector<16xf32>
        %max3A_805 = arith.maximumf %max3A_799, %get3A_802 : vector<16xf32>
        %get3A_806 = arith.index_cast %scan3A_652 : i32 to index
        %get3A_807 = arith.constant 400 : index
        %get3A_808 = tpu.vector_load %arg6[%get3A_806, %get3A_807] {strides = array<i32>} : memref<32x1000xf32, #tpu.memory_space<vmem>>, vector<16xf32>,
        %exp3A_809 = math.exp %get3A_808 : vector<16xf32>
        %add3A_810 = arith.addf %add3A_804, %exp3A_809 : vector<16xf32>
        %max3A_811 = arith.maximumf %max3A_805, %get3A_808 : vector<16xf32>
        %get3A_812 = arith.index_cast %scan3A_652 : i32 to index
        %get3A_813 = arith.constant 416 : index
        %get3A_814 = tpu.vector_load %arg6[%get3A_812, %get3A_813] {strides = array<i32>} : memref<32x1000xf32, #tpu.memory_space<vmem>>, vector<16xf32>,
        %exp3A_815 = math.exp %get3A_814 : vector<16xf32>
        %add3A_816 = arith.addf %add3A_810, %exp3A_815 : vector<16xf32>
        %max3A_817 = arith.maximumf %max3A_811, %get3A_814 : vector<16xf32>
        %get3A_818 = arith.index_cast %scan3A_652 : i32 to index
        %get3A_819 = arith.constant 432 : index
        %get3A_820 = tpu.vector_load %arg6[%get3A_818, %get3A_819] {strides = array<i32>} : memref<32x1000xf32, #tpu.memory_space<vmem>>, vector<16xf32>,
        %exp3A_821 = math.exp %get3A_820 : vector<16xf32>
        %add3A_822 = arith.addf %add3A_816, %exp3A_821 : vector<16xf32>
        %max3A_823 = arith.maximumf %max3A_817, %get3A_820 : vector<16xf32>
        %get3A_824 = arith.index_cast %scan3A_652 : i32 to index
        %get3A_825 = arith.constant 448 : index
        %get3A_826 = tpu.vector_load %arg6[%get3A_824, %get3A_825] {strides = array<i32>} : memref<32x1000xf32, #tpu.memory_space<vmem>>, vector<16xf32>,
        %exp3A_827 = math.exp %get3A_826 : vector<16xf32>
        %add3A_828 = arith.addf %add3A_822, %exp3A_827 : vector<16xf32>
        %max3A_829 = arith.maximumf %max3A_823, %get3A_826 : vector<16xf32>
        %get3A_830 = arith.index_cast %scan3A_652 : i32 to index
        %get3A_831 = arith.constant 464 : index
        %get3A_832 = tpu.vector_load %arg6[%get3A_830, %get3A_831] {strides = array<i32>} : memref<32x1000xf32, #tpu.memory_space<vmem>>, vector<16xf32>,
        %exp3A_833 = math.exp %get3A_832 : vector<16xf32>
        %add3A_834 = arith.addf %add3A_828, %exp3A_833 : vector<16xf32>
        %max3A_835 = arith.maximumf %max3A_829, %get3A_832 : vector<16xf32>
        %get3A_836 = arith.index_cast %scan3A_652 : i32 to index
        %get3A_837 = arith.constant 480 : index
        %get3A_838 = tpu.vector_load %arg6[%get3A_836, %get3A_837] {strides = array<i32>} : memref<32x1000xf32, #tpu.memory_space<vmem>>, vector<16xf32>,
        %exp3A_839 = math.exp %get3A_838 : vector<16xf32>
        %add3A_840 = arith.addf %add3A_834, %exp3A_839 : vector<16xf32>
        %max3A_841 = arith.maximumf %max3A_835, %get3A_838 : vector<16xf32>
        %get3A_842 = arith.index_cast %scan3A_652 : i32 to index
        %get3A_843 = arith.constant 496 : index
        %get3A_844 = tpu.vector_load %arg6[%get3A_842, %get3A_843] {strides = array<i32>} : memref<32x1000xf32, #tpu.memory_space<vmem>>, vector<16xf32>,
        %exp3A_845 = math.exp %get3A_844 : vector<16xf32>
        %add3A_846 = arith.addf %add3A_840, %exp3A_845 : vector<16xf32>
        %max3A_847 = arith.maximumf %max3A_841, %get3A_844 : vector<16xf32>
        %get3A_848 = arith.index_cast %scan3A_652 : i32 to index
        %get3A_849 = arith.constant 512 : index
        %get3A_850 = tpu.vector_load %arg6[%get3A_848, %get3A_849] {strides = array<i32>} : memref<32x1000xf32, #tpu.memory_space<vmem>>, vector<16xf32>,
        %exp3A_851 = math.exp %get3A_850 : vector<16xf32>
        %add3A_852 = arith.addf %add3A_846, %exp3A_851 : vector<16xf32>
        %max3A_853 = arith.maximumf %max3A_847, %get3A_850 : vector<16xf32>
        %get3A_854 = arith.index_cast %scan3A_652 : i32 to index
        %get3A_855 = arith.constant 528 : index
        %get3A_856 = tpu.vector_load %arg6[%get3A_854, %get3A_855] {strides = array<i32>} : memref<32x1000xf32, #tpu.memory_space<vmem>>, vector<16xf32>,
        %exp3A_857 = math.exp %get3A_856 : vector<16xf32>
        %add3A_858 = arith.addf %add3A_852, %exp3A_857 : vector<16xf32>
        %max3A_859 = arith.maximumf %max3A_853, %get3A_856 : vector<16xf32>
        %get3A_860 = arith.index_cast %scan3A_652 : i32 to index
        %get3A_861 = arith.constant 544 : index
        %get3A_862 = tpu.vector_load %arg6[%get3A_860, %get3A_861] {strides = array<i32>} : memref<32x1000xf32, #tpu.memory_space<vmem>>, vector<16xf32>,
        %exp3A_863 = math.exp %get3A_862 : vector<16xf32>
        %add3A_864 = arith.addf %add3A_858, %exp3A_863 : vector<16xf32>
        %max3A_865 = arith.maximumf %max3A_859, %get3A_862 : vector<16xf32>
        %get3A_866 = arith.index_cast %scan3A_652 : i32 to index
        %get3A_867 = arith.constant 560 : index
        %get3A_868 = tpu.vector_load %arg6[%get3A_866, %get3A_867] {strides = array<i32>} : memref<32x1000xf32, #tpu.memory_space<vmem>>, vector<16xf32>,
        %exp3A_869 = math.exp %get3A_868 : vector<16xf32>
        %add3A_870 = arith.addf %add3A_864, %exp3A_869 : vector<16xf32>
        %max3A_871 = arith.maximumf %max3A_865, %get3A_868 : vector<16xf32>
        %get3A_872 = arith.index_cast %scan3A_652 : i32 to index
        %get3A_873 = arith.constant 576 : index
        %get3A_874 = tpu.vector_load %arg6[%get3A_872, %get3A_873] {strides = array<i32>} : memref<32x1000xf32, #tpu.memory_space<vmem>>, vector<16xf32>,
        %exp3A_875 = math.exp %get3A_874 : vector<16xf32>
        %add3A_876 = arith.addf %add3A_870, %exp3A_875 : vector<16xf32>
        %max3A_877 = arith.maximumf %max3A_871, %get3A_874 : vector<16xf32>
        %get3A_878 = arith.index_cast %scan3A_652 : i32 to index
        %get3A_879 = arith.constant 592 : index
        %get3A_880 = tpu.vector_load %arg6[%get3A_878, %get3A_879] {strides = array<i32>} : memref<32x1000xf32, #tpu.memory_space<vmem>>, vector<16xf32>,
        %exp3A_881 = math.exp %get3A_880 : vector<16xf32>
        %add3A_882 = arith.addf %add3A_876, %exp3A_881 : vector<16xf32>
        %max3A_883 = arith.maximumf %max3A_877, %get3A_880 : vector<16xf32>
        %get3A_884 = arith.index_cast %scan3A_652 : i32 to index
        %get3A_885 = arith.constant 608 : index
        %get3A_886 = tpu.vector_load %arg6[%get3A_884, %get3A_885] {strides = array<i32>} : memref<32x1000xf32, #tpu.memory_space<vmem>>, vector<16xf32>,
        %exp3A_887 = math.exp %get3A_886 : vector<16xf32>
        %add3A_888 = arith.addf %add3A_882, %exp3A_887 : vector<16xf32>
        %max3A_889 = arith.maximumf %max3A_883, %get3A_886 : vector<16xf32>
        %get3A_890 = arith.index_cast %scan3A_652 : i32 to index
        %get3A_891 = arith.constant 624 : index
        %get3A_892 = tpu.vector_load %arg6[%get3A_890, %get3A_891] {strides = array<i32>} : memref<32x1000xf32, #tpu.memory_space<vmem>>, vector<16xf32>,
        %exp3A_893 = math.exp %get3A_892 : vector<16xf32>
        %add3A_894 = arith.addf %add3A_888, %exp3A_893 : vector<16xf32>
        %max3A_895 = arith.maximumf %max3A_889, %get3A_892 : vector<16xf32>
        %get3A_896 = arith.index_cast %scan3A_652 : i32 to index
        %get3A_897 = arith.constant 640 : index
        %get3A_898 = tpu.vector_load %arg6[%get3A_896, %get3A_897] {strides = array<i32>} : memref<32x1000xf32, #tpu.memory_space<vmem>>, vector<16xf32>,
        %exp3A_899 = math.exp %get3A_898 : vector<16xf32>
        %add3A_900 = arith.addf %add3A_894, %exp3A_899 : vector<16xf32>
        %max3A_901 = arith.maximumf %max3A_895, %get3A_898 : vector<16xf32>
        %get3A_902 = arith.index_cast %scan3A_652 : i32 to index
        %get3A_903 = arith.constant 656 : index
        %get3A_904 = tpu.vector_load %arg6[%get3A_902, %get3A_903] {strides = array<i32>} : memref<32x1000xf32, #tpu.memory_space<vmem>>, vector<16xf32>,
        %exp3A_905 = math.exp %get3A_904 : vector<16xf32>
        %add3A_906 = arith.addf %add3A_900, %exp3A_905 : vector<16xf32>
        %max3A_907 = arith.maximumf %max3A_901, %get3A_904 : vector<16xf32>
        %get3A_908 = arith.index_cast %scan3A_652 : i32 to index
        %get3A_909 = arith.constant 672 : index
        %get3A_910 = tpu.vector_load %arg6[%get3A_908, %get3A_909] {strides = array<i32>} : memref<32x1000xf32, #tpu.memory_space<vmem>>, vector<16xf32>,
        %exp3A_911 = math.exp %get3A_910 : vector<16xf32>
        %add3A_912 = arith.addf %add3A_906, %exp3A_911 : vector<16xf32>
        %max3A_913 = arith.maximumf %max3A_907, %get3A_910 : vector<16xf32>
        %get3A_914 = arith.index_cast %scan3A_652 : i32 to index
        %get3A_915 = arith.constant 688 : index
        %get3A_916 = tpu.vector_load %arg6[%get3A_914, %get3A_915] {strides = array<i32>} : memref<32x1000xf32, #tpu.memory_space<vmem>>, vector<16xf32>,
        %exp3A_917 = math.exp %get3A_916 : vector<16xf32>
        %add3A_918 = arith.addf %add3A_912, %exp3A_917 : vector<16xf32>
        %max3A_919 = arith.maximumf %max3A_913, %get3A_916 : vector<16xf32>
        %get3A_920 = arith.index_cast %scan3A_652 : i32 to index
        %get3A_921 = arith.constant 704 : index
        %get3A_922 = tpu.vector_load %arg6[%get3A_920, %get3A_921] {strides = array<i32>} : memref<32x1000xf32, #tpu.memory_space<vmem>>, vector<16xf32>,
        %exp3A_923 = math.exp %get3A_922 : vector<16xf32>
        %add3A_924 = arith.addf %add3A_918, %exp3A_923 : vector<16xf32>
        %max3A_925 = arith.maximumf %max3A_919, %get3A_922 : vector<16xf32>
        %get3A_926 = arith.index_cast %scan3A_652 : i32 to index
        %get3A_927 = arith.constant 720 : index
        %get3A_928 = tpu.vector_load %arg6[%get3A_926, %get3A_927] {strides = array<i32>} : memref<32x1000xf32, #tpu.memory_space<vmem>>, vector<16xf32>,
        %exp3A_929 = math.exp %get3A_928 : vector<16xf32>
        %add3A_930 = arith.addf %add3A_924, %exp3A_929 : vector<16xf32>
        %max3A_931 = arith.maximumf %max3A_925, %get3A_928 : vector<16xf32>
        %get3A_932 = arith.index_cast %scan3A_652 : i32 to index
        %get3A_933 = arith.constant 736 : index
        %get3A_934 = tpu.vector_load %arg6[%get3A_932, %get3A_933] {strides = array<i32>} : memref<32x1000xf32, #tpu.memory_space<vmem>>, vector<16xf32>,
        %exp3A_935 = math.exp %get3A_934 : vector<16xf32>
        %add3A_936 = arith.addf %add3A_930, %exp3A_935 : vector<16xf32>
        %max3A_937 = arith.maximumf %max3A_931, %get3A_934 : vector<16xf32>
        %get3A_938 = arith.index_cast %scan3A_652 : i32 to index
        %get3A_939 = arith.constant 752 : index
        %get3A_940 = tpu.vector_load %arg6[%get3A_938, %get3A_939] {strides = array<i32>} : memref<32x1000xf32, #tpu.memory_space<vmem>>, vector<16xf32>,
        %exp3A_941 = math.exp %get3A_940 : vector<16xf32>
        %add3A_942 = arith.addf %add3A_936, %exp3A_941 : vector<16xf32>
        %max3A_943 = arith.maximumf %max3A_937, %get3A_940 : vector<16xf32>
        %get3A_944 = arith.index_cast %scan3A_652 : i32 to index
        %get3A_945 = arith.constant 768 : index
        %get3A_946 = tpu.vector_load %arg6[%get3A_944, %get3A_945] {strides = array<i32>} : memref<32x1000xf32, #tpu.memory_space<vmem>>, vector<16xf32>,
        %exp3A_947 = math.exp %get3A_946 : vector<16xf32>
        %add3A_948 = arith.addf %add3A_942, %exp3A_947 : vector<16xf32>
        %max3A_949 = arith.maximumf %max3A_943, %get3A_946 : vector<16xf32>
        %get3A_950 = arith.index_cast %scan3A_652 : i32 to index
        %get3A_951 = arith.constant 784 : index
        %get3A_952 = tpu.vector_load %arg6[%get3A_950, %get3A_951] {strides = array<i32>} : memref<32x1000xf32, #tpu.memory_space<vmem>>, vector<16xf32>,
        %exp3A_953 = math.exp %get3A_952 : vector<16xf32>
        %add3A_954 = arith.addf %add3A_948, %exp3A_953 : vector<16xf32>
        %max3A_955 = arith.maximumf %max3A_949, %get3A_952 : vector<16xf32>
        %get3A_956 = arith.index_cast %scan3A_652 : i32 to index
        %get3A_957 = arith.constant 800 : index
        %get3A_958 = tpu.vector_load %arg6[%get3A_956, %get3A_957] {strides = array<i32>} : memref<32x1000xf32, #tpu.memory_space<vmem>>, vector<16xf32>,
        %exp3A_959 = math.exp %get3A_958 : vector<16xf32>
        %add3A_960 = arith.addf %add3A_954, %exp3A_959 : vector<16xf32>
        %max3A_961 = arith.maximumf %max3A_955, %get3A_958 : vector<16xf32>
        %get3A_962 = arith.index_cast %scan3A_652 : i32 to index
        %get3A_963 = arith.constant 816 : index
        %get3A_964 = tpu.vector_load %arg6[%get3A_962, %get3A_963] {strides = array<i32>} : memref<32x1000xf32, #tpu.memory_space<vmem>>, vector<16xf32>,
        %exp3A_965 = math.exp %get3A_964 : vector<16xf32>
        %add3A_966 = arith.addf %add3A_960, %exp3A_965 : vector<16xf32>
        %max3A_967 = arith.maximumf %max3A_961, %get3A_964 : vector<16xf32>
        %get3A_968 = arith.index_cast %scan3A_652 : i32 to index
        %get3A_969 = arith.constant 832 : index
        %get3A_970 = tpu.vector_load %arg6[%get3A_968, %get3A_969] {strides = array<i32>} : memref<32x1000xf32, #tpu.memory_space<vmem>>, vector<16xf32>,
        %exp3A_971 = math.exp %get3A_970 : vector<16xf32>
        %add3A_972 = arith.addf %add3A_966, %exp3A_971 : vector<16xf32>
        %max3A_973 = arith.maximumf %max3A_967, %get3A_970 : vector<16xf32>
        %get3A_974 = arith.index_cast %scan3A_652 : i32 to index
        %get3A_975 = arith.constant 848 : index
        %get3A_976 = tpu.vector_load %arg6[%get3A_974, %get3A_975] {strides = array<i32>} : memref<32x1000xf32, #tpu.memory_space<vmem>>, vector<16xf32>,
        %exp3A_977 = math.exp %get3A_976 : vector<16xf32>
        %add3A_978 = arith.addf %add3A_972, %exp3A_977 : vector<16xf32>
        %max3A_979 = arith.maximumf %max3A_973, %get3A_976 : vector<16xf32>
        %get3A_980 = arith.index_cast %scan3A_652 : i32 to index
        %get3A_981 = arith.constant 864 : index
        %get3A_982 = tpu.vector_load %arg6[%get3A_980, %get3A_981] {strides = array<i32>} : memref<32x1000xf32, #tpu.memory_space<vmem>>, vector<16xf32>,
        %exp3A_983 = math.exp %get3A_982 : vector<16xf32>
        %add3A_984 = arith.addf %add3A_978, %exp3A_983 : vector<16xf32>
        %max3A_985 = arith.maximumf %max3A_979, %get3A_982 : vector<16xf32>
        %get3A_986 = arith.index_cast %scan3A_652 : i32 to index
        %get3A_987 = arith.constant 880 : index
        %get3A_988 = tpu.vector_load %arg6[%get3A_986, %get3A_987] {strides = array<i32>} : memref<32x1000xf32, #tpu.memory_space<vmem>>, vector<16xf32>,
        %exp3A_989 = math.exp %get3A_988 : vector<16xf32>
        %add3A_990 = arith.addf %add3A_984, %exp3A_989 : vector<16xf32>
        %max3A_991 = arith.maximumf %max3A_985, %get3A_988 : vector<16xf32>
        %get3A_992 = arith.index_cast %scan3A_652 : i32 to index
        %get3A_993 = arith.constant 896 : index
        %get3A_994 = tpu.vector_load %arg6[%get3A_992, %get3A_993] {strides = array<i32>} : memref<32x1000xf32, #tpu.memory_space<vmem>>, vector<16xf32>,
        %exp3A_995 = math.exp %get3A_994 : vector<16xf32>
        %add3A_996 = arith.addf %add3A_990, %exp3A_995 : vector<16xf32>
        %max3A_997 = arith.maximumf %max3A_991, %get3A_994 : vector<16xf32>
        %get3A_998 = arith.index_cast %scan3A_652 : i32 to index
        %get3A_999 = arith.constant 912 : index
        %get3A_1000 = tpu.vector_load %arg6[%get3A_998, %get3A_999] {strides = array<i32>} : memref<32x1000xf32, #tpu.memory_space<vmem>>, vector<16xf32>,
        %exp3A_1001 = math.exp %get3A_1000 : vector<16xf32>
        %add3A_1002 = arith.addf %add3A_996, %exp3A_1001 : vector<16xf32>
        %max3A_1003 = arith.maximumf %max3A_997, %get3A_1000 : vector<16xf32>
        %get3A_1004 = arith.index_cast %scan3A_652 : i32 to index
        %get3A_1005 = arith.constant 928 : index
        %get3A_1006 = tpu.vector_load %arg6[%get3A_1004, %get3A_1005] {strides = array<i32>} : memref<32x1000xf32, #tpu.memory_space<vmem>>, vector<16xf32>,
        %exp3A_1007 = math.exp %get3A_1006 : vector<16xf32>
        %add3A_1008 = arith.addf %add3A_1002, %exp3A_1007 : vector<16xf32>
        %max3A_1009 = arith.maximumf %max3A_1003, %get3A_1006 : vector<16xf32>
        %get3A_1010 = arith.index_cast %scan3A_652 : i32 to index
        %get3A_1011 = arith.constant 944 : index
        %get3A_1012 = tpu.vector_load %arg6[%get3A_1010, %get3A_1011] {strides = array<i32>} : memref<32x1000xf32, #tpu.memory_space<vmem>>, vector<16xf32>,
        %exp3A_1013 = math.exp %get3A_1012 : vector<16xf32>
        %add3A_1014 = arith.addf %add3A_1008, %exp3A_1013 : vector<16xf32>
        %max3A_1015 = arith.maximumf %max3A_1009, %get3A_1012 : vector<16xf32>
        %get3A_1016 = arith.index_cast %scan3A_652 : i32 to index
        %get3A_1017 = arith.constant 960 : index
        %get3A_1018 = tpu.vector_load %arg6[%get3A_1016, %get3A_1017] {strides = array<i32>} : memref<32x1000xf32, #tpu.memory_space<vmem>>, vector<16xf32>,
        %exp3A_1019 = math.exp %get3A_1018 : vector<16xf32>
        %add3A_1020 = arith.addf %add3A_1014, %exp3A_1019 : vector<16xf32>
        %max3A_1021 = arith.maximumf %max3A_1015, %get3A_1018 : vector<16xf32>
        %get3A_1022 = arith.index_cast %scan3A_652 : i32 to index
        %get3A_1023 = arith.constant 976 : index
        %get3A_1024 = tpu.vector_load %arg6[%get3A_1022, %get3A_1023] {strides = array<i32>} : memref<32x1000xf32, #tpu.memory_space<vmem>>, vector<16xf32>,
        %exp3A_1025 = math.exp %get3A_1024 : vector<16xf32>
        %add3A_1026 = arith.addf %add3A_1020, %exp3A_1025 : vector<16xf32>
        %max3A_1027 = arith.maximumf %max3A_1021, %get3A_1024 : vector<16xf32>
        %get3A_1028 = arith.index_cast %scan3A_652 : i32 to index
        %get3A_1029 = arith.constant 984 : index
        %get3A_1030 = tpu.vector_load %arg6[%get3A_1028, %get3A_1029] {strides = array<i32>} : memref<32x1000xf32, #tpu.memory_space<vmem>>, vector<16xf32>,
        %exp3A_1031 = math.exp %get3A_1030 : vector<16xf32>
        %jit3A_1032 = arith.constant 0.000000e+00 : f32
        %broadcast_in_dim3A_1033 = vector.broadcast %jit3A_1032 : f32 to vector<16xf32>
        %select_n3A_1034 = arith.select %ge3A_4, %exp3A_1031, %broadcast_in_dim3A_1033 : vector<16xi1>, vector<16xf32>
        %add3A_1035 = arith.addf %add3A_1026, %select_n3A_1034 : vector<16xf32>
        %jit3A_1036 = arith.constant -1.000000e+30 : f32
        %broadcast_in_dim3A_1037 = vector.broadcast %jit3A_1036 : f32 to vector<16xf32>
        %select_n3A_1038 = arith.select %ge3A_4, %get3A_1030, %broadcast_in_dim3A_1037 : vector<16xi1>, vector<16xf32>
        %max3A_1039 = arith.maximumf %max3A_1027, %select_n3A_1038 : vector<16xf32>
        %mul3A_1040 = arith.constant 16 : i32
        %mul3A_1041 = arith.muli %scan3A_652, %mul3A_1040 : i32
        %swap3A_1042 = arith.index_cast %mul3A_1041 : i32 to index
        %swap3A_1043 = tpu.vector_load %arg11[%swap3A_1042] {strides = array<i32>} : memref<512xf32, #tpu.memory_space<vmem>>, vector<16xf32>,
        tpu.vector_store %arg11[%swap3A_1042], %add3A_1035 {strides = array<i32>} : memref<512xf32, #tpu.memory_space<vmem>>, vector<16xf32>,
        %mul3A_1044 = arith.constant 16 : i32
        %mul3A_1045 = arith.muli %scan3A_652, %mul3A_1044 : i32
        %swap3A_1046 = arith.index_cast %mul3A_1045 : i32 to index
        %swap3A_1047 = tpu.vector_load %arg12[%swap3A_1046] {strides = array<i32>} : memref<512xf32, #tpu.memory_space<vmem>>, vector<16xf32>,
        tpu.vector_store %arg12[%swap3A_1046], %max3A_1039 {strides = array<i32>} : memref<512xf32, #tpu.memory_space<vmem>>, vector<16xf32>,
      }
      %scan3A_99 = arith.constant 32 : i32
      %add3A_100 = arith.constant 0 : i32
      %add3A_101 = vector.broadcast %add3A_100 : i32 to vector<16xi32>
      %add3A_102 = arith.addi %add3A_101, %iota3A : vector<16xi32>
      %mul3A_103 = arith.constant 32 : i32
      %mul3A_104 = arith.muli %scan3A_84, %mul3A_103 : i32
      %add3A_105 = arith.constant 0 : i32
      %add3A_106 = arith.addi %mul3A_104, %add3A_105 : i32
      %get3A = arith.index_cast %add3A_106 : i32 to index
      %get3A_107 = tpu.vector_load %arg8[%get3A] {strides = array<i32>} : memref<512xi32, #tpu.memory_space<vmem>>, vector<16xi32>,
      %gather3A = tpu.vector_load_idx %arg6[%add3A_102, %get3A_107] : memref<32x1000xf32, #tpu.memory_space<vmem>>[vector<16xi32>, vector<16xi32>], vector<16xf32>,
      %broadcast_in_dim3A = arith.constant 0.000000e+00 : f32
      %broadcast_in_dim3A_108 = vector.broadcast %broadcast_in_dim3A : f32 to vector<16xf32>
      %broadcast_in_dim3A_109 = arith.constant -1.000000e+30 : f32
      %broadcast_in_dim3A_110 = vector.broadcast %broadcast_in_dim3A_109 : f32 to vector<16xf32>
      %mul3A_111 = arith.constant 16 : i32
      %mul3A_112 = vector.broadcast %mul3A_111 : i32 to vector<16xi32>
      %mul3A_113 = arith.muli %add3A_102, %mul3A_112 : vector<16xi32>
      %add3A_114 = arith.constant 0 : i32
      %add3A_115 = vector.broadcast %add3A_114 : i32 to vector<16xi32>
      %add3A_116 = arith.addi %mul3A_113, %add3A_115 : vector<16xi32>
      %gather3A_117 = tpu.vector_load_idx %arg11[%add3A_116] : memref<512xf32, #tpu.memory_space<vmem>>[vector<16xi32>], vector<16xf32>,
      %add3A_118 = arith.addf %broadcast_in_dim3A_108, %gather3A_117 : vector<16xf32>
      %mul3A_119 = arith.constant 16 : i32
      %mul3A_120 = vector.broadcast %mul3A_119 : i32 to vector<16xi32>
      %mul3A_121 = arith.muli %add3A_102, %mul3A_120 : vector<16xi32>
      %add3A_122 = arith.constant 0 : i32
      %add3A_123 = vector.broadcast %add3A_122 : i32 to vector<16xi32>
      %add3A_124 = arith.addi %mul3A_121, %add3A_123 : vector<16xi32>
      %gather3A_125 = tpu.vector_load_idx %arg12[%add3A_124] : memref<512xf32, #tpu.memory_space<vmem>>[vector<16xi32>], vector<16xf32>,
      %max3A = arith.maximumf %broadcast_in_dim3A_110, %gather3A_125 : vector<16xf32>
      %mul3A_126 = arith.constant 16 : i32
      %mul3A_127 = vector.broadcast %mul3A_126 : i32 to vector<16xi32>
      %mul3A_128 = arith.muli %add3A_102, %mul3A_127 : vector<16xi32>
      %add3A_129 = arith.constant 1 : i32
      %add3A_130 = vector.broadcast %add3A_129 : i32 to vector<16xi32>
      %add3A_131 = arith.addi %mul3A_128, %add3A_130 : vector<16xi32>
      %gather3A_132 = tpu.vector_load_idx %arg11[%add3A_131] : memref<512xf32, #tpu.memory_space<vmem>>[vector<16xi32>], vector<16xf32>,
      %add3A_133 = arith.addf %add3A_118, %gather3A_132 : vector<16xf32>
      %mul3A_134 = arith.constant 16 : i32
      %mul3A_135 = vector.broadcast %mul3A_134 : i32 to vector<16xi32>
      %mul3A_136 = arith.muli %add3A_102, %mul3A_135 : vector<16xi32>
      %add3A_137 = arith.constant 1 : i32
      %add3A_138 = vector.broadcast %add3A_137 : i32 to vector<16xi32>
      %add3A_139 = arith.addi %mul3A_136, %add3A_138 : vector<16xi32>
      %gather3A_140 = tpu.vector_load_idx %arg12[%add3A_139] : memref<512xf32, #tpu.memory_space<vmem>>[vector<16xi32>], vector<16xf32>,
      %max3A_141 = arith.maximumf %max3A, %gather3A_140 : vector<16xf32>
      %mul3A_142 = arith.constant 16 : i32
      %mul3A_143 = vector.broadcast %mul3A_142 : i32 to vector<16xi32>
      %mul3A_144 = arith.muli %add3A_102, %mul3A_143 : vector<16xi32>
      %add3A_145 = arith.constant 2 : i32
      %add3A_146 = vector.broadcast %add3A_145 : i32 to vector<16xi32>
      %add3A_147 = arith.addi %mul3A_144, %add3A_146 : vector<16xi32>
      %gather3A_148 = tpu.vector_load_idx %arg11[%add3A_147] : memref<512xf32, #tpu.memory_space<vmem>>[vector<16xi32>], vector<16xf32>,
      %add3A_149 = arith.addf %add3A_133, %gather3A_148 : vector<16xf32>
      %mul3A_150 = arith.constant 16 : i32
      %mul3A_151 = vector.broadcast %mul3A_150 : i32 to vector<16xi32>
      %mul3A_152 = arith.muli %add3A_102, %mul3A_151 : vector<16xi32>
      %add3A_153 = arith.constant 2 : i32
      %add3A_154 = vector.broadcast %add3A_153 : i32 to vector<16xi32>
      %add3A_155 = arith.addi %mul3A_152, %add3A_154 : vector<16xi32>
      %gather3A_156 = tpu.vector_load_idx %arg12[%add3A_155] : memref<512xf32, #tpu.memory_space<vmem>>[vector<16xi32>], vector<16xf32>,
      %max3A_157 = arith.maximumf %max3A_141, %gather3A_156 : vector<16xf32>
      %mul3A_158 = arith.constant 16 : i32
      %mul3A_159 = vector.broadcast %mul3A_158 : i32 to vector<16xi32>
      %mul3A_160 = arith.muli %add3A_102, %mul3A_159 : vector<16xi32>
      %add3A_161 = arith.constant 3 : i32
      %add3A_162 = vector.broadcast %add3A_161 : i32 to vector<16xi32>
      %add3A_163 = arith.addi %mul3A_160, %add3A_162 : vector<16xi32>
      %gather3A_164 = tpu.vector_load_idx %arg11[%add3A_163] : memref<512xf32, #tpu.memory_space<vmem>>[vector<16xi32>], vector<16xf32>,
      %add3A_165 = arith.addf %add3A_149, %gather3A_164 : vector<16xf32>
      %mul3A_166 = arith.constant 16 : i32
      %mul3A_167 = vector.broadcast %mul3A_166 : i32 to vector<16xi32>
      %mul3A_168 = arith.muli %add3A_102, %mul3A_167 : vector<16xi32>
      %add3A_169 = arith.constant 3 : i32
      %add3A_170 = vector.broadcast %add3A_169 : i32 to vector<16xi32>
      %add3A_171 = arith.addi %mul3A_168, %add3A_170 : vector<16xi32>
      %gather3A_172 = tpu.vector_load_idx %arg12[%add3A_171] : memref<512xf32, #tpu.memory_space<vmem>>[vector<16xi32>], vector<16xf32>,
      %max3A_173 = arith.maximumf %max3A_157, %gather3A_172 : vector<16xf32>
      %mul3A_174 = arith.constant 16 : i32
      %mul3A_175 = vector.broadcast %mul3A_174 : i32 to vector<16xi32>
      %mul3A_176 = arith.muli %add3A_102, %mul3A_175 : vector<16xi32>
      %add3A_177 = arith.constant 4 : i32
      %add3A_178 = vector.broadcast %add3A_177 : i32 to vector<16xi32>
      %add3A_179 = arith.addi %mul3A_176, %add3A_178 : vector<16xi32>
      %gather3A_180 = tpu.vector_load_idx %arg11[%add3A_179] : memref<512xf32, #tpu.memory_space<vmem>>[vector<16xi32>], vector<16xf32>,
      %add3A_181 = arith.addf %add3A_165, %gather3A_180 : vector<16xf32>
      %mul3A_182 = arith.constant 16 : i32
      %mul3A_183 = vector.broadcast %mul3A_182 : i32 to vector<16xi32>
      %mul3A_184 = arith.muli %add3A_102, %mul3A_183 : vector<16xi32>
      %add3A_185 = arith.constant 4 : i32
      %add3A_186 = vector.broadcast %add3A_185 : i32 to vector<16xi32>
      %add3A_187 = arith.addi %mul3A_184, %add3A_186 : vector<16xi32>
      %gather3A_188 = tpu.vector_load_idx %arg12[%add3A_187] : memref<512xf32, #tpu.memory_space<vmem>>[vector<16xi32>], vector<16xf32>,
      %max3A_189 = arith.maximumf %max3A_173, %gather3A_188 : vector<16xf32>
      %mul3A_190 = arith.constant 16 : i32
      %mul3A_191 = vector.broadcast %mul3A_190 : i32 to vector<16xi32>
      %mul3A_192 = arith.muli %add3A_102, %mul3A_191 : vector<16xi32>
      %add3A_193 = arith.constant 5 : i32
      %add3A_194 = vector.broadcast %add3A_193 : i32 to vector<16xi32>
      %add3A_195 = arith.addi %mul3A_192, %add3A_194 : vector<16xi32>
      %gather3A_196 = tpu.vector_load_idx %arg11[%add3A_195] : memref<512xf32, #tpu.memory_space<vmem>>[vector<16xi32>], vector<16xf32>,
      %add3A_197 = arith.addf %add3A_181, %gather3A_196 : vector<16xf32>
      %mul3A_198 = arith.constant 16 : i32
      %mul3A_199 = vector.broadcast %mul3A_198 : i32 to vector<16xi32>
      %mul3A_200 = arith.muli %add3A_102, %mul3A_199 : vector<16xi32>
      %add3A_201 = arith.constant 5 : i32
      %add3A_202 = vector.broadcast %add3A_201 : i32 to vector<16xi32>
      %add3A_203 = arith.addi %mul3A_200, %add3A_202 : vector<16xi32>
      %gather3A_204 = tpu.vector_load_idx %arg12[%add3A_203] : memref<512xf32, #tpu.memory_space<vmem>>[vector<16xi32>], vector<16xf32>,
      %max3A_205 = arith.maximumf %max3A_189, %gather3A_204 : vector<16xf32>
      %mul3A_206 = arith.constant 16 : i32
      %mul3A_207 = vector.broadcast %mul3A_206 : i32 to vector<16xi32>
      %mul3A_208 = arith.muli %add3A_102, %mul3A_207 : vector<16xi32>
      %add3A_209 = arith.constant 6 : i32
      %add3A_210 = vector.broadcast %add3A_209 : i32 to vector<16xi32>
      %add3A_211 = arith.addi %mul3A_208, %add3A_210 : vector<16xi32>
      %gather3A_212 = tpu.vector_load_idx %arg11[%add3A_211] : memref<512xf32, #tpu.memory_space<vmem>>[vector<16xi32>], vector<16xf32>,
      %add3A_213 = arith.addf %add3A_197, %gather3A_212 : vector<16xf32>
      %mul3A_214 = arith.constant 16 : i32
      %mul3A_215 = vector.broadcast %mul3A_214 : i32 to vector<16xi32>
      %mul3A_216 = arith.muli %add3A_102, %mul3A_215 : vector<16xi32>
      %add3A_217 = arith.constant 6 : i32
      %add3A_218 = vector.broadcast %add3A_217 : i32 to vector<16xi32>
      %add3A_219 = arith.addi %mul3A_216, %add3A_218 : vector<16xi32>
      %gather3A_220 = tpu.vector_load_idx %arg12[%add3A_219] : memref<512xf32, #tpu.memory_space<vmem>>[vector<16xi32>], vector<16xf32>,
      %max3A_221 = arith.maximumf %max3A_205, %gather3A_220 : vector<16xf32>
      %mul3A_222 = arith.constant 16 : i32
      %mul3A_223 = vector.broadcast %mul3A_222 : i32 to vector<16xi32>
      %mul3A_224 = arith.muli %add3A_102, %mul3A_223 : vector<16xi32>
      %add3A_225 = arith.constant 7 : i32
      %add3A_226 = vector.broadcast %add3A_225 : i32 to vector<16xi32>
      %add3A_227 = arith.addi %mul3A_224, %add3A_226 : vector<16xi32>
      %gather3A_228 = tpu.vector_load_idx %arg11[%add3A_227] : memref<512xf32, #tpu.memory_space<vmem>>[vector<16xi32>], vector<16xf32>,
      %add3A_229 = arith.addf %add3A_213, %gather3A_228 : vector<16xf32>
      %mul3A_230 = arith.constant 16 : i32
      %mul3A_231 = vector.broadcast %mul3A_230 : i32 to vector<16xi32>
      %mul3A_232 = arith.muli %add3A_102, %mul3A_231 : vector<16xi32>
      %add3A_233 = arith.constant 7 : i32
      %add3A_234 = vector.broadcast %add3A_233 : i32 to vector<16xi32>
      %add3A_235 = arith.addi %mul3A_232, %add3A_234 : vector<16xi32>
      %gather3A_236 = tpu.vector_load_idx %arg12[%add3A_235] : memref<512xf32, #tpu.memory_space<vmem>>[vector<16xi32>], vector<16xf32>,
      %max3A_237 = arith.maximumf %max3A_221, %gather3A_236 : vector<16xf32>
      %mul3A_238 = arith.constant 16 : i32
      %mul3A_239 = vector.broadcast %mul3A_238 : i32 to vector<16xi32>
      %mul3A_240 = arith.muli %add3A_102, %mul3A_239 : vector<16xi32>
      %add3A_241 = arith.constant 8 : i32
      %add3A_242 = vector.broadcast %add3A_241 : i32 to vector<16xi32>
      %add3A_243 = arith.addi %mul3A_240, %add3A_242 : vector<16xi32>
      %gather3A_244 = tpu.vector_load_idx %arg11[%add3A_243] : memref<512xf32, #tpu.memory_space<vmem>>[vector<16xi32>], vector<16xf32>,
      %add3A_245 = arith.addf %add3A_229, %gather3A_244 : vector<16xf32>
      %mul3A_246 = arith.constant 16 : i32
      %mul3A_247 = vector.broadcast %mul3A_246 : i32 to vector<16xi32>
      %mul3A_248 = arith.muli %add3A_102, %mul3A_247 : vector<16xi32>
      %add3A_249 = arith.constant 8 : i32
      %add3A_250 = vector.broadcast %add3A_249 : i32 to vector<16xi32>
      %add3A_251 = arith.addi %mul3A_248, %add3A_250 : vector<16xi32>
      %gather3A_252 = tpu.vector_load_idx %arg12[%add3A_251] : memref<512xf32, #tpu.memory_space<vmem>>[vector<16xi32>], vector<16xf32>,
      %max3A_253 = arith.maximumf %max3A_237, %gather3A_252 : vector<16xf32>
      %mul3A_254 = arith.constant 16 : i32
      %mul3A_255 = vector.broadcast %mul3A_254 : i32 to vector<16xi32>
      %mul3A_256 = arith.muli %add3A_102, %mul3A_255 : vector<16xi32>
      %add3A_257 = arith.constant 9 : i32
      %add3A_258 = vector.broadcast %add3A_257 : i32 to vector<16xi32>
      %add3A_259 = arith.addi %mul3A_256, %add3A_258 : vector<16xi32>
      %gather3A_260 = tpu.vector_load_idx %arg11[%add3A_259] : memref<512xf32, #tpu.memory_space<vmem>>[vector<16xi32>], vector<16xf32>,
      %add3A_261 = arith.addf %add3A_245, %gather3A_260 : vector<16xf32>
      %mul3A_262 = arith.constant 16 : i32
      %mul3A_263 = vector.broadcast %mul3A_262 : i32 to vector<16xi32>
      %mul3A_264 = arith.muli %add3A_102, %mul3A_263 : vector<16xi32>
      %add3A_265 = arith.constant 9 : i32
      %add3A_266 = vector.broadcast %add3A_265 : i32 to vector<16xi32>
      %add3A_267 = arith.addi %mul3A_264, %add3A_266 : vector<16xi32>
      %gather3A_268 = tpu.vector_load_idx %arg12[%add3A_267] : memref<512xf32, #tpu.memory_space<vmem>>[vector<16xi32>], vector<16xf32>,
      %max3A_269 = arith.maximumf %max3A_253, %gather3A_268 : vector<16xf32>
      %mul3A_270 = arith.constant 16 : i32
      %mul3A_271 = vector.broadcast %mul3A_270 : i32 to vector<16xi32>
      %mul3A_272 = arith.muli %add3A_102, %mul3A_271 : vector<16xi32>
      %add3A_273 = arith.constant 10 : i32
      %add3A_274 = vector.broadcast %add3A_273 : i32 to vector<16xi32>
      %add3A_275 = arith.addi %mul3A_272, %add3A_274 : vector<16xi32>
      %gather3A_276 = tpu.vector_load_idx %arg11[%add3A_275] : memref<512xf32, #tpu.memory_space<vmem>>[vector<16xi32>], vector<16xf32>,
      %add3A_277 = arith.addf %add3A_261, %gather3A_276 : vector<16xf32>
      %mul3A_278 = arith.constant 16 : i32
      %mul3A_279 = vector.broadcast %mul3A_278 : i32 to vector<16xi32>
      %mul3A_280 = arith.muli %add3A_102, %mul3A_279 : vector<16xi32>
      %add3A_281 = arith.constant 10 : i32
      %add3A_282 = vector.broadcast %add3A_281 : i32 to vector<16xi32>
      %add3A_283 = arith.addi %mul3A_280, %add3A_282 : vector<16xi32>
      %gather3A_284 = tpu.vector_load_idx %arg12[%add3A_283] : memref<512xf32, #tpu.memory_space<vmem>>[vector<16xi32>], vector<16xf32>,
      %max3A_285 = arith.maximumf %max3A_269, %gather3A_284 : vector<16xf32>
      %mul3A_286 = arith.constant 16 : i32
      %mul3A_287 = vector.broadcast %mul3A_286 : i32 to vector<16xi32>
      %mul3A_288 = arith.muli %add3A_102, %mul3A_287 : vector<16xi32>
      %add3A_289 = arith.constant 11 : i32
      %add3A_290 = vector.broadcast %add3A_289 : i32 to vector<16xi32>
      %add3A_291 = arith.addi %mul3A_288, %add3A_290 : vector<16xi32>
      %gather3A_292 = tpu.vector_load_idx %arg11[%add3A_291] : memref<512xf32, #tpu.memory_space<vmem>>[vector<16xi32>], vector<16xf32>,
      %add3A_293 = arith.addf %add3A_277, %gather3A_292 : vector<16xf32>
      %mul3A_294 = arith.constant 16 : i32
      %mul3A_295 = vector.broadcast %mul3A_294 : i32 to vector<16xi32>
      %mul3A_296 = arith.muli %add3A_102, %mul3A_295 : vector<16xi32>
      %add3A_297 = arith.constant 11 : i32
      %add3A_298 = vector.broadcast %add3A_297 : i32 to vector<16xi32>
      %add3A_299 = arith.addi %mul3A_296, %add3A_298 : vector<16xi32>
      %gather3A_300 = tpu.vector_load_idx %arg12[%add3A_299] : memref<512xf32, #tpu.memory_space<vmem>>[vector<16xi32>], vector<16xf32>,
      %max3A_301 = arith.maximumf %max3A_285, %gather3A_300 : vector<16xf32>
      %mul3A_302 = arith.constant 16 : i32
      %mul3A_303 = vector.broadcast %mul3A_302 : i32 to vector<16xi32>
      %mul3A_304 = arith.muli %add3A_102, %mul3A_303 : vector<16xi32>
      %add3A_305 = arith.constant 12 : i32
      %add3A_306 = vector.broadcast %add3A_305 : i32 to vector<16xi32>
      %add3A_307 = arith.addi %mul3A_304, %add3A_306 : vector<16xi32>
      %gather3A_308 = tpu.vector_load_idx %arg11[%add3A_307] : memref<512xf32, #tpu.memory_space<vmem>>[vector<16xi32>], vector<16xf32>,
      %add3A_309 = arith.addf %add3A_293, %gather3A_308 : vector<16xf32>
      %mul3A_310 = arith.constant 16 : i32
      %mul3A_311 = vector.broadcast %mul3A_310 : i32 to vector<16xi32>
      %mul3A_312 = arith.muli %add3A_102, %mul3A_311 : vector<16xi32>
      %add3A_313 = arith.constant 12 : i32
      %add3A_314 = vector.broadcast %add3A_313 : i32 to vector<16xi32>
      %add3A_315 = arith.addi %mul3A_312, %add3A_314 : vector<16xi32>
      %gather3A_316 = tpu.vector_load_idx %arg12[%add3A_315] : memref<512xf32, #tpu.memory_space<vmem>>[vector<16xi32>], vector<16xf32>,
      %max3A_317 = arith.maximumf %max3A_301, %gather3A_316 : vector<16xf32>
      %mul3A_318 = arith.constant 16 : i32
      %mul3A_319 = vector.broadcast %mul3A_318 : i32 to vector<16xi32>
      %mul3A_320 = arith.muli %add3A_102, %mul3A_319 : vector<16xi32>
      %add3A_321 = arith.constant 13 : i32
      %add3A_322 = vector.broadcast %add3A_321 : i32 to vector<16xi32>
      %add3A_323 = arith.addi %mul3A_320, %add3A_322 : vector<16xi32>
      %gather3A_324 = tpu.vector_load_idx %arg11[%add3A_323] : memref<512xf32, #tpu.memory_space<vmem>>[vector<16xi32>], vector<16xf32>,
      %add3A_325 = arith.addf %add3A_309, %gather3A_324 : vector<16xf32>
      %mul3A_326 = arith.constant 16 : i32
      %mul3A_327 = vector.broadcast %mul3A_326 : i32 to vector<16xi32>
      %mul3A_328 = arith.muli %add3A_102, %mul3A_327 : vector<16xi32>
      %add3A_329 = arith.constant 13 : i32
      %add3A_330 = vector.broadcast %add3A_329 : i32 to vector<16xi32>
      %add3A_331 = arith.addi %mul3A_328, %add3A_330 : vector<16xi32>
      %gather3A_332 = tpu.vector_load_idx %arg12[%add3A_331] : memref<512xf32, #tpu.memory_space<vmem>>[vector<16xi32>], vector<16xf32>,
      %max3A_333 = arith.maximumf %max3A_317, %gather3A_332 : vector<16xf32>
      %mul3A_334 = arith.constant 16 : i32
      %mul3A_335 = vector.broadcast %mul3A_334 : i32 to vector<16xi32>
      %mul3A_336 = arith.muli %add3A_102, %mul3A_335 : vector<16xi32>
      %add3A_337 = arith.constant 14 : i32
      %add3A_338 = vector.broadcast %add3A_337 : i32 to vector<16xi32>
      %add3A_339 = arith.addi %mul3A_336, %add3A_338 : vector<16xi32>
      %gather3A_340 = tpu.vector_load_idx %arg11[%add3A_339] : memref<512xf32, #tpu.memory_space<vmem>>[vector<16xi32>], vector<16xf32>,
      %add3A_341 = arith.addf %add3A_325, %gather3A_340 : vector<16xf32>
      %mul3A_342 = arith.constant 16 : i32
      %mul3A_343 = vector.broadcast %mul3A_342 : i32 to vector<16xi32>
      %mul3A_344 = arith.muli %add3A_102, %mul3A_343 : vector<16xi32>
      %add3A_345 = arith.constant 14 : i32
      %add3A_346 = vector.broadcast %add3A_345 : i32 to vector<16xi32>
      %add3A_347 = arith.addi %mul3A_344, %add3A_346 : vector<16xi32>
      %gather3A_348 = tpu.vector_load_idx %arg12[%add3A_347] : memref<512xf32, #tpu.memory_space<vmem>>[vector<16xi32>], vector<16xf32>,
      %max3A_349 = arith.maximumf %max3A_333, %gather3A_348 : vector<16xf32>
      %mul3A_350 = arith.constant 16 : i32
      %mul3A_351 = vector.broadcast %mul3A_350 : i32 to vector<16xi32>
      %mul3A_352 = arith.muli %add3A_102, %mul3A_351 : vector<16xi32>
      %add3A_353 = arith.constant 15 : i32
      %add3A_354 = vector.broadcast %add3A_353 : i32 to vector<16xi32>
      %add3A_355 = arith.addi %mul3A_352, %add3A_354 : vector<16xi32>
      %gather3A_356 = tpu.vector_load_idx %arg11[%add3A_355] : memref<512xf32, #tpu.memory_space<vmem>>[vector<16xi32>], vector<16xf32>,
      %add3A_357 = arith.addf %add3A_341, %gather3A_356 : vector<16xf32>
      %mul3A_358 = arith.constant 16 : i32
      %mul3A_359 = vector.broadcast %mul3A_358 : i32 to vector<16xi32>
      %mul3A_360 = arith.muli %add3A_102, %mul3A_359 : vector<16xi32>
      %add3A_361 = arith.constant 15 : i32
      %add3A_362 = vector.broadcast %add3A_361 : i32 to vector<16xi32>
      %add3A_363 = arith.addi %mul3A_360, %add3A_362 : vector<16xi32>
      %gather3A_364 = tpu.vector_load_idx %arg12[%add3A_363] : memref<512xf32, #tpu.memory_space<vmem>>[vector<16xi32>], vector<16xf32>,
      %max3A_365 = arith.maximumf %max3A_349, %gather3A_364 : vector<16xf32>
      %lt3A_366 = arith.cmpf olt, %gather3A, %max3A_365 : vector<16xf32>
      %neg3A = arith.constant 0.000000e+00 : f32
      %neg3A_367 = vector.broadcast %neg3A : f32 to vector<16xf32>
      %neg3A_368 = arith.subf %neg3A_367, %add3A_357 : vector<16xf32>
      %select_n3A_369 = arith.select %lt3A_366, %add3A_357, %neg3A_368 : vector<16xi1>, vector<16xf32>
      %swap3A = arith.index_cast %add3A_106 : i32 to index
      %swap3A_370 = tpu.vector_load %arg9[%swap3A] {strides = array<i32>} : memref<512xf32, #tpu.memory_space<vmem>>, vector<16xf32>,
      tpu.vector_store %arg9[%swap3A], %select_n3A_369 {strides = array<i32>} : memref<512xf32, #tpu.memory_space<vmem>>, vector<16xf32>,
      %swap3A_371 = arith.index_cast %add3A_106 : i32 to index
      %swap3A_372 = tpu.vector_load %arg10[%swap3A_371] {strides = array<i32>} : memref<512xf32, #tpu.memory_space<vmem>>, vector<16xf32>,
      tpu.vector_store %arg10[%swap3A_371], %gather3A {strides = array<i32>} : memref<512xf32, #tpu.memory_space<vmem>>, vector<16xf32>,
      %add3A_373 = arith.constant 16 : i32
      %add3A_374 = vector.broadcast %add3A_373 : i32 to vector<16xi32>
      %add3A_375 = arith.addi %add3A_374, %iota3A : vector<16xi32>
      %mul3A_376 = arith.constant 32 : i32
      %mul3A_377 = arith.muli %scan3A_84, %mul3A_376 : i32
      %add3A_378 = arith.constant 16 : i32
      %add3A_379 = arith.addi %mul3A_377, %add3A_378 : i32
      %get3A_380 = arith.index_cast %add3A_379 : i32 to index
      %get3A_381 = tpu.vector_load %arg8[%get3A_380] {strides = array<i32>} : memref<512xi32, #tpu.memory_space<vmem>>, vector<16xi32>,
      %gather3A_382 = tpu.vector_load_idx %arg6[%add3A_375, %get3A_381] : memref<32x1000xf32, #tpu.memory_space<vmem>>[vector<16xi32>, vector<16xi32>], vector<16xf32>,
      %broadcast_in_dim3A_383 = arith.constant 0.000000e+00 : f32
      %broadcast_in_dim3A_384 = vector.broadcast %broadcast_in_dim3A_383 : f32 to vector<16xf32>
      %broadcast_in_dim3A_385 = arith.constant -1.000000e+30 : f32
      %broadcast_in_dim3A_386 = vector.broadcast %broadcast_in_dim3A_385 : f32 to vector<16xf32>
      %mul3A_387 = arith.constant 16 : i32
      %mul3A_388 = vector.broadcast %mul3A_387 : i32 to vector<16xi32>
      %mul3A_389 = arith.muli %add3A_375, %mul3A_388 : vector<16xi32>
      %add3A_390 = arith.constant 0 : i32
      %add3A_391 = vector.broadcast %add3A_390 : i32 to vector<16xi32>
      %add3A_392 = arith.addi %mul3A_389, %add3A_391 : vector<16xi32>
      %gather3A_393 = tpu.vector_load_idx %arg11[%add3A_392] : memref<512xf32, #tpu.memory_space<vmem>>[vector<16xi32>], vector<16xf32>,
      %add3A_394 = arith.addf %broadcast_in_dim3A_384, %gather3A_393 : vector<16xf32>
      %mul3A_395 = arith.constant 16 : i32
      %mul3A_396 = vector.broadcast %mul3A_395 : i32 to vector<16xi32>
      %mul3A_397 = arith.muli %add3A_375, %mul3A_396 : vector<16xi32>
      %add3A_398 = arith.constant 0 : i32
      %add3A_399 = vector.broadcast %add3A_398 : i32 to vector<16xi32>
      %add3A_400 = arith.addi %mul3A_397, %add3A_399 : vector<16xi32>
      %gather3A_401 = tpu.vector_load_idx %arg12[%add3A_400] : memref<512xf32, #tpu.memory_space<vmem>>[vector<16xi32>], vector<16xf32>,
      %max3A_402 = arith.maximumf %broadcast_in_dim3A_386, %gather3A_401 : vector<16xf32>
      %mul3A_403 = arith.constant 16 : i32
      %mul3A_404 = vector.broadcast %mul3A_403 : i32 to vector<16xi32>
      %mul3A_405 = arith.muli %add3A_375, %mul3A_404 : vector<16xi32>
      %add3A_406 = arith.constant 1 : i32
      %add3A_407 = vector.broadcast %add3A_406 : i32 to vector<16xi32>
      %add3A_408 = arith.addi %mul3A_405, %add3A_407 : vector<16xi32>
      %gather3A_409 = tpu.vector_load_idx %arg11[%add3A_408] : memref<512xf32, #tpu.memory_space<vmem>>[vector<16xi32>], vector<16xf32>,
      %add3A_410 = arith.addf %add3A_394, %gather3A_409 : vector<16xf32>
      %mul3A_411 = arith.constant 16 : i32
      %mul3A_412 = vector.broadcast %mul3A_411 : i32 to vector<16xi32>
      %mul3A_413 = arith.muli %add3A_375, %mul3A_412 : vector<16xi32>
      %add3A_414 = arith.constant 1 : i32
      %add3A_415 = vector.broadcast %add3A_414 : i32 to vector<16xi32>
      %add3A_416 = arith.addi %mul3A_413, %add3A_415 : vector<16xi32>
      %gather3A_417 = tpu.vector_load_idx %arg12[%add3A_416] : memref<512xf32, #tpu.memory_space<vmem>>[vector<16xi32>], vector<16xf32>,
      %max3A_418 = arith.maximumf %max3A_402, %gather3A_417 : vector<16xf32>
      %mul3A_419 = arith.constant 16 : i32
      %mul3A_420 = vector.broadcast %mul3A_419 : i32 to vector<16xi32>
      %mul3A_421 = arith.muli %add3A_375, %mul3A_420 : vector<16xi32>
      %add3A_422 = arith.constant 2 : i32
      %add3A_423 = vector.broadcast %add3A_422 : i32 to vector<16xi32>
      %add3A_424 = arith.addi %mul3A_421, %add3A_423 : vector<16xi32>
      %gather3A_425 = tpu.vector_load_idx %arg11[%add3A_424] : memref<512xf32, #tpu.memory_space<vmem>>[vector<16xi32>], vector<16xf32>,
      %add3A_426 = arith.addf %add3A_410, %gather3A_425 : vector<16xf32>
      %mul3A_427 = arith.constant 16 : i32
      %mul3A_428 = vector.broadcast %mul3A_427 : i32 to vector<16xi32>
      %mul3A_429 = arith.muli %add3A_375, %mul3A_428 : vector<16xi32>
      %add3A_430 = arith.constant 2 : i32
      %add3A_431 = vector.broadcast %add3A_430 : i32 to vector<16xi32>
      %add3A_432 = arith.addi %mul3A_429, %add3A_431 : vector<16xi32>
      %gather3A_433 = tpu.vector_load_idx %arg12[%add3A_432] : memref<512xf32, #tpu.memory_space<vmem>>[vector<16xi32>], vector<16xf32>,
      %max3A_434 = arith.maximumf %max3A_418, %gather3A_433 : vector<16xf32>
      %mul3A_435 = arith.constant 16 : i32
      %mul3A_436 = vector.broadcast %mul3A_435 : i32 to vector<16xi32>
      %mul3A_437 = arith.muli %add3A_375, %mul3A_436 : vector<16xi32>
      %add3A_438 = arith.constant 3 : i32
      %add3A_439 = vector.broadcast %add3A_438 : i32 to vector<16xi32>
      %add3A_440 = arith.addi %mul3A_437, %add3A_439 : vector<16xi32>
      %gather3A_441 = tpu.vector_load_idx %arg11[%add3A_440] : memref<512xf32, #tpu.memory_space<vmem>>[vector<16xi32>], vector<16xf32>,
      %add3A_442 = arith.addf %add3A_426, %gather3A_441 : vector<16xf32>
      %mul3A_443 = arith.constant 16 : i32
      %mul3A_444 = vector.broadcast %mul3A_443 : i32 to vector<16xi32>
      %mul3A_445 = arith.muli %add3A_375, %mul3A_444 : vector<16xi32>
      %add3A_446 = arith.constant 3 : i32
      %add3A_447 = vector.broadcast %add3A_446 : i32 to vector<16xi32>
      %add3A_448 = arith.addi %mul3A_445, %add3A_447 : vector<16xi32>
      %gather3A_449 = tpu.vector_load_idx %arg12[%add3A_448] : memref<512xf32, #tpu.memory_space<vmem>>[vector<16xi32>], vector<16xf32>,
      %max3A_450 = arith.maximumf %max3A_434, %gather3A_449 : vector<16xf32>
      %mul3A_451 = arith.constant 16 : i32
      %mul3A_452 = vector.broadcast %mul3A_451 : i32 to vector<16xi32>
      %mul3A_453 = arith.muli %add3A_375, %mul3A_452 : vector<16xi32>
      %add3A_454 = arith.constant 4 : i32
      %add3A_455 = vector.broadcast %add3A_454 : i32 to vector<16xi32>
      %add3A_456 = arith.addi %mul3A_453, %add3A_455 : vector<16xi32>
      %gather3A_457 = tpu.vector_load_idx %arg11[%add3A_456] : memref<512xf32, #tpu.memory_space<vmem>>[vector<16xi32>], vector<16xf32>,
      %add3A_458 = arith.addf %add3A_442, %gather3A_457 : vector<16xf32>
      %mul3A_459 = arith.constant 16 : i32
      %mul3A_460 = vector.broadcast %mul3A_459 : i32 to vector<16xi32>
      %mul3A_461 = arith.muli %add3A_375, %mul3A_460 : vector<16xi32>
      %add3A_462 = arith.constant 4 : i32
      %add3A_463 = vector.broadcast %add3A_462 : i32 to vector<16xi32>
      %add3A_464 = arith.addi %mul3A_461, %add3A_463 : vector<16xi32>
      %gather3A_465 = tpu.vector_load_idx %arg12[%add3A_464] : memref<512xf32, #tpu.memory_space<vmem>>[vector<16xi32>], vector<16xf32>,
      %max3A_466 = arith.maximumf %max3A_450, %gather3A_465 : vector<16xf32>
      %mul3A_467 = arith.constant 16 : i32
      %mul3A_468 = vector.broadcast %mul3A_467 : i32 to vector<16xi32>
      %mul3A_469 = arith.muli %add3A_375, %mul3A_468 : vector<16xi32>
      %add3A_470 = arith.constant 5 : i32
      %add3A_471 = vector.broadcast %add3A_470 : i32 to vector<16xi32>
      %add3A_472 = arith.addi %mul3A_469, %add3A_471 : vector<16xi32>
      %gather3A_473 = tpu.vector_load_idx %arg11[%add3A_472] : memref<512xf32, #tpu.memory_space<vmem>>[vector<16xi32>], vector<16xf32>,
      %add3A_474 = arith.addf %add3A_458, %gather3A_473 : vector<16xf32>
      %mul3A_475 = arith.constant 16 : i32
      %mul3A_476 = vector.broadcast %mul3A_475 : i32 to vector<16xi32>
      %mul3A_477 = arith.muli %add3A_375, %mul3A_476 : vector<16xi32>
      %add3A_478 = arith.constant 5 : i32
      %add3A_479 = vector.broadcast %add3A_478 : i32 to vector<16xi32>
      %add3A_480 = arith.addi %mul3A_477, %add3A_479 : vector<16xi32>
      %gather3A_481 = tpu.vector_load_idx %arg12[%add3A_480] : memref<512xf32, #tpu.memory_space<vmem>>[vector<16xi32>], vector<16xf32>,
      %max3A_482 = arith.maximumf %max3A_466, %gather3A_481 : vector<16xf32>
      %mul3A_483 = arith.constant 16 : i32
      %mul3A_484 = vector.broadcast %mul3A_483 : i32 to vector<16xi32>
      %mul3A_485 = arith.muli %add3A_375, %mul3A_484 : vector<16xi32>
      %add3A_486 = arith.constant 6 : i32
      %add3A_487 = vector.broadcast %add3A_486 : i32 to vector<16xi32>
      %add3A_488 = arith.addi %mul3A_485, %add3A_487 : vector<16xi32>
      %gather3A_489 = tpu.vector_load_idx %arg11[%add3A_488] : memref<512xf32, #tpu.memory_space<vmem>>[vector<16xi32>], vector<16xf32>,
      %add3A_490 = arith.addf %add3A_474, %gather3A_489 : vector<16xf32>
      %mul3A_491 = arith.constant 16 : i32
      %mul3A_492 = vector.broadcast %mul3A_491 : i32 to vector<16xi32>
      %mul3A_493 = arith.muli %add3A_375, %mul3A_492 : vector<16xi32>
      %add3A_494 = arith.constant 6 : i32
      %add3A_495 = vector.broadcast %add3A_494 : i32 to vector<16xi32>
      %add3A_496 = arith.addi %mul3A_493, %add3A_495 : vector<16xi32>
      %gather3A_497 = tpu.vector_load_idx %arg12[%add3A_496] : memref<512xf32, #tpu.memory_space<vmem>>[vector<16xi32>], vector<16xf32>,
      %max3A_498 = arith.maximumf %max3A_482, %gather3A_497 : vector<16xf32>
      %mul3A_499 = arith.constant 16 : i32
      %mul3A_500 = vector.broadcast %mul3A_499 : i32 to vector<16xi32>
      %mul3A_501 = arith.muli %add3A_375, %mul3A_500 : vector<16xi32>
      %add3A_502 = arith.constant 7 : i32
      %add3A_503 = vector.broadcast %add3A_502 : i32 to vector<16xi32>
      %add3A_504 = arith.addi %mul3A_501, %add3A_503 : vector<16xi32>
      %gather3A_505 = tpu.vector_load_idx %arg11[%add3A_504] : memref<512xf32, #tpu.memory_space<vmem>>[vector<16xi32>], vector<16xf32>,
      %add3A_506 = arith.addf %add3A_490, %gather3A_505 : vector<16xf32>
      %mul3A_507 = arith.constant 16 : i32
      %mul3A_508 = vector.broadcast %mul3A_507 : i32 to vector<16xi32>
      %mul3A_509 = arith.muli %add3A_375, %mul3A_508 : vector<16xi32>
      %add3A_510 = arith.constant 7 : i32
      %add3A_511 = vector.broadcast %add3A_510 : i32 to vector<16xi32>
      %add3A_512 = arith.addi %mul3A_509, %add3A_511 : vector<16xi32>
      %gather3A_513 = tpu.vector_load_idx %arg12[%add3A_512] : memref<512xf32, #tpu.memory_space<vmem>>[vector<16xi32>], vector<16xf32>,
      %max3A_514 = arith.maximumf %max3A_498, %gather3A_513 : vector<16xf32>
      %mul3A_515 = arith.constant 16 : i32
      %mul3A_516 = vector.broadcast %mul3A_515 : i32 to vector<16xi32>
      %mul3A_517 = arith.muli %add3A_375, %mul3A_516 : vector<16xi32>
      %add3A_518 = arith.constant 8 : i32
      %add3A_519 = vector.broadcast %add3A_518 : i32 to vector<16xi32>
      %add3A_520 = arith.addi %mul3A_517, %add3A_519 : vector<16xi32>
      %gather3A_521 = tpu.vector_load_idx %arg11[%add3A_520] : memref<512xf32, #tpu.memory_space<vmem>>[vector<16xi32>], vector<16xf32>,
      %add3A_522 = arith.addf %add3A_506, %gather3A_521 : vector<16xf32>
      %mul3A_523 = arith.constant 16 : i32
      %mul3A_524 = vector.broadcast %mul3A_523 : i32 to vector<16xi32>
      %mul3A_525 = arith.muli %add3A_375, %mul3A_524 : vector<16xi32>
      %add3A_526 = arith.constant 8 : i32
      %add3A_527 = vector.broadcast %add3A_526 : i32 to vector<16xi32>
      %add3A_528 = arith.addi %mul3A_525, %add3A_527 : vector<16xi32>
      %gather3A_529 = tpu.vector_load_idx %arg12[%add3A_528] : memref<512xf32, #tpu.memory_space<vmem>>[vector<16xi32>], vector<16xf32>,
      %max3A_530 = arith.maximumf %max3A_514, %gather3A_529 : vector<16xf32>
      %mul3A_531 = arith.constant 16 : i32
      %mul3A_532 = vector.broadcast %mul3A_531 : i32 to vector<16xi32>
      %mul3A_533 = arith.muli %add3A_375, %mul3A_532 : vector<16xi32>
      %add3A_534 = arith.constant 9 : i32
      %add3A_535 = vector.broadcast %add3A_534 : i32 to vector<16xi32>
      %add3A_536 = arith.addi %mul3A_533, %add3A_535 : vector<16xi32>
      %gather3A_537 = tpu.vector_load_idx %arg11[%add3A_536] : memref<512xf32, #tpu.memory_space<vmem>>[vector<16xi32>], vector<16xf32>,
      %add3A_538 = arith.addf %add3A_522, %gather3A_537 : vector<16xf32>
      %mul3A_539 = arith.constant 16 : i32
      %mul3A_540 = vector.broadcast %mul3A_539 : i32 to vector<16xi32>
      %mul3A_541 = arith.muli %add3A_375, %mul3A_540 : vector<16xi32>
      %add3A_542 = arith.constant 9 : i32
      %add3A_543 = vector.broadcast %add3A_542 : i32 to vector<16xi32>
      %add3A_544 = arith.addi %mul3A_541, %add3A_543 : vector<16xi32>
      %gather3A_545 = tpu.vector_load_idx %arg12[%add3A_544] : memref<512xf32, #tpu.memory_space<vmem>>[vector<16xi32>], vector<16xf32>,
      %max3A_546 = arith.maximumf %max3A_530, %gather3A_545 : vector<16xf32>
      %mul3A_547 = arith.constant 16 : i32
      %mul3A_548 = vector.broadcast %mul3A_547 : i32 to vector<16xi32>
      %mul3A_549 = arith.muli %add3A_375, %mul3A_548 : vector<16xi32>
      %add3A_550 = arith.constant 10 : i32
      %add3A_551 = vector.broadcast %add3A_550 : i32 to vector<16xi32>
      %add3A_552 = arith.addi %mul3A_549, %add3A_551 : vector<16xi32>
      %gather3A_553 = tpu.vector_load_idx %arg11[%add3A_552] : memref<512xf32, #tpu.memory_space<vmem>>[vector<16xi32>], vector<16xf32>,
      %add3A_554 = arith.addf %add3A_538, %gather3A_553 : vector<16xf32>
      %mul3A_555 = arith.constant 16 : i32
      %mul3A_556 = vector.broadcast %mul3A_555 : i32 to vector<16xi32>
      %mul3A_557 = arith.muli %add3A_375, %mul3A_556 : vector<16xi32>
      %add3A_558 = arith.constant 10 : i32
      %add3A_559 = vector.broadcast %add3A_558 : i32 to vector<16xi32>
      %add3A_560 = arith.addi %mul3A_557, %add3A_559 : vector<16xi32>
      %gather3A_561 = tpu.vector_load_idx %arg12[%add3A_560] : memref<512xf32, #tpu.memory_space<vmem>>[vector<16xi32>], vector<16xf32>,
      %max3A_562 = arith.maximumf %max3A_546, %gather3A_561 : vector<16xf32>
      %mul3A_563 = arith.constant 16 : i32
      %mul3A_564 = vector.broadcast %mul3A_563 : i32 to vector<16xi32>
      %mul3A_565 = arith.muli %add3A_375, %mul3A_564 : vector<16xi32>
      %add3A_566 = arith.constant 11 : i32
      %add3A_567 = vector.broadcast %add3A_566 : i32 to vector<16xi32>
      %add3A_568 = arith.addi %mul3A_565, %add3A_567 : vector<16xi32>
      %gather3A_569 = tpu.vector_load_idx %arg11[%add3A_568] : memref<512xf32, #tpu.memory_space<vmem>>[vector<16xi32>], vector<16xf32>,
      %add3A_570 = arith.addf %add3A_554, %gather3A_569 : vector<16xf32>
      %mul3A_571 = arith.constant 16 : i32
      %mul3A_572 = vector.broadcast %mul3A_571 : i32 to vector<16xi32>
      %mul3A_573 = arith.muli %add3A_375, %mul3A_572 : vector<16xi32>
      %add3A_574 = arith.constant 11 : i32
      %add3A_575 = vector.broadcast %add3A_574 : i32 to vector<16xi32>
      %add3A_576 = arith.addi %mul3A_573, %add3A_575 : vector<16xi32>
      %gather3A_577 = tpu.vector_load_idx %arg12[%add3A_576] : memref<512xf32, #tpu.memory_space<vmem>>[vector<16xi32>], vector<16xf32>,
      %max3A_578 = arith.maximumf %max3A_562, %gather3A_577 : vector<16xf32>
      %mul3A_579 = arith.constant 16 : i32
      %mul3A_580 = vector.broadcast %mul3A_579 : i32 to vector<16xi32>
      %mul3A_581 = arith.muli %add3A_375, %mul3A_580 : vector<16xi32>
      %add3A_582 = arith.constant 12 : i32
      %add3A_583 = vector.broadcast %add3A_582 : i32 to vector<16xi32>
      %add3A_584 = arith.addi %mul3A_581, %add3A_583 : vector<16xi32>
      %gather3A_585 = tpu.vector_load_idx %arg11[%add3A_584] : memref<512xf32, #tpu.memory_space<vmem>>[vector<16xi32>], vector<16xf32>,
      %add3A_586 = arith.addf %add3A_570, %gather3A_585 : vector<16xf32>
      %mul3A_587 = arith.constant 16 : i32
      %mul3A_588 = vector.broadcast %mul3A_587 : i32 to vector<16xi32>
      %mul3A_589 = arith.muli %add3A_375, %mul3A_588 : vector<16xi32>
      %add3A_590 = arith.constant 12 : i32
      %add3A_591 = vector.broadcast %add3A_590 : i32 to vector<16xi32>
      %add3A_592 = arith.addi %mul3A_589, %add3A_591 : vector<16xi32>
      %gather3A_593 = tpu.vector_load_idx %arg12[%add3A_592] : memref<512xf32, #tpu.memory_space<vmem>>[vector<16xi32>], vector<16xf32>,
      %max3A_594 = arith.maximumf %max3A_578, %gather3A_593 : vector<16xf32>
      %mul3A_595 = arith.constant 16 : i32
      %mul3A_596 = vector.broadcast %mul3A_595 : i32 to vector<16xi32>
      %mul3A_597 = arith.muli %add3A_375, %mul3A_596 : vector<16xi32>
      %add3A_598 = arith.constant 13 : i32
      %add3A_599 = vector.broadcast %add3A_598 : i32 to vector<16xi32>
      %add3A_600 = arith.addi %mul3A_597, %add3A_599 : vector<16xi32>
      %gather3A_601 = tpu.vector_load_idx %arg11[%add3A_600] : memref<512xf32, #tpu.memory_space<vmem>>[vector<16xi32>], vector<16xf32>,
      %add3A_602 = arith.addf %add3A_586, %gather3A_601 : vector<16xf32>
      %mul3A_603 = arith.constant 16 : i32
      %mul3A_604 = vector.broadcast %mul3A_603 : i32 to vector<16xi32>
      %mul3A_605 = arith.muli %add3A_375, %mul3A_604 : vector<16xi32>
      %add3A_606 = arith.constant 13 : i32
      %add3A_607 = vector.broadcast %add3A_606 : i32 to vector<16xi32>
      %add3A_608 = arith.addi %mul3A_605, %add3A_607 : vector<16xi32>
      %gather3A_609 = tpu.vector_load_idx %arg12[%add3A_608] : memref<512xf32, #tpu.memory_space<vmem>>[vector<16xi32>], vector<16xf32>,
      %max3A_610 = arith.maximumf %max3A_594, %gather3A_609 : vector<16xf32>
      %mul3A_611 = arith.constant 16 : i32
      %mul3A_612 = vector.broadcast %mul3A_611 : i32 to vector<16xi32>
      %mul3A_613 = arith.muli %add3A_375, %mul3A_612 : vector<16xi32>
      %add3A_614 = arith.constant 14 : i32
      %add3A_615 = vector.broadcast %add3A_614 : i32 to vector<16xi32>
      %add3A_616 = arith.addi %mul3A_613, %add3A_615 : vector<16xi32>
      %gather3A_617 = tpu.vector_load_idx %arg11[%add3A_616] : memref<512xf32, #tpu.memory_space<vmem>>[vector<16xi32>], vector<16xf32>,
      %add3A_618 = arith.addf %add3A_602, %gather3A_617 : vector<16xf32>
      %mul3A_619 = arith.constant 16 : i32
      %mul3A_620 = vector.broadcast %mul3A_619 : i32 to vector<16xi32>
      %mul3A_621 = arith.muli %add3A_375, %mul3A_620 : vector<16xi32>
      %add3A_622 = arith.constant 14 : i32
      %add3A_623 = vector.broadcast %add3A_622 : i32 to vector<16xi32>
      %add3A_624 = arith.addi %mul3A_621, %add3A_623 : vector<16xi32>
      %gather3A_625 = tpu.vector_load_idx %arg12[%add3A_624] : memref<512xf32, #tpu.memory_space<vmem>>[vector<16xi32>], vector<16xf32>,
      %max3A_626 = arith.maximumf %max3A_610, %gather3A_625 : vector<16xf32>
      %mul3A_627 = arith.constant 16 : i32
      %mul3A_628 = vector.broadcast %mul3A_627 : i32 to vector<16xi32>
      %mul3A_629 = arith.muli %add3A_375, %mul3A_628 : vector<16xi32>
      %add3A_630 = arith.constant 15 : i32
      %add3A_631 = vector.broadcast %add3A_630 : i32 to vector<16xi32>
      %add3A_632 = arith.addi %mul3A_629, %add3A_631 : vector<16xi32>
      %gather3A_633 = tpu.vector_load_idx %arg11[%add3A_632] : memref<512xf32, #tpu.memory_space<vmem>>[vector<16xi32>], vector<16xf32>,
      %add3A_634 = arith.addf %add3A_618, %gather3A_633 : vector<16xf32>
      %mul3A_635 = arith.constant 16 : i32
      %mul3A_636 = vector.broadcast %mul3A_635 : i32 to vector<16xi32>
      %mul3A_637 = arith.muli %add3A_375, %mul3A_636 : vector<16xi32>
      %add3A_638 = arith.constant 15 : i32
      %add3A_639 = vector.broadcast %add3A_638 : i32 to vector<16xi32>
      %add3A_640 = arith.addi %mul3A_637, %add3A_639 : vector<16xi32>
      %gather3A_641 = tpu.vector_load_idx %arg12[%add3A_640] : memref<512xf32, #tpu.memory_space<vmem>>[vector<16xi32>], vector<16xf32>,
      %max3A_642 = arith.maximumf %max3A_626, %gather3A_641 : vector<16xf32>
      %lt3A_643 = arith.cmpf olt, %gather3A_382, %max3A_642 : vector<16xf32>
      %neg3A_644 = arith.constant 0.000000e+00 : f32
      %neg3A_645 = vector.broadcast %neg3A_644 : f32 to vector<16xf32>
      %neg3A_646 = arith.subf %neg3A_645, %add3A_634 : vector<16xf32>
      %select_n3A_647 = arith.select %lt3A_643, %add3A_634, %neg3A_646 : vector<16xi1>, vector<16xf32>
      %swap3A_648 = arith.index_cast %add3A_379 : i32 to index
      %swap3A_649 = tpu.vector_load %arg9[%swap3A_648] {strides = array<i32>} : memref<512xf32, #tpu.memory_space<vmem>>, vector<16xf32>,
      tpu.vector_store %arg9[%swap3A_648], %select_n3A_647 {strides = array<i32>} : memref<512xf32, #tpu.memory_space<vmem>>, vector<16xf32>,
      %swap3A_650 = arith.index_cast %add3A_379 : i32 to index
      %swap3A_651 = tpu.vector_load %arg10[%swap3A_650] {strides = array<i32>} : memref<512xf32, #tpu.memory_space<vmem>>, vector<16xf32>,
      tpu.vector_store %arg10[%swap3A_650], %gather3A_382 {strides = array<i32>} : memref<512xf32, #tpu.memory_space<vmem>>, vector<16xf32>,
    }
    %scan3A_9 = arith.constant 16 : i32
    %jit3A = arith.constant 4 : i32
    %div3A = arith.divsi %add3A, %jit3A : i32
    %sign3A = arith.constant 0 : i32
    %sign3A_10 = arith.cmpi sgt, %add3A, %sign3A : i32
    %sign3A_11 = arith.extui %sign3A_10 : i1 to i32
    %sign3A_12 = arith.constant 0 : i32
    %sign3A_13 = arith.cmpi slt, %add3A, %sign3A_12 : i32
    %sign3A_14 = arith.extui %sign3A_13 : i1 to i32
    %sign3A_15 = arith.subi %sign3A_11, %sign3A_14 : i32
    %sign3A_16 = arith.constant 0 : i32
    %sign3A_17 = arith.cmpi sgt, %jit3A, %sign3A_16 : i32
    %sign3A_18 = arith.extui %sign3A_17 : i1 to i32
    %sign3A_19 = arith.constant 0 : i32
    %sign3A_20 = arith.cmpi slt, %jit3A, %sign3A_19 : i32
    %sign3A_21 = arith.extui %sign3A_20 : i1 to i32
    %sign3A_22 = arith.subi %sign3A_18, %sign3A_21 : i32
    %ne3A = arith.cmpi ne, %sign3A_15, %sign3A_22 : i32
    %rem3A = arith.remsi %add3A, %jit3A : i32
    %ne3A_23 = arith.constant 0 : i32
    %ne3A_24 = arith.cmpi ne, %rem3A, %ne3A_23 : i32
    %and3A = arith.andi %ne3A, %ne3A_24 : i1
    %sub3A = arith.constant 1 : i32
    %sub3A_25 = arith.subi %div3A, %sub3A : i32
    %select_n3A = arith.select %and3A, %sub3A_25, %div3A : i32
    %jit3A_26 = arith.constant 4 : i32
    %eq3A = arith.constant 0 : i32
    %eq3A_27 = arith.cmpi eq, %jit3A_26, %eq3A : i32
    %jit3A_28 = arith.constant 1 : i32
    %select_n3A_29 = arith.select %eq3A_27, %jit3A_28, %jit3A_26 : i32
    %rem3A_30 = arith.remsi %add3A, %select_n3A_29 : i32
    %ne3A_31 = arith.constant 0 : i32
    %ne3A_32 = arith.cmpi ne, %rem3A_30, %ne3A_31 : i32
    %lt3A = arith.constant 0 : i32
    %lt3A_33 = arith.cmpi slt, %rem3A_30, %lt3A : i32
    %lt3A_34 = arith.constant 0 : i32
    %lt3A_35 = arith.cmpi slt, %select_n3A_29, %lt3A_34 : i32
    %ne3A_36 = arith.xori %lt3A_33, %lt3A_35 : i1
    %and3A_37 = arith.andi %ne3A_36, %ne3A_32 : i1
    %add3A_38 = arith.addi %rem3A_30, %select_n3A_29 : i32
    %select_n3A_39 = arith.select %and3A_37, %add3A_38, %rem3A_30 : i32
    %mul3A_40 = arith.constant 512 : i32
    %mul3A_41 = arith.muli %select_n3A_39, %mul3A_40 : i32
    "tpu.region"() ({
      %run_scoped3A = tpu.sem_alloc : memref<!tpu.dma_semaphore, #tpu.memory_space<semaphore_mem>>
      %dma_start3A = tpu.memref_slice %arg4[%select_n3A, %mul3A_41] : memref<8x2048xf32, #tpu.memory_space<hbm>> -> memref<1x512xf32, #tpu.memory_space<hbm>>
      %dma_start3A_84 = tpu.memref_squeeze %dma_start3A : memref<1x512xf32, #tpu.memory_space<hbm>> -> memref<512xf32, #tpu.memory_space<hbm>>
      %dma_start3A_85 = tpu.memref_slice %arg4[%select_n3A, %mul3A_41] : memref<8x2048xf32, #tpu.memory_space<hbm>> -> memref<1x512xf32, #tpu.memory_space<hbm>>
      %dma_start3A_86 = tpu.memref_squeeze %dma_start3A_85 : memref<1x512xf32, #tpu.memory_space<hbm>> -> memref<512xf32, #tpu.memory_space<hbm>>
      tpu.enqueue_dma source(%arg9 : memref<512xf32, #tpu.memory_space<vmem>>) target(%dma_start3A_86 : memref<512xf32, #tpu.memory_space<hbm>>) target_semaphore(%run_scoped3A : memref<!tpu.dma_semaphore, #tpu.memory_space<semaphore_mem>>)
      %dma_wait3A = tpu.memref_slice %arg4[%select_n3A, %mul3A_41] : memref<8x2048xf32, #tpu.memory_space<hbm>> -> memref<1x512xf32, #tpu.memory_space<hbm>>
      %dma_wait3A_87 = tpu.memref_squeeze %dma_wait3A : memref<1x512xf32, #tpu.memory_space<hbm>> -> memref<512xf32, #tpu.memory_space<hbm>>
      %dma_wait3A_88 = tpu.memref_slice %arg4[%select_n3A, %mul3A_41] : memref<8x2048xf32, #tpu.memory_space<hbm>> -> memref<1x512xf32, #tpu.memory_space<hbm>>
      %dma_wait3A_89 = tpu.memref_squeeze %dma_wait3A_88 : memref<1x512xf32, #tpu.memory_space<hbm>> -> memref<512xf32, #tpu.memory_space<hbm>>
      tpu.wait_dma2 semaphore(%run_scoped3A : memref<!tpu.dma_semaphore, #tpu.memory_space<semaphore_mem>>) src(%arg9 : memref<512xf32, #tpu.memory_space<vmem>>) dst(%dma_wait3A_89 : memref<512xf32, #tpu.memory_space<hbm>>)
      tpu.yield
    }) : () -> ()
    %jit3A_42 = arith.constant 4 : i32
    %div3A_43 = arith.divsi %add3A, %jit3A_42 : i32
    %sign3A_44 = arith.constant 0 : i32
    %sign3A_45 = arith.cmpi sgt, %add3A, %sign3A_44 : i32
    %sign3A_46 = arith.extui %sign3A_45 : i1 to i32
    %sign3A_47 = arith.constant 0 : i32
    %sign3A_48 = arith.cmpi slt, %add3A, %sign3A_47 : i32
    %sign3A_49 = arith.extui %sign3A_48 : i1 to i32
    %sign3A_50 = arith.subi %sign3A_46, %sign3A_49 : i32
    %sign3A_51 = arith.constant 0 : i32
    %sign3A_52 = arith.cmpi sgt, %jit3A_42, %sign3A_51 : i32
    %sign3A_53 = arith.extui %sign3A_52 : i1 to i32
    %sign3A_54 = arith.constant 0 : i32
    %sign3A_55 = arith.cmpi slt, %jit3A_42, %sign3A_54 : i32
    %sign3A_56 = arith.extui %sign3A_55 : i1 to i32
    %sign3A_57 = arith.subi %sign3A_53, %sign3A_56 : i32
    %ne3A_58 = arith.cmpi ne, %sign3A_50, %sign3A_57 : i32
    %rem3A_59 = arith.remsi %add3A, %jit3A_42 : i32
    %ne3A_60 = arith.constant 0 : i32
    %ne3A_61 = arith.cmpi ne, %rem3A_59, %ne3A_60 : i32
    %and3A_62 = arith.andi %ne3A_58, %ne3A_61 : i1
    %sub3A_63 = arith.constant 1 : i32
    %sub3A_64 = arith.subi %div3A_43, %sub3A_63 : i32
    %select_n3A_65 = arith.select %and3A_62, %sub3A_64, %div3A_43 : i32
    %jit3A_66 = arith.constant 4 : i32
    %eq3A_67 = arith.constant 0 : i32
    %eq3A_68 = arith.cmpi eq, %jit3A_66, %eq3A_67 : i32
    %jit3A_69 = arith.constant 1 : i32
    %select_n3A_70 = arith.select %eq3A_68, %jit3A_69, %jit3A_66 : i32
    %rem3A_71 = arith.remsi %add3A, %select_n3A_70 : i32
    %ne3A_72 = arith.constant 0 : i32
    %ne3A_73 = arith.cmpi ne, %rem3A_71, %ne3A_72 : i32
    %lt3A_74 = arith.constant 0 : i32
    %lt3A_75 = arith.cmpi slt, %rem3A_71, %lt3A_74 : i32
    %lt3A_76 = arith.constant 0 : i32
    %lt3A_77 = arith.cmpi slt, %select_n3A_70, %lt3A_76 : i32
    %ne3A_78 = arith.xori %lt3A_75, %lt3A_77 : i1
    %and3A_79 = arith.andi %ne3A_78, %ne3A_73 : i1
    %add3A_80 = arith.addi %rem3A_71, %select_n3A_70 : i32
    %select_n3A_81 = arith.select %and3A_79, %add3A_80, %rem3A_71 : i32
    %mul3A_82 = arith.constant 512 : i32
    %mul3A_83 = arith.muli %select_n3A_81, %mul3A_82 : i32
    "tpu.region"() ({
      %run_scoped3A = tpu.sem_alloc : memref<!tpu.dma_semaphore, #tpu.memory_space<semaphore_mem>>
      %dma_start3A = tpu.memref_slice %arg5[%select_n3A_65, %mul3A_83] : memref<8x2048xf32, #tpu.memory_space<hbm>> -> memref<1x512xf32, #tpu.memory_space<hbm>>
      %dma_start3A_84 = tpu.memref_squeeze %dma_start3A : memref<1x512xf32, #tpu.memory_space<hbm>> -> memref<512xf32, #tpu.memory_space<hbm>>
      %dma_start3A_85 = tpu.memref_slice %arg5[%select_n3A_65, %mul3A_83] : memref<8x2048xf32, #tpu.memory_space<hbm>> -> memref<1x512xf32, #tpu.memory_space<hbm>>
      %dma_start3A_86 = tpu.memref_squeeze %dma_start3A_85 : memref<1x512xf32, #tpu.memory_space<hbm>> -> memref<512xf32, #tpu.memory_space<hbm>>
      tpu.enqueue_dma source(%arg10 : memref<512xf32, #tpu.memory_space<vmem>>) target(%dma_start3A_86 : memref<512xf32, #tpu.memory_space<hbm>>) target_semaphore(%run_scoped3A : memref<!tpu.dma_semaphore, #tpu.memory_space<semaphore_mem>>)
      %dma_wait3A = tpu.memref_slice %arg5[%select_n3A_65, %mul3A_83] : memref<8x2048xf32, #tpu.memory_space<hbm>> -> memref<1x512xf32, #tpu.memory_space<hbm>>
      %dma_wait3A_87 = tpu.memref_squeeze %dma_wait3A : memref<1x512xf32, #tpu.memory_space<hbm>> -> memref<512xf32, #tpu.memory_space<hbm>>
      %dma_wait3A_88 = tpu.memref_slice %arg5[%select_n3A_65, %mul3A_83] : memref<8x2048xf32, #tpu.memory_space<hbm>> -> memref<1x512xf32, #tpu.memory_space<hbm>>
      %dma_wait3A_89 = tpu.memref_squeeze %dma_wait3A_88 : memref<1x512xf32, #tpu.memory_space<hbm>> -> memref<512xf32, #tpu.memory_space<hbm>>
      tpu.wait_dma2 semaphore(%run_scoped3A : memref<!tpu.dma_semaphore, #tpu.memory_space<semaphore_mem>>) src(%arg10 : memref<512xf32, #tpu.memory_space<vmem>>) dst(%dma_wait3A_89 : memref<512xf32, #tpu.memory_space<hbm>>)
      tpu.yield
    }) : () -> ()
    return
  }
}

#map = affine_map<(d0, d1) -> (0)>
#map1 = affine_map<(d0, d1) -> (0, 0)>
module attributes {stable_mosaic.version = 14 : i64} {
  func.func @_hist_kernel(%arg0: i32, %arg1: i32, %arg2: memref<65536xi32, #tpu.memory_space<hbm>>, %arg3: memref<8x2048xf32, #tpu.memory_space<hbm>>, %arg4: memref<49152xf32, #tpu.memory_space<hbm>>, %arg5: memref<32x3072xf32, #tpu.memory_space<hbm>>, %arg6: memref<2048xi32, #tpu.memory_space<vmem>>, %arg7: memref<2048xf32, #tpu.memory_space<vmem>>, %arg8: memref<16384xf32, #tpu.memory_space<vmem>>, %arg9: memref<16384xf32, #tpu.memory_space<vmem>>, %arg10: memref<16384xf32, #tpu.memory_space<vmem>>, %arg11: memref<3072xf32, #tpu.memory_space<vmem>>) attributes {dimension_semantics = [#tpu.dimension_semantics<core_parallel>, #tpu.dimension_semantics<subcore_parallel>], iteration_bounds = array<i64: 2, 16>, scalar_prefetch = 0 : i64, scratch_operands = 6 : i64, tpu.core_type = #tpu.core_type<sc_vector_subcore>, window_params = [{transform_indices = #map}, {transform_indices = #map1}, {transform_indices = #map}, {transform_indices = #map1}]} {
    %mul3A = arith.constant 2 : i32
    %mul3A_0 = arith.muli %arg1, %mul3A : i32
    %add3A = arith.addi %mul3A_0, %arg0 : i32
    %mul3A_1 = arith.constant 2048 : i32
    %mul3A_2 = arith.muli %add3A, %mul3A_1 : i32
    "tpu.region"() ({
      %run_scoped3A = tpu.sem_alloc : memref<!tpu.dma_semaphore, #tpu.memory_space<semaphore_mem>>
      %dma_start3A = tpu.memref_slice %arg2[%mul3A_2] : memref<65536xi32, #tpu.memory_space<hbm>> -> memref<2048xi32, #tpu.memory_space<hbm>>
      %dma_start3A_29 = tpu.memref_slice %arg2[%mul3A_2] : memref<65536xi32, #tpu.memory_space<hbm>> -> memref<2048xi32, #tpu.memory_space<hbm>>
      tpu.enqueue_dma source(%dma_start3A_29 : memref<2048xi32, #tpu.memory_space<hbm>>) target(%arg6 : memref<2048xi32, #tpu.memory_space<vmem>>) target_semaphore(%run_scoped3A : memref<!tpu.dma_semaphore, #tpu.memory_space<semaphore_mem>>)
      %dma_wait3A = tpu.memref_slice %arg2[%mul3A_2] : memref<65536xi32, #tpu.memory_space<hbm>> -> memref<2048xi32, #tpu.memory_space<hbm>>
      %dma_wait3A_30 = tpu.memref_slice %arg2[%mul3A_2] : memref<65536xi32, #tpu.memory_space<hbm>> -> memref<2048xi32, #tpu.memory_space<hbm>>
      tpu.wait_dma2 semaphore(%run_scoped3A : memref<!tpu.dma_semaphore, #tpu.memory_space<semaphore_mem>>) src(%dma_wait3A_30 : memref<2048xi32, #tpu.memory_space<hbm>>) dst(%arg6 : memref<2048xi32, #tpu.memory_space<vmem>>)
      tpu.yield
    }) : () -> ()
    %lt3A = arith.constant 8 : i32
    %lt3A_3 = arith.cmpi slt, %add3A, %lt3A : i32
    %convert_element_type3A = arith.extui %lt3A_3 : i1 to i32
    %cond3A = arith.constant 0 : i32
    %cond3A_4 = arith.cmpi ne, %convert_element_type3A, %cond3A : i32
    scf.if %cond3A_4 {
      "tpu.region"() ({
        %run_scoped3A = tpu.sem_alloc : memref<!tpu.dma_semaphore, #tpu.memory_space<semaphore_mem>>
        %dma_start3A = arith.constant 0 : i32
        %dma_start3A_29 = tpu.memref_slice %arg3[%add3A, %dma_start3A] : memref<8x2048xf32, #tpu.memory_space<hbm>> -> memref<1x2048xf32, #tpu.memory_space<hbm>>
        %dma_start3A_30 = tpu.memref_squeeze %dma_start3A_29 : memref<1x2048xf32, #tpu.memory_space<hbm>> -> memref<2048xf32, #tpu.memory_space<hbm>>
        %dma_start3A_31 = arith.constant 0 : i32
        %dma_start3A_32 = tpu.memref_slice %arg3[%add3A, %dma_start3A_31] : memref<8x2048xf32, #tpu.memory_space<hbm>> -> memref<1x2048xf32, #tpu.memory_space<hbm>>
        %dma_start3A_33 = tpu.memref_squeeze %dma_start3A_32 : memref<1x2048xf32, #tpu.memory_space<hbm>> -> memref<2048xf32, #tpu.memory_space<hbm>>
        tpu.enqueue_dma source(%dma_start3A_33 : memref<2048xf32, #tpu.memory_space<hbm>>) target(%arg7 : memref<2048xf32, #tpu.memory_space<vmem>>) target_semaphore(%run_scoped3A : memref<!tpu.dma_semaphore, #tpu.memory_space<semaphore_mem>>)
        %dma_wait3A = arith.constant 0 : i32
        %dma_wait3A_34 = tpu.memref_slice %arg3[%add3A, %dma_wait3A] : memref<8x2048xf32, #tpu.memory_space<hbm>> -> memref<1x2048xf32, #tpu.memory_space<hbm>>
        %dma_wait3A_35 = tpu.memref_squeeze %dma_wait3A_34 : memref<1x2048xf32, #tpu.memory_space<hbm>> -> memref<2048xf32, #tpu.memory_space<hbm>>
        %dma_wait3A_36 = arith.constant 0 : i32
        %dma_wait3A_37 = tpu.memref_slice %arg3[%add3A, %dma_wait3A_36] : memref<8x2048xf32, #tpu.memory_space<hbm>> -> memref<1x2048xf32, #tpu.memory_space<hbm>>
        %dma_wait3A_38 = tpu.memref_squeeze %dma_wait3A_37 : memref<1x2048xf32, #tpu.memory_space<hbm>> -> memref<2048xf32, #tpu.memory_space<hbm>>
        tpu.wait_dma2 semaphore(%run_scoped3A : memref<!tpu.dma_semaphore, #tpu.memory_space<semaphore_mem>>) src(%dma_wait3A_38 : memref<2048xf32, #tpu.memory_space<hbm>>) dst(%arg7 : memref<2048xf32, #tpu.memory_space<vmem>>)
        tpu.yield
      }) : () -> ()
    } else {
    }
    %ge3A = arith.constant 8 : i32
    %ge3A_5 = arith.cmpi sge, %add3A, %ge3A : i32
    %convert_element_type3A_6 = arith.extui %ge3A_5 : i1 to i32
    %cond3A_7 = arith.constant 0 : i32
    %cond3A_8 = arith.cmpi ne, %convert_element_type3A_6, %cond3A_7 : i32
    scf.if %cond3A_8 {
      %sub3A = arith.constant 8 : i32
      %sub3A_29 = arith.subi %add3A, %sub3A : i32
      %mul3A_30 = arith.constant 2048 : i32
      %mul3A_31 = arith.muli %sub3A_29, %mul3A_30 : i32
      "tpu.region"() ({
        %run_scoped3A = tpu.sem_alloc : memref<!tpu.dma_semaphore, #tpu.memory_space<semaphore_mem>>
        %dma_start3A = tpu.memref_slice %arg4[%mul3A_31] : memref<49152xf32, #tpu.memory_space<hbm>> -> memref<2048xf32, #tpu.memory_space<hbm>>
        %dma_start3A_32 = tpu.memref_slice %arg4[%mul3A_31] : memref<49152xf32, #tpu.memory_space<hbm>> -> memref<2048xf32, #tpu.memory_space<hbm>>
        tpu.enqueue_dma source(%dma_start3A_32 : memref<2048xf32, #tpu.memory_space<hbm>>) target(%arg7 : memref<2048xf32, #tpu.memory_space<vmem>>) target_semaphore(%run_scoped3A : memref<!tpu.dma_semaphore, #tpu.memory_space<semaphore_mem>>)
        %dma_wait3A = tpu.memref_slice %arg4[%mul3A_31] : memref<49152xf32, #tpu.memory_space<hbm>> -> memref<2048xf32, #tpu.memory_space<hbm>>
        %dma_wait3A_33 = tpu.memref_slice %arg4[%mul3A_31] : memref<49152xf32, #tpu.memory_space<hbm>> -> memref<2048xf32, #tpu.memory_space<hbm>>
        tpu.wait_dma2 semaphore(%run_scoped3A : memref<!tpu.dma_semaphore, #tpu.memory_space<semaphore_mem>>) src(%dma_wait3A_33 : memref<2048xf32, #tpu.memory_space<hbm>>) dst(%arg7 : memref<2048xf32, #tpu.memory_space<vmem>>)
        tpu.yield
      }) : () -> ()
    } else {
    }
    %broadcast_in_dim3A = arith.constant 0.000000e+00 : f32
    %broadcast_in_dim3A_9 = vector.broadcast %broadcast_in_dim3A : f32 to vector<16xf32>
    %broadcast_in_dim3A_10 = arith.constant 1.000000e+00 : f32
    %broadcast_in_dim3A_11 = vector.broadcast %broadcast_in_dim3A_10 : f32 to vector<16xf32>
    %iota3A = tpu.iota {dimensions = array<i32: 0>} : vector<16xi32>
    %scan3A = arith.constant 0 : i32
    %scan3A_12 = arith.constant 0 : i32
    %scan3A_13 = arith.constant 256 : i32
    %scan3A_14 = arith.addi %scan3A_12, %scan3A_13 : i32
    %scan3A_15 = arith.constant 1 : i32
    scf.for %scan3A_29 = %scan3A_12 to %scan3A_14 step %scan3A_15  : i32 {
      %mul3A_30 = arith.constant 4 : i32
      %mul3A_31 = arith.muli %scan3A_29, %mul3A_30 : i32
      %add3A_32 = arith.constant 0 : i32
      %add3A_33 = arith.addi %mul3A_31, %add3A_32 : i32
      %mul3A_34 = arith.constant 16 : i32
      %mul3A_35 = arith.muli %add3A_33, %mul3A_34 : i32
      %swap3A = arith.index_cast %mul3A_35 : i32 to index
      %swap3A_36 = tpu.vector_load %arg8[%swap3A] {strides = array<i32>} : memref<16384xf32, #tpu.memory_space<vmem>>, vector<16xf32>,
      tpu.vector_store %arg8[%swap3A], %broadcast_in_dim3A_9 {strides = array<i32>} : memref<16384xf32, #tpu.memory_space<vmem>>, vector<16xf32>,
      %swap3A_37 = arith.index_cast %mul3A_35 : i32 to index
      %swap3A_38 = tpu.vector_load %arg9[%swap3A_37] {strides = array<i32>} : memref<16384xf32, #tpu.memory_space<vmem>>, vector<16xf32>,
      tpu.vector_store %arg9[%swap3A_37], %broadcast_in_dim3A_9 {strides = array<i32>} : memref<16384xf32, #tpu.memory_space<vmem>>, vector<16xf32>,
      %swap3A_39 = arith.index_cast %mul3A_35 : i32 to index
      %swap3A_40 = tpu.vector_load %arg10[%swap3A_39] {strides = array<i32>} : memref<16384xf32, #tpu.memory_space<vmem>>, vector<16xf32>,
      tpu.vector_store %arg10[%swap3A_39], %broadcast_in_dim3A_9 {strides = array<i32>} : memref<16384xf32, #tpu.memory_space<vmem>>, vector<16xf32>,
      %mul3A_41 = arith.constant 4 : i32
      %mul3A_42 = arith.muli %scan3A_29, %mul3A_41 : i32
      %add3A_43 = arith.constant 1 : i32
      %add3A_44 = arith.addi %mul3A_42, %add3A_43 : i32
      %mul3A_45 = arith.constant 16 : i32
      %mul3A_46 = arith.muli %add3A_44, %mul3A_45 : i32
      %swap3A_47 = arith.index_cast %mul3A_46 : i32 to index
      %swap3A_48 = tpu.vector_load %arg8[%swap3A_47] {strides = array<i32>} : memref<16384xf32, #tpu.memory_space<vmem>>, vector<16xf32>,
      tpu.vector_store %arg8[%swap3A_47], %broadcast_in_dim3A_9 {strides = array<i32>} : memref<16384xf32, #tpu.memory_space<vmem>>, vector<16xf32>,
      %swap3A_49 = arith.index_cast %mul3A_46 : i32 to index
      %swap3A_50 = tpu.vector_load %arg9[%swap3A_49] {strides = array<i32>} : memref<16384xf32, #tpu.memory_space<vmem>>, vector<16xf32>,
      tpu.vector_store %arg9[%swap3A_49], %broadcast_in_dim3A_9 {strides = array<i32>} : memref<16384xf32, #tpu.memory_space<vmem>>, vector<16xf32>,
      %swap3A_51 = arith.index_cast %mul3A_46 : i32 to index
      %swap3A_52 = tpu.vector_load %arg10[%swap3A_51] {strides = array<i32>} : memref<16384xf32, #tpu.memory_space<vmem>>, vector<16xf32>,
      tpu.vector_store %arg10[%swap3A_51], %broadcast_in_dim3A_9 {strides = array<i32>} : memref<16384xf32, #tpu.memory_space<vmem>>, vector<16xf32>,
      %mul3A_53 = arith.constant 4 : i32
      %mul3A_54 = arith.muli %scan3A_29, %mul3A_53 : i32
      %add3A_55 = arith.constant 2 : i32
      %add3A_56 = arith.addi %mul3A_54, %add3A_55 : i32
      %mul3A_57 = arith.constant 16 : i32
      %mul3A_58 = arith.muli %add3A_56, %mul3A_57 : i32
      %swap3A_59 = arith.index_cast %mul3A_58 : i32 to index
      %swap3A_60 = tpu.vector_load %arg8[%swap3A_59] {strides = array<i32>} : memref<16384xf32, #tpu.memory_space<vmem>>, vector<16xf32>,
      tpu.vector_store %arg8[%swap3A_59], %broadcast_in_dim3A_9 {strides = array<i32>} : memref<16384xf32, #tpu.memory_space<vmem>>, vector<16xf32>,
      %swap3A_61 = arith.index_cast %mul3A_58 : i32 to index
      %swap3A_62 = tpu.vector_load %arg9[%swap3A_61] {strides = array<i32>} : memref<16384xf32, #tpu.memory_space<vmem>>, vector<16xf32>,
      tpu.vector_store %arg9[%swap3A_61], %broadcast_in_dim3A_9 {strides = array<i32>} : memref<16384xf32, #tpu.memory_space<vmem>>, vector<16xf32>,
      %swap3A_63 = arith.index_cast %mul3A_58 : i32 to index
      %swap3A_64 = tpu.vector_load %arg10[%swap3A_63] {strides = array<i32>} : memref<16384xf32, #tpu.memory_space<vmem>>, vector<16xf32>,
      tpu.vector_store %arg10[%swap3A_63], %broadcast_in_dim3A_9 {strides = array<i32>} : memref<16384xf32, #tpu.memory_space<vmem>>, vector<16xf32>,
      %mul3A_65 = arith.constant 4 : i32
      %mul3A_66 = arith.muli %scan3A_29, %mul3A_65 : i32
      %add3A_67 = arith.constant 3 : i32
      %add3A_68 = arith.addi %mul3A_66, %add3A_67 : i32
      %mul3A_69 = arith.constant 16 : i32
      %mul3A_70 = arith.muli %add3A_68, %mul3A_69 : i32
      %swap3A_71 = arith.index_cast %mul3A_70 : i32 to index
      %swap3A_72 = tpu.vector_load %arg8[%swap3A_71] {strides = array<i32>} : memref<16384xf32, #tpu.memory_space<vmem>>, vector<16xf32>,
      tpu.vector_store %arg8[%swap3A_71], %broadcast_in_dim3A_9 {strides = array<i32>} : memref<16384xf32, #tpu.memory_space<vmem>>, vector<16xf32>,
      %swap3A_73 = arith.index_cast %mul3A_70 : i32 to index
      %swap3A_74 = tpu.vector_load %arg9[%swap3A_73] {strides = array<i32>} : memref<16384xf32, #tpu.memory_space<vmem>>, vector<16xf32>,
      tpu.vector_store %arg9[%swap3A_73], %broadcast_in_dim3A_9 {strides = array<i32>} : memref<16384xf32, #tpu.memory_space<vmem>>, vector<16xf32>,
      %swap3A_75 = arith.index_cast %mul3A_70 : i32 to index
      %swap3A_76 = tpu.vector_load %arg10[%swap3A_75] {strides = array<i32>} : memref<16384xf32, #tpu.memory_space<vmem>>, vector<16xf32>,
      tpu.vector_store %arg10[%swap3A_75], %broadcast_in_dim3A_9 {strides = array<i32>} : memref<16384xf32, #tpu.memory_space<vmem>>, vector<16xf32>,
    }
    %scan3A_16 = arith.constant 256 : i32
    %scan3A_17 = arith.constant 0 : i32
    %scan3A_18 = arith.constant 0 : i32
    %scan3A_19 = arith.constant 32 : i32
    %scan3A_20 = arith.addi %scan3A_18, %scan3A_19 : i32
    %scan3A_21 = arith.constant 1 : i32
    scf.for %scan3A_29 = %scan3A_18 to %scan3A_20 step %scan3A_21  : i32 {
      %mul3A_30 = arith.constant 4 : i32
      %mul3A_31 = arith.muli %scan3A_29, %mul3A_30 : i32
      %add3A_32 = arith.constant 0 : i32
      %add3A_33 = arith.addi %mul3A_31, %add3A_32 : i32
      %mul3A_34 = arith.constant 16 : i32
      %mul3A_35 = arith.muli %add3A_33, %mul3A_34 : i32
      %get3A = arith.index_cast %mul3A_35 : i32 to index
      %get3A_36 = tpu.vector_load %arg6[%get3A] {strides = array<i32>} : memref<2048xi32, #tpu.memory_space<vmem>>, vector<16xi32>,
      %mul3A_37 = arith.constant 16 : i32
      %mul3A_38 = vector.broadcast %mul3A_37 : i32 to vector<16xi32>
      %mul3A_39 = arith.muli %get3A_36, %mul3A_38 : vector<16xi32>
      %add3A_40 = arith.addi %mul3A_39, %iota3A : vector<16xi32>
      %get3A_41 = arith.index_cast %mul3A_35 : i32 to index
      %get3A_42 = tpu.vector_load %arg7[%get3A_41] {strides = array<i32>} : memref<2048xf32, #tpu.memory_space<vmem>>, vector<16xf32>,
      %gt3A = arith.constant 0.000000e+00 : f32
      %gt3A_43 = vector.broadcast %gt3A : f32 to vector<16xf32>
      %gt3A_44 = arith.cmpf ogt, %get3A_42, %gt3A_43 : vector<16xf32>
      %jit3A = arith.constant 1.000000e+00 : f32
      %jit3A_45 = arith.constant 0.000000e+00 : f32
      %broadcast_in_dim3A_46 = vector.broadcast %jit3A : f32 to vector<16xf32>
      %broadcast_in_dim3A_47 = vector.broadcast %jit3A_45 : f32 to vector<16xf32>
      %select_n3A = arith.select %gt3A_44, %broadcast_in_dim3A_46, %broadcast_in_dim3A_47 : vector<16xi1>, vector<16xf32>
      tpu.vector_store_idx %arg8[%add3A_40], %broadcast_in_dim3A_11 {add = true} : memref<16384xf32, #tpu.memory_space<vmem>>[vector<16xi32>], vector<16xf32>,
      tpu.vector_store_idx %arg9[%add3A_40], %select_n3A {add = true} : memref<16384xf32, #tpu.memory_space<vmem>>[vector<16xi32>], vector<16xf32>,
      %abs3A = math.absf %get3A_42 : vector<16xf32>
      tpu.vector_store_idx %arg10[%add3A_40], %abs3A {add = true} : memref<16384xf32, #tpu.memory_space<vmem>>[vector<16xi32>], vector<16xf32>,
      %mul3A_48 = arith.constant 4 : i32
      %mul3A_49 = arith.muli %scan3A_29, %mul3A_48 : i32
      %add3A_50 = arith.constant 1 : i32
      %add3A_51 = arith.addi %mul3A_49, %add3A_50 : i32
      %mul3A_52 = arith.constant 16 : i32
      %mul3A_53 = arith.muli %add3A_51, %mul3A_52 : i32
      %get3A_54 = arith.index_cast %mul3A_53 : i32 to index
      %get3A_55 = tpu.vector_load %arg6[%get3A_54] {strides = array<i32>} : memref<2048xi32, #tpu.memory_space<vmem>>, vector<16xi32>,
      %mul3A_56 = arith.constant 16 : i32
      %mul3A_57 = vector.broadcast %mul3A_56 : i32 to vector<16xi32>
      %mul3A_58 = arith.muli %get3A_55, %mul3A_57 : vector<16xi32>
      %add3A_59 = arith.addi %mul3A_58, %iota3A : vector<16xi32>
      %get3A_60 = arith.index_cast %mul3A_53 : i32 to index
      %get3A_61 = tpu.vector_load %arg7[%get3A_60] {strides = array<i32>} : memref<2048xf32, #tpu.memory_space<vmem>>, vector<16xf32>,
      %gt3A_62 = arith.constant 0.000000e+00 : f32
      %gt3A_63 = vector.broadcast %gt3A_62 : f32 to vector<16xf32>
      %gt3A_64 = arith.cmpf ogt, %get3A_61, %gt3A_63 : vector<16xf32>
      %jit3A_65 = arith.constant 1.000000e+00 : f32
      %jit3A_66 = arith.constant 0.000000e+00 : f32
      %broadcast_in_dim3A_67 = vector.broadcast %jit3A_65 : f32 to vector<16xf32>
      %broadcast_in_dim3A_68 = vector.broadcast %jit3A_66 : f32 to vector<16xf32>
      %select_n3A_69 = arith.select %gt3A_64, %broadcast_in_dim3A_67, %broadcast_in_dim3A_68 : vector<16xi1>, vector<16xf32>
      tpu.vector_store_idx %arg8[%add3A_59], %broadcast_in_dim3A_11 {add = true} : memref<16384xf32, #tpu.memory_space<vmem>>[vector<16xi32>], vector<16xf32>,
      tpu.vector_store_idx %arg9[%add3A_59], %select_n3A_69 {add = true} : memref<16384xf32, #tpu.memory_space<vmem>>[vector<16xi32>], vector<16xf32>,
      %abs3A_70 = math.absf %get3A_61 : vector<16xf32>
      tpu.vector_store_idx %arg10[%add3A_59], %abs3A_70 {add = true} : memref<16384xf32, #tpu.memory_space<vmem>>[vector<16xi32>], vector<16xf32>,
      %mul3A_71 = arith.constant 4 : i32
      %mul3A_72 = arith.muli %scan3A_29, %mul3A_71 : i32
      %add3A_73 = arith.constant 2 : i32
      %add3A_74 = arith.addi %mul3A_72, %add3A_73 : i32
      %mul3A_75 = arith.constant 16 : i32
      %mul3A_76 = arith.muli %add3A_74, %mul3A_75 : i32
      %get3A_77 = arith.index_cast %mul3A_76 : i32 to index
      %get3A_78 = tpu.vector_load %arg6[%get3A_77] {strides = array<i32>} : memref<2048xi32, #tpu.memory_space<vmem>>, vector<16xi32>,
      %mul3A_79 = arith.constant 16 : i32
      %mul3A_80 = vector.broadcast %mul3A_79 : i32 to vector<16xi32>
      %mul3A_81 = arith.muli %get3A_78, %mul3A_80 : vector<16xi32>
      %add3A_82 = arith.addi %mul3A_81, %iota3A : vector<16xi32>
      %get3A_83 = arith.index_cast %mul3A_76 : i32 to index
      %get3A_84 = tpu.vector_load %arg7[%get3A_83] {strides = array<i32>} : memref<2048xf32, #tpu.memory_space<vmem>>, vector<16xf32>,
      %gt3A_85 = arith.constant 0.000000e+00 : f32
      %gt3A_86 = vector.broadcast %gt3A_85 : f32 to vector<16xf32>
      %gt3A_87 = arith.cmpf ogt, %get3A_84, %gt3A_86 : vector<16xf32>
      %jit3A_88 = arith.constant 1.000000e+00 : f32
      %jit3A_89 = arith.constant 0.000000e+00 : f32
      %broadcast_in_dim3A_90 = vector.broadcast %jit3A_88 : f32 to vector<16xf32>
      %broadcast_in_dim3A_91 = vector.broadcast %jit3A_89 : f32 to vector<16xf32>
      %select_n3A_92 = arith.select %gt3A_87, %broadcast_in_dim3A_90, %broadcast_in_dim3A_91 : vector<16xi1>, vector<16xf32>
      tpu.vector_store_idx %arg8[%add3A_82], %broadcast_in_dim3A_11 {add = true} : memref<16384xf32, #tpu.memory_space<vmem>>[vector<16xi32>], vector<16xf32>,
      tpu.vector_store_idx %arg9[%add3A_82], %select_n3A_92 {add = true} : memref<16384xf32, #tpu.memory_space<vmem>>[vector<16xi32>], vector<16xf32>,
      %abs3A_93 = math.absf %get3A_84 : vector<16xf32>
      tpu.vector_store_idx %arg10[%add3A_82], %abs3A_93 {add = true} : memref<16384xf32, #tpu.memory_space<vmem>>[vector<16xi32>], vector<16xf32>,
      %mul3A_94 = arith.constant 4 : i32
      %mul3A_95 = arith.muli %scan3A_29, %mul3A_94 : i32
      %add3A_96 = arith.constant 3 : i32
      %add3A_97 = arith.addi %mul3A_95, %add3A_96 : i32
      %mul3A_98 = arith.constant 16 : i32
      %mul3A_99 = arith.muli %add3A_97, %mul3A_98 : i32
      %get3A_100 = arith.index_cast %mul3A_99 : i32 to index
      %get3A_101 = tpu.vector_load %arg6[%get3A_100] {strides = array<i32>} : memref<2048xi32, #tpu.memory_space<vmem>>, vector<16xi32>,
      %mul3A_102 = arith.constant 16 : i32
      %mul3A_103 = vector.broadcast %mul3A_102 : i32 to vector<16xi32>
      %mul3A_104 = arith.muli %get3A_101, %mul3A_103 : vector<16xi32>
      %add3A_105 = arith.addi %mul3A_104, %iota3A : vector<16xi32>
      %get3A_106 = arith.index_cast %mul3A_99 : i32 to index
      %get3A_107 = tpu.vector_load %arg7[%get3A_106] {strides = array<i32>} : memref<2048xf32, #tpu.memory_space<vmem>>, vector<16xf32>,
      %gt3A_108 = arith.constant 0.000000e+00 : f32
      %gt3A_109 = vector.broadcast %gt3A_108 : f32 to vector<16xf32>
      %gt3A_110 = arith.cmpf ogt, %get3A_107, %gt3A_109 : vector<16xf32>
      %jit3A_111 = arith.constant 1.000000e+00 : f32
      %jit3A_112 = arith.constant 0.000000e+00 : f32
      %broadcast_in_dim3A_113 = vector.broadcast %jit3A_111 : f32 to vector<16xf32>
      %broadcast_in_dim3A_114 = vector.broadcast %jit3A_112 : f32 to vector<16xf32>
      %select_n3A_115 = arith.select %gt3A_110, %broadcast_in_dim3A_113, %broadcast_in_dim3A_114 : vector<16xi1>, vector<16xf32>
      tpu.vector_store_idx %arg8[%add3A_105], %broadcast_in_dim3A_11 {add = true} : memref<16384xf32, #tpu.memory_space<vmem>>[vector<16xi32>], vector<16xf32>,
      tpu.vector_store_idx %arg9[%add3A_105], %select_n3A_115 {add = true} : memref<16384xf32, #tpu.memory_space<vmem>>[vector<16xi32>], vector<16xf32>,
      %abs3A_116 = math.absf %get3A_107 : vector<16xf32>
      tpu.vector_store_idx %arg10[%add3A_105], %abs3A_116 {add = true} : memref<16384xf32, #tpu.memory_space<vmem>>[vector<16xi32>], vector<16xf32>,
    }
    %scan3A_22 = arith.constant 32 : i32
    %scan3A_23 = arith.constant 0 : i32
    %scan3A_24 = arith.constant 0 : i32
    %scan3A_25 = arith.constant 64 : i32
    %scan3A_26 = arith.addi %scan3A_24, %scan3A_25 : i32
    %scan3A_27 = arith.constant 1 : i32
    scf.for %scan3A_29 = %scan3A_24 to %scan3A_26 step %scan3A_27  : i32 {
      %mul3A_30 = arith.constant 16 : i32
      %mul3A_31 = arith.muli %scan3A_29, %mul3A_30 : i32
      %add3A_32 = vector.broadcast %mul3A_31 : i32 to vector<16xi32>
      %add3A_33 = arith.addi %add3A_32, %iota3A : vector<16xi32>
      %mul3A_34 = arith.constant 16 : i32
      %mul3A_35 = vector.broadcast %mul3A_34 : i32 to vector<16xi32>
      %mul3A_36 = arith.muli %add3A_33, %mul3A_35 : vector<16xi32>
      %add3A_37 = arith.constant 0 : i32
      %add3A_38 = vector.broadcast %add3A_37 : i32 to vector<16xi32>
      %add3A_39 = arith.addi %mul3A_36, %add3A_38 : vector<16xi32>
      %gather3A = tpu.vector_load_idx %arg8[%add3A_39] : memref<16384xf32, #tpu.memory_space<vmem>>[vector<16xi32>], vector<16xf32>,
      %add3A_40 = arith.addf %broadcast_in_dim3A_9, %gather3A : vector<16xf32>
      %add3A_41 = arith.constant 1 : i32
      %add3A_42 = vector.broadcast %add3A_41 : i32 to vector<16xi32>
      %add3A_43 = arith.addi %mul3A_36, %add3A_42 : vector<16xi32>
      %gather3A_44 = tpu.vector_load_idx %arg8[%add3A_43] : memref<16384xf32, #tpu.memory_space<vmem>>[vector<16xi32>], vector<16xf32>,
      %add3A_45 = arith.addf %add3A_40, %gather3A_44 : vector<16xf32>
      %add3A_46 = arith.constant 2 : i32
      %add3A_47 = vector.broadcast %add3A_46 : i32 to vector<16xi32>
      %add3A_48 = arith.addi %mul3A_36, %add3A_47 : vector<16xi32>
      %gather3A_49 = tpu.vector_load_idx %arg8[%add3A_48] : memref<16384xf32, #tpu.memory_space<vmem>>[vector<16xi32>], vector<16xf32>,
      %add3A_50 = arith.addf %add3A_45, %gather3A_49 : vector<16xf32>
      %add3A_51 = arith.constant 3 : i32
      %add3A_52 = vector.broadcast %add3A_51 : i32 to vector<16xi32>
      %add3A_53 = arith.addi %mul3A_36, %add3A_52 : vector<16xi32>
      %gather3A_54 = tpu.vector_load_idx %arg8[%add3A_53] : memref<16384xf32, #tpu.memory_space<vmem>>[vector<16xi32>], vector<16xf32>,
      %add3A_55 = arith.addf %add3A_50, %gather3A_54 : vector<16xf32>
      %add3A_56 = arith.constant 4 : i32
      %add3A_57 = vector.broadcast %add3A_56 : i32 to vector<16xi32>
      %add3A_58 = arith.addi %mul3A_36, %add3A_57 : vector<16xi32>
      %gather3A_59 = tpu.vector_load_idx %arg8[%add3A_58] : memref<16384xf32, #tpu.memory_space<vmem>>[vector<16xi32>], vector<16xf32>,
      %add3A_60 = arith.addf %add3A_55, %gather3A_59 : vector<16xf32>
      %add3A_61 = arith.constant 5 : i32
      %add3A_62 = vector.broadcast %add3A_61 : i32 to vector<16xi32>
      %add3A_63 = arith.addi %mul3A_36, %add3A_62 : vector<16xi32>
      %gather3A_64 = tpu.vector_load_idx %arg8[%add3A_63] : memref<16384xf32, #tpu.memory_space<vmem>>[vector<16xi32>], vector<16xf32>,
      %add3A_65 = arith.addf %add3A_60, %gather3A_64 : vector<16xf32>
      %add3A_66 = arith.constant 6 : i32
      %add3A_67 = vector.broadcast %add3A_66 : i32 to vector<16xi32>
      %add3A_68 = arith.addi %mul3A_36, %add3A_67 : vector<16xi32>
      %gather3A_69 = tpu.vector_load_idx %arg8[%add3A_68] : memref<16384xf32, #tpu.memory_space<vmem>>[vector<16xi32>], vector<16xf32>,
      %add3A_70 = arith.addf %add3A_65, %gather3A_69 : vector<16xf32>
      %add3A_71 = arith.constant 7 : i32
      %add3A_72 = vector.broadcast %add3A_71 : i32 to vector<16xi32>
      %add3A_73 = arith.addi %mul3A_36, %add3A_72 : vector<16xi32>
      %gather3A_74 = tpu.vector_load_idx %arg8[%add3A_73] : memref<16384xf32, #tpu.memory_space<vmem>>[vector<16xi32>], vector<16xf32>,
      %add3A_75 = arith.addf %add3A_70, %gather3A_74 : vector<16xf32>
      %add3A_76 = arith.constant 8 : i32
      %add3A_77 = vector.broadcast %add3A_76 : i32 to vector<16xi32>
      %add3A_78 = arith.addi %mul3A_36, %add3A_77 : vector<16xi32>
      %gather3A_79 = tpu.vector_load_idx %arg8[%add3A_78] : memref<16384xf32, #tpu.memory_space<vmem>>[vector<16xi32>], vector<16xf32>,
      %add3A_80 = arith.addf %add3A_75, %gather3A_79 : vector<16xf32>
      %add3A_81 = arith.constant 9 : i32
      %add3A_82 = vector.broadcast %add3A_81 : i32 to vector<16xi32>
      %add3A_83 = arith.addi %mul3A_36, %add3A_82 : vector<16xi32>
      %gather3A_84 = tpu.vector_load_idx %arg8[%add3A_83] : memref<16384xf32, #tpu.memory_space<vmem>>[vector<16xi32>], vector<16xf32>,
      %add3A_85 = arith.addf %add3A_80, %gather3A_84 : vector<16xf32>
      %add3A_86 = arith.constant 10 : i32
      %add3A_87 = vector.broadcast %add3A_86 : i32 to vector<16xi32>
      %add3A_88 = arith.addi %mul3A_36, %add3A_87 : vector<16xi32>
      %gather3A_89 = tpu.vector_load_idx %arg8[%add3A_88] : memref<16384xf32, #tpu.memory_space<vmem>>[vector<16xi32>], vector<16xf32>,
      %add3A_90 = arith.addf %add3A_85, %gather3A_89 : vector<16xf32>
      %add3A_91 = arith.constant 11 : i32
      %add3A_92 = vector.broadcast %add3A_91 : i32 to vector<16xi32>
      %add3A_93 = arith.addi %mul3A_36, %add3A_92 : vector<16xi32>
      %gather3A_94 = tpu.vector_load_idx %arg8[%add3A_93] : memref<16384xf32, #tpu.memory_space<vmem>>[vector<16xi32>], vector<16xf32>,
      %add3A_95 = arith.addf %add3A_90, %gather3A_94 : vector<16xf32>
      %add3A_96 = arith.constant 12 : i32
      %add3A_97 = vector.broadcast %add3A_96 : i32 to vector<16xi32>
      %add3A_98 = arith.addi %mul3A_36, %add3A_97 : vector<16xi32>
      %gather3A_99 = tpu.vector_load_idx %arg8[%add3A_98] : memref<16384xf32, #tpu.memory_space<vmem>>[vector<16xi32>], vector<16xf32>,
      %add3A_100 = arith.addf %add3A_95, %gather3A_99 : vector<16xf32>
      %add3A_101 = arith.constant 13 : i32
      %add3A_102 = vector.broadcast %add3A_101 : i32 to vector<16xi32>
      %add3A_103 = arith.addi %mul3A_36, %add3A_102 : vector<16xi32>
      %gather3A_104 = tpu.vector_load_idx %arg8[%add3A_103] : memref<16384xf32, #tpu.memory_space<vmem>>[vector<16xi32>], vector<16xf32>,
      %add3A_105 = arith.addf %add3A_100, %gather3A_104 : vector<16xf32>
      %add3A_106 = arith.constant 14 : i32
      %add3A_107 = vector.broadcast %add3A_106 : i32 to vector<16xi32>
      %add3A_108 = arith.addi %mul3A_36, %add3A_107 : vector<16xi32>
      %gather3A_109 = tpu.vector_load_idx %arg8[%add3A_108] : memref<16384xf32, #tpu.memory_space<vmem>>[vector<16xi32>], vector<16xf32>,
      %add3A_110 = arith.addf %add3A_105, %gather3A_109 : vector<16xf32>
      %add3A_111 = arith.constant 15 : i32
      %add3A_112 = vector.broadcast %add3A_111 : i32 to vector<16xi32>
      %add3A_113 = arith.addi %mul3A_36, %add3A_112 : vector<16xi32>
      %gather3A_114 = tpu.vector_load_idx %arg8[%add3A_113] : memref<16384xf32, #tpu.memory_space<vmem>>[vector<16xi32>], vector<16xf32>,
      %add3A_115 = arith.addf %add3A_110, %gather3A_114 : vector<16xf32>
      %mul3A_116 = arith.constant 16 : i32
      %mul3A_117 = arith.muli %scan3A_29, %mul3A_116 : i32
      %add3A_118 = arith.constant 0 : i32
      %add3A_119 = arith.addi %add3A_118, %mul3A_117 : i32
      %swap3A = arith.index_cast %add3A_119 : i32 to index
      %swap3A_120 = tpu.vector_load %arg11[%swap3A] {strides = array<i32>} : memref<3072xf32, #tpu.memory_space<vmem>>, vector<16xf32>,
      tpu.vector_store %arg11[%swap3A], %add3A_115 {strides = array<i32>} : memref<3072xf32, #tpu.memory_space<vmem>>, vector<16xf32>,
      %add3A_121 = arith.constant 0 : i32
      %add3A_122 = vector.broadcast %add3A_121 : i32 to vector<16xi32>
      %add3A_123 = arith.addi %mul3A_36, %add3A_122 : vector<16xi32>
      %gather3A_124 = tpu.vector_load_idx %arg9[%add3A_123] : memref<16384xf32, #tpu.memory_space<vmem>>[vector<16xi32>], vector<16xf32>,
      %add3A_125 = arith.addf %broadcast_in_dim3A_9, %gather3A_124 : vector<16xf32>
      %add3A_126 = arith.constant 1 : i32
      %add3A_127 = vector.broadcast %add3A_126 : i32 to vector<16xi32>
      %add3A_128 = arith.addi %mul3A_36, %add3A_127 : vector<16xi32>
      %gather3A_129 = tpu.vector_load_idx %arg9[%add3A_128] : memref<16384xf32, #tpu.memory_space<vmem>>[vector<16xi32>], vector<16xf32>,
      %add3A_130 = arith.addf %add3A_125, %gather3A_129 : vector<16xf32>
      %add3A_131 = arith.constant 2 : i32
      %add3A_132 = vector.broadcast %add3A_131 : i32 to vector<16xi32>
      %add3A_133 = arith.addi %mul3A_36, %add3A_132 : vector<16xi32>
      %gather3A_134 = tpu.vector_load_idx %arg9[%add3A_133] : memref<16384xf32, #tpu.memory_space<vmem>>[vector<16xi32>], vector<16xf32>,
      %add3A_135 = arith.addf %add3A_130, %gather3A_134 : vector<16xf32>
      %add3A_136 = arith.constant 3 : i32
      %add3A_137 = vector.broadcast %add3A_136 : i32 to vector<16xi32>
      %add3A_138 = arith.addi %mul3A_36, %add3A_137 : vector<16xi32>
      %gather3A_139 = tpu.vector_load_idx %arg9[%add3A_138] : memref<16384xf32, #tpu.memory_space<vmem>>[vector<16xi32>], vector<16xf32>,
      %add3A_140 = arith.addf %add3A_135, %gather3A_139 : vector<16xf32>
      %add3A_141 = arith.constant 4 : i32
      %add3A_142 = vector.broadcast %add3A_141 : i32 to vector<16xi32>
      %add3A_143 = arith.addi %mul3A_36, %add3A_142 : vector<16xi32>
      %gather3A_144 = tpu.vector_load_idx %arg9[%add3A_143] : memref<16384xf32, #tpu.memory_space<vmem>>[vector<16xi32>], vector<16xf32>,
      %add3A_145 = arith.addf %add3A_140, %gather3A_144 : vector<16xf32>
      %add3A_146 = arith.constant 5 : i32
      %add3A_147 = vector.broadcast %add3A_146 : i32 to vector<16xi32>
      %add3A_148 = arith.addi %mul3A_36, %add3A_147 : vector<16xi32>
      %gather3A_149 = tpu.vector_load_idx %arg9[%add3A_148] : memref<16384xf32, #tpu.memory_space<vmem>>[vector<16xi32>], vector<16xf32>,
      %add3A_150 = arith.addf %add3A_145, %gather3A_149 : vector<16xf32>
      %add3A_151 = arith.constant 6 : i32
      %add3A_152 = vector.broadcast %add3A_151 : i32 to vector<16xi32>
      %add3A_153 = arith.addi %mul3A_36, %add3A_152 : vector<16xi32>
      %gather3A_154 = tpu.vector_load_idx %arg9[%add3A_153] : memref<16384xf32, #tpu.memory_space<vmem>>[vector<16xi32>], vector<16xf32>,
      %add3A_155 = arith.addf %add3A_150, %gather3A_154 : vector<16xf32>
      %add3A_156 = arith.constant 7 : i32
      %add3A_157 = vector.broadcast %add3A_156 : i32 to vector<16xi32>
      %add3A_158 = arith.addi %mul3A_36, %add3A_157 : vector<16xi32>
      %gather3A_159 = tpu.vector_load_idx %arg9[%add3A_158] : memref<16384xf32, #tpu.memory_space<vmem>>[vector<16xi32>], vector<16xf32>,
      %add3A_160 = arith.addf %add3A_155, %gather3A_159 : vector<16xf32>
      %add3A_161 = arith.constant 8 : i32
      %add3A_162 = vector.broadcast %add3A_161 : i32 to vector<16xi32>
      %add3A_163 = arith.addi %mul3A_36, %add3A_162 : vector<16xi32>
      %gather3A_164 = tpu.vector_load_idx %arg9[%add3A_163] : memref<16384xf32, #tpu.memory_space<vmem>>[vector<16xi32>], vector<16xf32>,
      %add3A_165 = arith.addf %add3A_160, %gather3A_164 : vector<16xf32>
      %add3A_166 = arith.constant 9 : i32
      %add3A_167 = vector.broadcast %add3A_166 : i32 to vector<16xi32>
      %add3A_168 = arith.addi %mul3A_36, %add3A_167 : vector<16xi32>
      %gather3A_169 = tpu.vector_load_idx %arg9[%add3A_168] : memref<16384xf32, #tpu.memory_space<vmem>>[vector<16xi32>], vector<16xf32>,
      %add3A_170 = arith.addf %add3A_165, %gather3A_169 : vector<16xf32>
      %add3A_171 = arith.constant 10 : i32
      %add3A_172 = vector.broadcast %add3A_171 : i32 to vector<16xi32>
      %add3A_173 = arith.addi %mul3A_36, %add3A_172 : vector<16xi32>
      %gather3A_174 = tpu.vector_load_idx %arg9[%add3A_173] : memref<16384xf32, #tpu.memory_space<vmem>>[vector<16xi32>], vector<16xf32>,
      %add3A_175 = arith.addf %add3A_170, %gather3A_174 : vector<16xf32>
      %add3A_176 = arith.constant 11 : i32
      %add3A_177 = vector.broadcast %add3A_176 : i32 to vector<16xi32>
      %add3A_178 = arith.addi %mul3A_36, %add3A_177 : vector<16xi32>
      %gather3A_179 = tpu.vector_load_idx %arg9[%add3A_178] : memref<16384xf32, #tpu.memory_space<vmem>>[vector<16xi32>], vector<16xf32>,
      %add3A_180 = arith.addf %add3A_175, %gather3A_179 : vector<16xf32>
      %add3A_181 = arith.constant 12 : i32
      %add3A_182 = vector.broadcast %add3A_181 : i32 to vector<16xi32>
      %add3A_183 = arith.addi %mul3A_36, %add3A_182 : vector<16xi32>
      %gather3A_184 = tpu.vector_load_idx %arg9[%add3A_183] : memref<16384xf32, #tpu.memory_space<vmem>>[vector<16xi32>], vector<16xf32>,
      %add3A_185 = arith.addf %add3A_180, %gather3A_184 : vector<16xf32>
      %add3A_186 = arith.constant 13 : i32
      %add3A_187 = vector.broadcast %add3A_186 : i32 to vector<16xi32>
      %add3A_188 = arith.addi %mul3A_36, %add3A_187 : vector<16xi32>
      %gather3A_189 = tpu.vector_load_idx %arg9[%add3A_188] : memref<16384xf32, #tpu.memory_space<vmem>>[vector<16xi32>], vector<16xf32>,
      %add3A_190 = arith.addf %add3A_185, %gather3A_189 : vector<16xf32>
      %add3A_191 = arith.constant 14 : i32
      %add3A_192 = vector.broadcast %add3A_191 : i32 to vector<16xi32>
      %add3A_193 = arith.addi %mul3A_36, %add3A_192 : vector<16xi32>
      %gather3A_194 = tpu.vector_load_idx %arg9[%add3A_193] : memref<16384xf32, #tpu.memory_space<vmem>>[vector<16xi32>], vector<16xf32>,
      %add3A_195 = arith.addf %add3A_190, %gather3A_194 : vector<16xf32>
      %add3A_196 = arith.constant 15 : i32
      %add3A_197 = vector.broadcast %add3A_196 : i32 to vector<16xi32>
      %add3A_198 = arith.addi %mul3A_36, %add3A_197 : vector<16xi32>
      %gather3A_199 = tpu.vector_load_idx %arg9[%add3A_198] : memref<16384xf32, #tpu.memory_space<vmem>>[vector<16xi32>], vector<16xf32>,
      %add3A_200 = arith.addf %add3A_195, %gather3A_199 : vector<16xf32>
      %mul3A_201 = arith.constant 16 : i32
      %mul3A_202 = arith.muli %scan3A_29, %mul3A_201 : i32
      %add3A_203 = arith.constant 1024 : i32
      %add3A_204 = arith.addi %add3A_203, %mul3A_202 : i32
      %swap3A_205 = arith.index_cast %add3A_204 : i32 to index
      %swap3A_206 = tpu.vector_load %arg11[%swap3A_205] {strides = array<i32>} : memref<3072xf32, #tpu.memory_space<vmem>>, vector<16xf32>,
      tpu.vector_store %arg11[%swap3A_205], %add3A_200 {strides = array<i32>} : memref<3072xf32, #tpu.memory_space<vmem>>, vector<16xf32>,
      %add3A_207 = arith.constant 0 : i32
      %add3A_208 = vector.broadcast %add3A_207 : i32 to vector<16xi32>
      %add3A_209 = arith.addi %mul3A_36, %add3A_208 : vector<16xi32>
      %gather3A_210 = tpu.vector_load_idx %arg10[%add3A_209] : memref<16384xf32, #tpu.memory_space<vmem>>[vector<16xi32>], vector<16xf32>,
      %add3A_211 = arith.addf %broadcast_in_dim3A_9, %gather3A_210 : vector<16xf32>
      %add3A_212 = arith.constant 1 : i32
      %add3A_213 = vector.broadcast %add3A_212 : i32 to vector<16xi32>
      %add3A_214 = arith.addi %mul3A_36, %add3A_213 : vector<16xi32>
      %gather3A_215 = tpu.vector_load_idx %arg10[%add3A_214] : memref<16384xf32, #tpu.memory_space<vmem>>[vector<16xi32>], vector<16xf32>,
      %add3A_216 = arith.addf %add3A_211, %gather3A_215 : vector<16xf32>
      %add3A_217 = arith.constant 2 : i32
      %add3A_218 = vector.broadcast %add3A_217 : i32 to vector<16xi32>
      %add3A_219 = arith.addi %mul3A_36, %add3A_218 : vector<16xi32>
      %gather3A_220 = tpu.vector_load_idx %arg10[%add3A_219] : memref<16384xf32, #tpu.memory_space<vmem>>[vector<16xi32>], vector<16xf32>,
      %add3A_221 = arith.addf %add3A_216, %gather3A_220 : vector<16xf32>
      %add3A_222 = arith.constant 3 : i32
      %add3A_223 = vector.broadcast %add3A_222 : i32 to vector<16xi32>
      %add3A_224 = arith.addi %mul3A_36, %add3A_223 : vector<16xi32>
      %gather3A_225 = tpu.vector_load_idx %arg10[%add3A_224] : memref<16384xf32, #tpu.memory_space<vmem>>[vector<16xi32>], vector<16xf32>,
      %add3A_226 = arith.addf %add3A_221, %gather3A_225 : vector<16xf32>
      %add3A_227 = arith.constant 4 : i32
      %add3A_228 = vector.broadcast %add3A_227 : i32 to vector<16xi32>
      %add3A_229 = arith.addi %mul3A_36, %add3A_228 : vector<16xi32>
      %gather3A_230 = tpu.vector_load_idx %arg10[%add3A_229] : memref<16384xf32, #tpu.memory_space<vmem>>[vector<16xi32>], vector<16xf32>,
      %add3A_231 = arith.addf %add3A_226, %gather3A_230 : vector<16xf32>
      %add3A_232 = arith.constant 5 : i32
      %add3A_233 = vector.broadcast %add3A_232 : i32 to vector<16xi32>
      %add3A_234 = arith.addi %mul3A_36, %add3A_233 : vector<16xi32>
      %gather3A_235 = tpu.vector_load_idx %arg10[%add3A_234] : memref<16384xf32, #tpu.memory_space<vmem>>[vector<16xi32>], vector<16xf32>,
      %add3A_236 = arith.addf %add3A_231, %gather3A_235 : vector<16xf32>
      %add3A_237 = arith.constant 6 : i32
      %add3A_238 = vector.broadcast %add3A_237 : i32 to vector<16xi32>
      %add3A_239 = arith.addi %mul3A_36, %add3A_238 : vector<16xi32>
      %gather3A_240 = tpu.vector_load_idx %arg10[%add3A_239] : memref<16384xf32, #tpu.memory_space<vmem>>[vector<16xi32>], vector<16xf32>,
      %add3A_241 = arith.addf %add3A_236, %gather3A_240 : vector<16xf32>
      %add3A_242 = arith.constant 7 : i32
      %add3A_243 = vector.broadcast %add3A_242 : i32 to vector<16xi32>
      %add3A_244 = arith.addi %mul3A_36, %add3A_243 : vector<16xi32>
      %gather3A_245 = tpu.vector_load_idx %arg10[%add3A_244] : memref<16384xf32, #tpu.memory_space<vmem>>[vector<16xi32>], vector<16xf32>,
      %add3A_246 = arith.addf %add3A_241, %gather3A_245 : vector<16xf32>
      %add3A_247 = arith.constant 8 : i32
      %add3A_248 = vector.broadcast %add3A_247 : i32 to vector<16xi32>
      %add3A_249 = arith.addi %mul3A_36, %add3A_248 : vector<16xi32>
      %gather3A_250 = tpu.vector_load_idx %arg10[%add3A_249] : memref<16384xf32, #tpu.memory_space<vmem>>[vector<16xi32>], vector<16xf32>,
      %add3A_251 = arith.addf %add3A_246, %gather3A_250 : vector<16xf32>
      %add3A_252 = arith.constant 9 : i32
      %add3A_253 = vector.broadcast %add3A_252 : i32 to vector<16xi32>
      %add3A_254 = arith.addi %mul3A_36, %add3A_253 : vector<16xi32>
      %gather3A_255 = tpu.vector_load_idx %arg10[%add3A_254] : memref<16384xf32, #tpu.memory_space<vmem>>[vector<16xi32>], vector<16xf32>,
      %add3A_256 = arith.addf %add3A_251, %gather3A_255 : vector<16xf32>
      %add3A_257 = arith.constant 10 : i32
      %add3A_258 = vector.broadcast %add3A_257 : i32 to vector<16xi32>
      %add3A_259 = arith.addi %mul3A_36, %add3A_258 : vector<16xi32>
      %gather3A_260 = tpu.vector_load_idx %arg10[%add3A_259] : memref<16384xf32, #tpu.memory_space<vmem>>[vector<16xi32>], vector<16xf32>,
      %add3A_261 = arith.addf %add3A_256, %gather3A_260 : vector<16xf32>
      %add3A_262 = arith.constant 11 : i32
      %add3A_263 = vector.broadcast %add3A_262 : i32 to vector<16xi32>
      %add3A_264 = arith.addi %mul3A_36, %add3A_263 : vector<16xi32>
      %gather3A_265 = tpu.vector_load_idx %arg10[%add3A_264] : memref<16384xf32, #tpu.memory_space<vmem>>[vector<16xi32>], vector<16xf32>,
      %add3A_266 = arith.addf %add3A_261, %gather3A_265 : vector<16xf32>
      %add3A_267 = arith.constant 12 : i32
      %add3A_268 = vector.broadcast %add3A_267 : i32 to vector<16xi32>
      %add3A_269 = arith.addi %mul3A_36, %add3A_268 : vector<16xi32>
      %gather3A_270 = tpu.vector_load_idx %arg10[%add3A_269] : memref<16384xf32, #tpu.memory_space<vmem>>[vector<16xi32>], vector<16xf32>,
      %add3A_271 = arith.addf %add3A_266, %gather3A_270 : vector<16xf32>
      %add3A_272 = arith.constant 13 : i32
      %add3A_273 = vector.broadcast %add3A_272 : i32 to vector<16xi32>
      %add3A_274 = arith.addi %mul3A_36, %add3A_273 : vector<16xi32>
      %gather3A_275 = tpu.vector_load_idx %arg10[%add3A_274] : memref<16384xf32, #tpu.memory_space<vmem>>[vector<16xi32>], vector<16xf32>,
      %add3A_276 = arith.addf %add3A_271, %gather3A_275 : vector<16xf32>
      %add3A_277 = arith.constant 14 : i32
      %add3A_278 = vector.broadcast %add3A_277 : i32 to vector<16xi32>
      %add3A_279 = arith.addi %mul3A_36, %add3A_278 : vector<16xi32>
      %gather3A_280 = tpu.vector_load_idx %arg10[%add3A_279] : memref<16384xf32, #tpu.memory_space<vmem>>[vector<16xi32>], vector<16xf32>,
      %add3A_281 = arith.addf %add3A_276, %gather3A_280 : vector<16xf32>
      %add3A_282 = arith.constant 15 : i32
      %add3A_283 = vector.broadcast %add3A_282 : i32 to vector<16xi32>
      %add3A_284 = arith.addi %mul3A_36, %add3A_283 : vector<16xi32>
      %gather3A_285 = tpu.vector_load_idx %arg10[%add3A_284] : memref<16384xf32, #tpu.memory_space<vmem>>[vector<16xi32>], vector<16xf32>,
      %add3A_286 = arith.addf %add3A_281, %gather3A_285 : vector<16xf32>
      %mul3A_287 = arith.constant 16 : i32
      %mul3A_288 = arith.muli %scan3A_29, %mul3A_287 : i32
      %add3A_289 = arith.constant 2048 : i32
      %add3A_290 = arith.addi %add3A_289, %mul3A_288 : i32
      %swap3A_291 = arith.index_cast %add3A_290 : i32 to index
      %swap3A_292 = tpu.vector_load %arg11[%swap3A_291] {strides = array<i32>} : memref<3072xf32, #tpu.memory_space<vmem>>, vector<16xf32>,
      tpu.vector_store %arg11[%swap3A_291], %add3A_286 {strides = array<i32>} : memref<3072xf32, #tpu.memory_space<vmem>>, vector<16xf32>,
    }
    %scan3A_28 = arith.constant 64 : i32
    "tpu.region"() ({
      %run_scoped3A = tpu.sem_alloc : memref<!tpu.dma_semaphore, #tpu.memory_space<semaphore_mem>>
      %dma_start3A = arith.constant 0 : i32
      %dma_start3A_29 = tpu.memref_slice %arg5[%add3A, %dma_start3A] : memref<32x3072xf32, #tpu.memory_space<hbm>> -> memref<1x3072xf32, #tpu.memory_space<hbm>>
      %dma_start3A_30 = tpu.memref_squeeze %dma_start3A_29 : memref<1x3072xf32, #tpu.memory_space<hbm>> -> memref<3072xf32, #tpu.memory_space<hbm>>
      %dma_start3A_31 = arith.constant 0 : i32
      %dma_start3A_32 = tpu.memref_slice %arg5[%add3A, %dma_start3A_31] : memref<32x3072xf32, #tpu.memory_space<hbm>> -> memref<1x3072xf32, #tpu.memory_space<hbm>>
      %dma_start3A_33 = tpu.memref_squeeze %dma_start3A_32 : memref<1x3072xf32, #tpu.memory_space<hbm>> -> memref<3072xf32, #tpu.memory_space<hbm>>
      tpu.enqueue_dma source(%arg11 : memref<3072xf32, #tpu.memory_space<vmem>>) target(%dma_start3A_33 : memref<3072xf32, #tpu.memory_space<hbm>>) target_semaphore(%run_scoped3A : memref<!tpu.dma_semaphore, #tpu.memory_space<semaphore_mem>>)
      %dma_wait3A = arith.constant 0 : i32
      %dma_wait3A_34 = tpu.memref_slice %arg5[%add3A, %dma_wait3A] : memref<32x3072xf32, #tpu.memory_space<hbm>> -> memref<1x3072xf32, #tpu.memory_space<hbm>>
      %dma_wait3A_35 = tpu.memref_squeeze %dma_wait3A_34 : memref<1x3072xf32, #tpu.memory_space<hbm>> -> memref<3072xf32, #tpu.memory_space<hbm>>
      %dma_wait3A_36 = arith.constant 0 : i32
      %dma_wait3A_37 = tpu.memref_slice %arg5[%add3A, %dma_wait3A_36] : memref<32x3072xf32, #tpu.memory_space<hbm>> -> memref<1x3072xf32, #tpu.memory_space<hbm>>
      %dma_wait3A_38 = tpu.memref_squeeze %dma_wait3A_37 : memref<1x3072xf32, #tpu.memory_space<hbm>> -> memref<3072xf32, #tpu.memory_space<hbm>>
      tpu.wait_dma2 semaphore(%run_scoped3A : memref<!tpu.dma_semaphore, #tpu.memory_space<semaphore_mem>>) src(%arg11 : memref<3072xf32, #tpu.memory_space<vmem>>) dst(%dma_wait3A_38 : memref<3072xf32, #tpu.memory_space<hbm>>)
      tpu.yield
    }) : () -> ()
    return
  }
}

module attributes {stable_mosaic.version = 14 : i64} {
  func.func @_finish_body(%arg0: memref<32x3072xf32, #tpu.memory_space<vmem>>, %arg1: memref<1x1xf32, #tpu.memory_space<vmem>>) attributes {dimension_semantics = [], scalar_prefetch = 0 : i64, scratch_operands = 0 : i64, tpu.core_type = #tpu.core_type<tc>} {
    %get3A = arith.constant 0 : index
    %get3A_0 = arith.constant 0 : index
    %get3A_1 = vector.load %arg0[%get3A, %get3A_0] : memref<32x3072xf32, #tpu.memory_space<vmem>>, vector<32x3072xf32>
    %reduce_sum3A = arith.constant dense<0.000000e+00> : vector<3072xf32>
    %reduce_sum3A_2 = vector.multi_reduction <add>, %get3A_1, %reduce_sum3A [0] : vector<32x3072xf32> to vector<3072xf32>
    %broadcast_in_dim3A = vector.shape_cast %reduce_sum3A_2 : vector<3072xf32> to vector<1x3072xf32>
    %slice3A = vector.extract_strided_slice %broadcast_in_dim3A {offsets = [0, 0], sizes = [1, 1024], strides = [1, 1]} : vector<1x3072xf32> to vector<1x1024xf32>
    %slice3A_3 = vector.extract_strided_slice %broadcast_in_dim3A {offsets = [0, 1024], sizes = [1, 1024], strides = [1, 1]} : vector<1x3072xf32> to vector<1x1024xf32>
    %slice3A_4 = vector.extract_strided_slice %broadcast_in_dim3A {offsets = [0, 2048], sizes = [1, 1024], strides = [1, 1]} : vector<1x3072xf32> to vector<1x1024xf32>
    %gt3A = arith.constant 0.000000e+00 : f32
    %gt3A_5 = vector.broadcast %gt3A : f32 to vector<1x1024xf32>
    %gt3A_6 = arith.cmpf ogt, %slice3A, %gt3A_5 : vector<1x1024xf32>
    %jit3A = arith.constant 1.000000e+00 : f32
    %broadcast_in_dim3A_7 = vector.broadcast %jit3A : f32 to vector<1x1024xf32>
    %select_n3A = arith.select %gt3A_6, %slice3A, %broadcast_in_dim3A_7 : vector<1x1024xi1>, vector<1x1024xf32>
    %gt3A_8 = arith.constant 0.000000e+00 : f32
    %gt3A_9 = vector.broadcast %gt3A_8 : f32 to vector<1x1024xf32>
    %gt3A_10 = arith.cmpf ogt, %slice3A_3, %gt3A_9 : vector<1x1024xf32>
    %jit3A_11 = arith.constant 1.000000e+00 : f32
    %broadcast_in_dim3A_12 = vector.broadcast %jit3A_11 : f32 to vector<1x1024xf32>
    %select_n3A_13 = arith.select %gt3A_10, %slice3A_3, %broadcast_in_dim3A_12 : vector<1x1024xi1>, vector<1x1024xf32>
    %div3A = arith.divf %select_n3A_13, %select_n3A : vector<1x1024xf32>
    %mul3A = arith.mulf %div3A, %slice3A_4 : vector<1x1024xf32>
    %reduce_sum3A_14 = arith.constant dense<0.000000e+00> : vector<1xf32>
    %reduce_sum3A_15 = vector.multi_reduction <add>, %mul3A, %reduce_sum3A_14 [1] : vector<1x1024xf32> to vector<1xf32>
    %broadcast_in_dim3A_16 = vector.shape_cast %reduce_sum3A_15 : vector<1xf32> to vector<1x1xf32>
    %div3A_17 = arith.constant 6.553600e+04 : f32
    %div3A_18 = vector.broadcast %div3A_17 : f32 to vector<1x1xf32>
    %div3A_19 = arith.divf %broadcast_in_dim3A_16, %div3A_18 : vector<1x1xf32>
    %swap3A = arith.constant 0 : index
    %swap3A_20 = arith.constant 0 : index
    %swap3A_21 = vector.load %arg1[%swap3A, %swap3A_20] : memref<1x1xf32, #tpu.memory_space<vmem>>, vector<1x1xf32>
    tpu.vector_store %arg1[%swap3A, %swap3A_20], %div3A_19 {strides = array<i32>} : memref<1x1xf32, #tpu.memory_space<vmem>>, vector<1x1xf32>,
    return
  }
}

module attributes {stable_mosaic.version = 14 : i64} {
  func.func @_rows_body(%arg0: i32, %arg1: memref<2048x1000xf32, #tpu.memory_space<vmem>>, %arg2: memref<1x1x2048xi32, #tpu.memory_space<vmem>>, %arg3: memref<1x1x2048xf32, #tpu.memory_space<vmem>>) attributes {dimension_semantics = [#tpu.dimension_semantics<arbitrary>], iteration_bounds = array<i64: 24>, scalar_prefetch = 0 : i64, scratch_operands = 0 : i64, tpu.core_type = #tpu.core_type<tc>, window_params = [{transform_indices = @transform_0, window_bounds = array<i64: 2048, 1000>}, {transform_indices = @transform_1, window_bounds = array<i64: 1, 1, 2048>}, {transform_indices = @transform_2, window_bounds = array<i64: 1, 1, 2048>}]} {
    %get3A = arith.constant 0 : index
    %get3A_0 = arith.constant 0 : index
    %get3A_1 = vector.load %arg1[%get3A, %get3A_0] : memref<2048x1000xf32, #tpu.memory_space<vmem>>, vector<2048x1000xf32>
    %get3A_2 = arith.constant 0 : index
    %get3A_3 = arith.constant 0 : index
    %get3A_4 = arith.constant 0 : index
    %get3A_5 = vector.load %arg2[%get3A_2, %get3A_3, %get3A_4] : memref<1x1x2048xi32, #tpu.memory_space<vmem>>, vector<1x1x2048xi32>
    %get3A_6 = vector.shape_cast %get3A_5 : vector<1x1x2048xi32> to vector<2048xi32>
    %reduce_max3A = arith.constant dense<0xFF800000> : vector<2048xf32>
    %reduce_max3A_7 = vector.multi_reduction <maximumf>, %get3A_1, %reduce_max3A [1] : vector<2048x1000xf32> to vector<2048xf32>
    %broadcast_in_dim3A = vector.shape_cast %reduce_max3A_7 : vector<2048xf32> to vector<2048x1xf32>
    %iota3A = tpu.iota {dimensions = array<i32: 1>} : vector<2048x1000xi32>
    %broadcast_in_dim3A_8 = vector.shape_cast %get3A_6 : vector<2048xi32> to vector<2048x1xi32>
    %eq3A = vector.broadcast %broadcast_in_dim3A_8 : vector<2048x1xi32> to vector<2048x1000xi32>
    %eq3A_9 = arith.cmpi eq, %iota3A, %eq3A : vector<2048x1000xi32>
    %exp3A = math.exp %get3A_1 : vector<2048x1000xf32>
    %jit3A = arith.constant 0.000000e+00 : f32
    %broadcast_in_dim3A_10 = vector.broadcast %jit3A : f32 to vector<2048x1000xf32>
    %select_n3A = arith.select %eq3A_9, %get3A_1, %broadcast_in_dim3A_10 : vector<2048x1000xi1>, vector<2048x1000xf32>
    %reduce_sum3A = arith.constant dense<0.000000e+00> : vector<2048xf32>
    %reduce_sum3A_11 = vector.multi_reduction <add>, %exp3A, %reduce_sum3A [1] : vector<2048x1000xf32> to vector<2048xf32>
    %broadcast_in_dim3A_12 = vector.shape_cast %reduce_sum3A_11 : vector<2048xf32> to vector<2048x1xf32>
    %reduce_sum3A_13 = arith.constant dense<0.000000e+00> : vector<2048xf32>
    %reduce_sum3A_14 = vector.multi_reduction <add>, %select_n3A, %reduce_sum3A_13 [1] : vector<2048x1000xf32> to vector<2048xf32>
    %broadcast_in_dim3A_15 = vector.shape_cast %reduce_sum3A_14 : vector<2048xf32> to vector<2048x1xf32>
    %log3A = math.log %broadcast_in_dim3A_12 : vector<2048x1xf32>
    %sub3A = arith.subf %log3A, %broadcast_in_dim3A_15 : vector<2048x1xf32>
    %lt3A = arith.cmpf olt, %broadcast_in_dim3A_15, %broadcast_in_dim3A : vector<2048x1xf32>
    %neg3A = arith.constant 0.000000e+00 : f32
    %neg3A_16 = vector.broadcast %neg3A : f32 to vector<2048x1xf32>
    %neg3A_17 = arith.subf %neg3A_16, %sub3A : vector<2048x1xf32>
    %select_n3A_18 = arith.select %lt3A, %sub3A, %neg3A_17 : vector<2048x1xi1>, vector<2048x1xf32>
    %squeeze3A = vector.shape_cast %select_n3A_18 : vector<2048x1xf32> to vector<2048xf32>
    %swap3A = arith.constant 0 : index
    %swap3A_19 = arith.constant 0 : index
    %swap3A_20 = arith.constant 0 : index
    %swap3A_21 = vector.load %arg3[%swap3A, %swap3A_19, %swap3A_20] : memref<1x1x2048xf32, #tpu.memory_space<vmem>>, vector<1x1x2048xf32>
    %swap3A_22 = vector.shape_cast %swap3A_21 : vector<1x1x2048xf32> to vector<2048xf32>
    %swap3A_23 = vector.shape_cast %squeeze3A : vector<2048xf32> to vector<1x1x2048xf32>
    tpu.vector_store %arg3[%swap3A, %swap3A_19, %swap3A_20], %swap3A_23 {strides = array<i32>} : memref<1x1x2048xf32, #tpu.memory_space<vmem>>, vector<1x1x2048xf32>,
    return
  }
  func.func @transform_0(%arg0: i32) -> (i32, i32) {
    %add3A = arith.constant 8 : i32
    %add3A_0 = arith.addi %arg0, %add3A : i32
    %c0_i32 = arith.constant 0 : i32
    %c0_i32_1 = arith.constant 0 : i32
    return %add3A_0, %c0_i32 : i32, i32
  }
  func.func @transform_1(%arg0: i32) -> (i32, i32, i32) {
    %add3A = arith.constant 0 : i32
    %add3A_0 = arith.addi %arg0, %add3A : i32
    %c0_i32 = arith.constant 0 : i32
    %c0_i32_1 = arith.constant 0 : i32
    %c0_i32_2 = arith.constant 0 : i32
    return %add3A_0, %c0_i32, %c0_i32_1 : i32, i32, i32
  }
  func.func @transform_2(%arg0: i32) -> (i32, i32, i32) {
    %c0_i32 = arith.constant 0 : i32
    %c0_i32_0 = arith.constant 0 : i32
    %c0_i32_1 = arith.constant 0 : i32
    return %arg0, %c0_i32, %c0_i32_0 : i32, i32, i32
  }
}

module attributes {stable_mosaic.version = 14 : i64} {
  func.func @_sclog_body(%arg0: memref<8x2048xf32, #tpu.memory_space<vmem>>, %arg1: memref<8x2048xf32, #tpu.memory_space<vmem>>, %arg2: memref<8x2048xf32, #tpu.memory_space<vmem>>) attributes {dimension_semantics = [], scalar_prefetch = 0 : i64, scratch_operands = 0 : i64, tpu.core_type = #tpu.core_type<tc>} {
    %get3A = arith.constant 0 : index
    %get3A_0 = arith.constant 0 : index
    %get3A_1 = vector.load %arg0[%get3A, %get3A_0] : memref<8x2048xf32, #tpu.memory_space<vmem>>, vector<8x2048xf32>
    %get3A_2 = arith.constant 0 : index
    %get3A_3 = arith.constant 0 : index
    %get3A_4 = vector.load %arg1[%get3A_2, %get3A_3] : memref<8x2048xf32, #tpu.memory_space<vmem>>, vector<8x2048xf32>
    %abs3A = math.absf %get3A_1 : vector<8x2048xf32>
    %log3A = math.log %abs3A : vector<8x2048xf32>
    %sub3A = arith.subf %log3A, %get3A_4 : vector<8x2048xf32>
    %gt3A = arith.constant 0.000000e+00 : f32
    %gt3A_5 = vector.broadcast %gt3A : f32 to vector<8x2048xf32>
    %gt3A_6 = arith.cmpf ogt, %get3A_1, %gt3A_5 : vector<8x2048xf32>
    %neg3A = arith.constant 0.000000e+00 : f32
    %neg3A_7 = vector.broadcast %neg3A : f32 to vector<8x2048xf32>
    %neg3A_8 = arith.subf %neg3A_7, %sub3A : vector<8x2048xf32>
    %select_n3A = arith.select %gt3A_6, %sub3A, %neg3A_8 : vector<8x2048xi1>, vector<8x2048xf32>
    %swap3A = arith.constant 0 : index
    %swap3A_9 = arith.constant 0 : index
    %swap3A_10 = vector.load %arg2[%swap3A, %swap3A_9] : memref<8x2048xf32, #tpu.memory_space<vmem>>, vector<8x2048xf32>
    tpu.vector_store %arg2[%swap3A, %swap3A_9], %select_n3A {strides = array<i32>} : memref<8x2048xf32, #tpu.memory_space<vmem>>, vector<8x2048xf32>,
    return
  }
}

</mosaic_0001>

<sc_bundles>
// kernel: kernel.10.cloned.1.call-start
scs
__scs_entry_jumppad:
0x0: {  	(pc) =	sbr.rel $0x88, $3  }
0x1: {  	(tag) =	ssettag $0x0;
	lr =	simm.s32 $0x1  }
0x2: {  	[smem:$0x3F9F] =	sst lr;
	_ =	strace $0xD0000000  }
0x3: {  	_ = 	snop  }
0x4: {  	_ = 	snop  }
0x5: {  	_ = 	snop  }
0x6: {  	_ = 	snop  }
0x7: {  	_ = 	snop  }
__scs_overlays_trampoline_lowered:
0x8: {  	[smem:$0x3FAE] =	sst s0  }
0x9: {  	[smem:$0x3FAF] =	sst s1  }
0xa: {  	[smem:$0x3FB0] =	sst s2  }
0xb: {  	[smem:$0x3FB1] =	sst s3  }
0xc: {  	[smem:$0x3FB2] =	sst s4  }
0xd: {  	[smem:$0x3FB3] =	sst s5  }
0xe: {  	[smem:$0x3FB4] =	sst s6  }
0xf: {  	[smem:$0x3FB5] =	sst s7  }
0x10: {  	[smem:$0x3FB6] =	sst s8  }
0x11: {  	[smem:$0x3FB7] =	sst s9;
	s0 =	simm.s32 @!p0 $0x0  }
0x12: {  	s1 =	sld [smem:$0x3F9D];
	s0 =	simm.s32 @p0 $0x1  }
0x13: {  	[smem:$0x3FB8] =	sst s0;
	s0 =	simm.s32 @!p1 $0x0  }
0x14: {  	s2 =	sld [smem:$0x3F9C];
	s0 =	simm.s32 @p1 $0x1  }
0x15: {  	[smem:$0x3FB9] =	sst s0;
	s0 =	simm.s32 @!p2 $0x0  }
0x16: {  	s3 =	sld [smem:$0x3FDB];
	s0 =	simm.s32 @p2 $0x1  }
0x17: {  	s4 =	simm.s32 $0x1BF5;
	[smem:$0x3FBB] =	sst s0  }
0x18: {  	s0 =	sld [smem:$0x3F9E];
	_ =	swait.ge [sflag:s4], $0x0  }
0x19: {  	s7 =	sld [smem:$0x3F9F]  }
0x1a: {  	s8 =	sadd.s32 $0xFFFFE003, lr  }
0x1b: {  	s9 =	sadd.s32 $0xFFFFFEF7, lr;
	s5 =	simm.s32 $0xFFFFFFFF;
	p2 =	slt.u32 s8, $0xFFFFF086  }
0x1c: {  	p1 =	slt.u32 s9, $0xF7A;
	s5 =	simm.s32 @!p2 $0x0  }
0x1d: {  	s5 =	simm.s32 @p1 $0x1;
	p0 =	seq.s32 s7, s2  }
0x1e: {  	s7 =	smul.u32 @!p0 $0xF7A, s2;
	p2 =	seq.s32 @!p0 s5, $0x0  }
0x1f: {  	s9 =	smul.u32 $0xF7A, s1;
	s8 =	simm.s32 @!p0 $0x1BF5;
	p2 =	por !p2, p0  }
0x20: {  	[sflag:s8] =	ssyncset.s32 @!p0 $0xFFFFF086;
	s6 =	sadd.s32 @!p0 s3, s7;
	s7 =	simm.s32 @!p0 $0x108  }
0x21: {  	s3 =	sadd.s32 s3, s9;
	s6 =	sadd.s32 @!p0 $0x88, s6;
	s7 =	simm.s32 @p2 $0x1082  }
0x22: {  	[simem:s7], [sflag:s8] =	dma.local @!p0 [hbm:s6], $0xF7A  }
0x23: {  	s9 =	sor.u32 $0xD0000000, s2;
	s6 =	simm.s32 $0x108;
	_ =	swait.ge @!p0 [sflag:s8], $0x0  }
0x24: {  	s3 =	sadd.s32 $0x88, s3;
	s6 =	simm.s32 @!p1 $0x1082;
	[sflag:s4] =	ssyncset.s32 $0xFFFFF086  }
0x25: {  	[simem:s6], [sflag:s4] =	dma.local [hbm:s3], $0xF7A  }
0x26: {  	[smem:$0x3F9F] =	sst s1;
	(tag) =	ssettag s2;
	_ =	strace s9  }
0x27: {  	s1 =	sld [smem:$0x3FAF]  }
0x28: {  	s2 =	sld [smem:$0x3FB0]  }
0x29: {  	s4 =	sld [smem:$0x3FB2]  }
0x2a: {  	p0 =	seq.s32 s5, $0x0;
	s5 =	sld [smem:$0x3FB3]  }
0x2b: {  	s6 =	sld [smem:$0x3FB4]  }
0x2c: {  	s7 =	sld [smem:$0x3FB5]  }
0x2d: {  	s3 =	simm.s32 $0x108;
	s8 =	sld [smem:$0x3FB6]  }
0x2e: {  	s3 =	simm.s32 @!p0 $0x1082;
	s9 =	sld [smem:$0x3FB7]  }
0x2f: {  	lr =	sadd.s32 s0, s3;
	s0 =	sld [smem:$0x3FAE]  }
0x30: {  	s3 =	sld [smem:$0x3FB1]  }
0x31: {  	[smem:$0x3FBA] =	sst s10  }
0x32: {  	s10 =	sld [smem:$0x3FB8];
	_ =	sdelay $0x3  }
0x33: {  	p0 =	seq.s32 s10, $0x1;
	s10 =	sld [smem:$0x3FBA];
	_ =	sdelay $0x3  }
0x34: {  	[smem:$0x3FBA] =	sst s10  }
0x35: {  	s10 =	sld [smem:$0x3FB9];
	_ =	sdelay $0x3  }
0x36: {  	p1 =	seq.s32 s10, $0x1;
	s10 =	sld [smem:$0x3FBA];
	_ =	sdelay $0x3  }
0x37: {  	[smem:$0x3FBA] =	sst s10  }
0x38: {  	s10 =	sld [smem:$0x3FBB]  }
0x39: {  	_ = 	snop;
	(pc) =	sbr.ind lr, $3  }
0x3a: {  	_ = 	snop  }
0x3b: {  	_ = 	snop  }
0x3c: {  	p2 =	seq.s32 s10, $0x1;
	s10 =	sld [smem:$0x3FBA]  }
0x3d: {  	_ =	shalt  }
0x3e: {  	_ =	shalt  }
0x3f: {  	_ =	shalt  }
0x40: {  	_ =	shalt  }
0x41: {  	_ =	shalt  }
0x42: {  	_ =	shalt  }
0x43: {  	_ =	shalt  }
0x44: {  	_ =	shalt  }
0x45: {  	_ =	shalt  }
0x46: {  	_ =	shalt  }
0x47: {  	_ =	shalt  }
0x48: {  	_ =	shalt  }
0x49: {  	_ =	shalt  }
0x4a: {  	_ =	shalt  }
0x4b: {  	_ =	shalt  }
0x4c: {  	_ =	shalt  }
0x4d: {  	_ =	shalt  }
0x4e: {  	_ =	shalt  }
0x4f: {  	_ =	shalt  }
0x50: {  	_ =	shalt  }
0x51: {  	_ =	shalt  }
0x52: {  	_ =	shalt  }
0x53: {  	_ =	shalt  }
0x54: {  	_ =	shalt  }
0x55: {  	_ =	shalt  }
0x56: {  	_ =	shalt  }
0x57: {  	_ =	shalt  }
0x58: {  	_ =	shalt  }
0x59: {  	_ =	shalt  }
0x5a: {  	_ =	shalt  }
0x5b: {  	_ =	shalt  }
0x5c: {  	_ =	shalt  }
0x5d: {  	_ =	shalt  }
0x5e: {  	_ =	shalt  }
0x5f: {  	_ =	shalt  }
0x60: {  	_ =	shalt  }
0x61: {  	_ =	shalt  }
0x62: {  	_ =	shalt  }
0x63: {  	_ =	shalt  }
0x64: {  	_ =	shalt  }
0x65: {  	_ =	shalt  }
0x66: {  	_ =	shalt  }
0x67: {  	_ =	shalt  }
0x68: {  	_ =	shalt  }
0x69: {  	_ =	shalt  }
0x6a: {  	_ =	shalt  }
0x6b: {  	_ =	shalt  }
0x6c: {  	_ =	shalt  }
0x6d: {  	_ =	shalt  }
0x6e: {  	_ =	shalt  }
0x6f: {  	_ =	shalt  }
0x70: {  	_ =	shalt  }
0x71: {  	_ =	shalt  }
0x72: {  	_ =	shalt  }
0x73: {  	_ =	shalt  }
0x74: {  	_ =	shalt  }
0x75: {  	_ =	shalt  }
0x76: {  	_ =	shalt  }
0x77: {  	_ =	shalt  }
0x78: {  	_ =	shalt  }
0x79: {  	_ =	shalt  }
0x7a: {  	_ =	shalt  }
0x7b: {  	_ =	shalt  }
0x7c: {  	_ =	shalt  }
0x7d: {  	_ =	shalt  }
0x7e: {  	_ =	shalt  }
0x7f: {  	_ =	shalt  }
0x80: {  	_ =	shalt  }
0x81: {  	_ =	shalt  }
0x82: {  	_ =	shalt  }
0x83: {  	_ =	shalt  }
0x84: {  	_ =	shalt  }
0x85: {  	_ =	shalt  }
0x86: {  	_ =	shalt  }
0x87: {  	_ =	shalt  }
.Lfunc_end0:
.L_simem_size_0:
called_computation.1_lowered:
.L_overlay_start_0:
0x88: {  	s2 =	sld [smem:$0x3FD9]  }
0x89: {  	s3 =	sld [smem:$0x3FFE];
	_ =	sdelay $0x1  }
0x8a: {  	s1 =	srdreg.scid  }
0x8b: {  	s0 =	sand.u32 $0x1, s1  }
0x8c: {  	s17 =	sshll.u32 s0, $0xA;
	s2 =	sadd.s32 s3, s2  }
0x8d: {  	s2 =	sadd.s32 s2, s17  }
0x8e: {  	[smem:$0x3FC6] =	sst s2  }
0x8f: {  	_ = 	snop  }
0x90: {  	s2 =	sld [smem:$0x3FC8];
	(tm) =	ssettm $0x1  }
0x91: {  	s18 =	sld [smem:$0x3FFB];
	_ =	sdelay $0x3  }
0x92: {  	_ =	strace s18  }
0x93: {  	s3 =	sld [smem:$0x3FFC];
	_ =	sdelay $0x3  }
0x94: {  	_ =	strace s3  }
0x95: {  	s3 =	sld [smem:$0x3FFD];
	_ =	sdelay $0x3  }
0x96: {  	_ =	strace s3  }
0x97: {  	_ =	strace $0x8FFFFFFF  }
0x98: {  	s19 =	sld [smem:$0x3FDB];
	_ =	sdelay $0x1  }
0x99: {  	s4 =	simm.s32 $_scs_section_size  }
0x9a: {  	s5 =	simm.s32 $_size__tile_overlayer_lowered;
	s6 =	simm.s32 $_tile_overlayer_lowered  }
0x9b: {  	s22 =	simm.s32 $0x1BFF;
	s21 =	sshll.u32 s6, $0x1;
	s3 =	sadd.s32 s4, s19  }
0x9c: {  	s7 =	simm.s32 $0x0;
	s20 =	sshll.u32 s5, $0x1;
	s5 =	sadd.s32 s21, s3  }
0x9d: {  	[timem:s7], [sflag:s22] =	dma.local [hbm:s5], s20  }
0x9e: {  	_ =	swait.ge [sflag:s22], s20  }
0x9f: {  	s4 =	ssub.s32 $0x0, s20;
	[sflag:s22] =	ssyncset.done $0x0  }
0xa0: {  	[sflag:s22] =	ssyncadd.s32 s4;
	_ =	sdelay $0x1  }
0xa1: {  	s23 =	simm.s32 $0x1B8B  }
0xa2: {  	_ =	swait.ge [sflag:s23], $0x1  }
0xa3: {  	[sflag:s23] =	ssyncset.done $0x0  }
0xa4: {  	s25 =	simm.s32 $0x1B8E;
	s24 =	sld [smem:$0x3FFE];
	[sflag:s23] =	ssyncadd.s32 $0xFFFFFFFF  }
0xa5: {  	s26 =	simm.s32 $execute0_lowered;
	[smem:$0x3FD2] =	sst s25  }
0xa6: {  	s5 =	sshll.u32 s26, $0x1;
	_ =	strace $0x80000049;
	[dreg:$0x1] =	wrdreg $0xFFFFFFFF  }
0xa7: {  	s28 =	simm.s32 $_size_execute0_lowered;
	s3 =	sadd.s32 s3, s5;
	[dreg:$0x0] =	wrdreg $0x0  }
0xa8: {  	s5 =	sshll.u32 s28, $0x1;
	[dreg:$0x2] =	wrdreg s3  }
0xa9: {  	[dreg:$0x3] =	wrdreg s5  }
0xaa: {  	[dreg:$0x4] =	wrdreg $0xC0  }
0xab: {  	_ =	task [dreg:s7], $0x5FFFF  }
0xac: {  	[dreg:$0x1] =	wrdreg $0xFFFFFFFF  }
0xad: {  	[dreg:$0x0] =	wrdreg $0x60  }
0xae: {  	[dreg:$0x2] =	wrdreg s2  }
0xaf: {  	[dreg:$0x3] =	wrdreg s24  }
0xb0: {  	[dreg:$0x4] =	wrdreg $0x9  }
0xb1: {  	_ =	task.clear_ibuf [dreg:s7], $0x5FFFF;
	_ =	strace $0x90000049  }
0xb2: {  	s29 =	simm.s32 $0x9;
	_ =	strace $0x8000004B  }
0xb3: {  	_ =	swait.ge [sflag:s29], $0x1  }
0xb4: {  	[sflag:s29] =	ssyncadd.s32 $0xFFFFFFFF  }
0xb5: {  	_ =	strace $0x9000004B  }
0xb6: {  	_ =	sfence  }
0xb7: {  	s30 =	sld [smem:$0x0];
	_ =	sdelay $0x2  }
0xb8: {  	s31 =	sshll.u32 s1, $0xD;
	s1 =	sshrl.u32 s1, $0x2  }
0xb9: {  	s3 =	sand.u32 $0x4000, s31;
	s1 =	sadd.s32 s1, s30  }
0xba: {  	s0 =	sor.u32 s3, s0;
	s1 =	sshll.u32 s1, $0x11  }
0xbb: {  	s0 =	sor.u32 s1, s0  }
0xbc: {  	s0 =	sadd.s32 $0x8F2B, s0  }
0xbd: {  	[sflag:s0] =	ssyncadd.remote.s32 $0x1  }
0xbe: {  	_ =	sfence.sel $0xFFFF  }
0xbf: {  	[dreg:$0x0] =	wrdreg $0xFFFFFFFF;
	(pc) =	sbr.abs _section_cstart, $3  }
0xc0: {  	[dreg:$0x1] =	wrdreg $0xFFFFFFFF  }
0xc1: {  	_ =	task.clear_ibuf [dreg:s7], $0x2FFFF;
	_ =	strace $0x9FFFFFFF  }
0xc2: {  	(tm) =	ssettm $0x7FFFFFFF  }
0xc3: {  	_ =	shalt  }
tec
execute0_lowered:
.L_overlay_start_1:
0x0: {  	(tag) =	ssettag $0x1  }
0x1: {  	s3 =	rddreg [dreg:$0x0]  }
0x2: {  	s4 =	rddreg [dreg:$0x1]  }
0x3: {  	s0 =	rddreg [dreg:$0x2]  }
0x4: {  	s2 =	simm.s32 $0x0;
	s5 =	srdreg.scid;
	s1 =	stileid.u32  }
0x5: {  	s11 =	simm.s32 $0x9000;
	s12 =	simm.s32 $0x80;
	s13 =	simm.s32 $0x400  }
0x6: {  	s14 =	simm.s32 $0xD000;
	s15 =	simm.s32 $0x0;
	[smem:$0x7FF] =	sst s2  }
0x7: {  	s5 =	sand.u32 $0x1, s5;
	s6 =	sshll.u32 s1, $0x1;
	s7 =	sshrl.u32 s1, $0x2  }
0x8: {  	p0 =	sgt.u32 s1, $0x3;
	_ =	strace $0x8000004A;
	s6 =	sor.u32 s5, s6  }
0x9: {  	s7 =	smul.u32 $0x6000, s7;
	s5 =	ssub.s32 $0x2, s5;
	s8 =	sshll.u32 s6, $0xB  }
0xa: {  	s9 =	sshll.u32 s6, $0x7;
	s10 =	sshll.u32 s6, $0x4;
	s30 =	sshrl.u32 s5, $0x1  }
0xb: {  	s6 =	sshll.u32 s6, $0x8;
	s8 =	sadd.s32 $0xFFFFC000, s8;
	s9 =	sand.u32 $0x380, s9  }
0xc: {  	s10 =	sadd.s32 s10, s4;
	s31 =	ssub.s32 s5, s30;
	s3 =	sadd.s32 s3, s6  }
0xd: {  	s8 =	sshrl.u32 s8, $0x3;
	s7 =	sor.u32 s7, s9;
	s5 =	sadd.s32 $0x1800, s10  }
0xe: {  	s9 =	simm.s32 $0x1000;
	s8 =	sadd.s32 s8, s4;
	s7 =	sshrl.u32 s7, $0x3  }
0xf: {  	v0 =	vlaneseq.u32;
	s10 =	simm.s32 $0x5000;
	s7 =	sadd.s32 s7, s4;
	s4 =	sadd.s32 $0x802800, s8  }
0x10: {  	v1 =	vimm.f32 $0.0e+00;
	v2 =	vimm.f32 $1.000000000e+00;
	v3 =	vmul.u32 $0x10, v0;
	s8 =	simm.s32 $0x1;
	s6 =	sadd.s32 $0x2000, s7;
	s7 =	smax.u32 s31, $0x1  }
.LBB2_1:
0x11: {  	[tilespmem:s2], [sflag:$0x1] =	stream.linear.gather [hbm4b:s3+s2], $0x800, $0x38;
	[tilespmem:$0xDC00] =	vst v63  }
0x12: {  	_ =	swait.ge [sflag:s8], $0x800  }
0x13: {  	[sflag:s8] =	ssyncset.done $0x0  }
0x14: {  	s16 =	simm.s32 @p0 $0x0;
	s17 =	simm.s32 @p0 $0x800;
	[sflag:s8] =	ssyncadd.s32 $0xFFFFF800  }
0x15: {  	[tilespmem:s17], [sflag:$0x1] =	stream.linear.gather @p0 [hbm4b:s4+s16], $0x800, $0x38;
	[tilespmem:$0xDC00] =	vst v63  }
0x16: {  	s18 =	simm.s32 @!p0 $0x800;
	s16 =	simm.s32 @!p0 $0x80;
	s17 =	simm.s32 @!p0 $0x400  }
0x17: {  	[tilespmem:s18], [sflag:$0x1] =	stream.strided.gather @!p0 [hbm4b:s5+s16], $0x800, s17, s16, $0x38;
	[tilespmem:$0xDC00] =	vst v63  }
0x18: {  	_ =	swait.ge [sflag:s8], $0x800  }
0x19: {  	[sflag:s8] =	ssyncset.done $0x0  }
0x1a: {  	s16 =	simm.s32 $0x0;
	s17 =	simm.s32 $0x100;
	[sflag:s8] =	ssyncadd.s32 $0xFFFFF800  }
.LBB2_2:
0x1b: {  	p1 =	sne.s32 s17, $0xFF00;
	[tilespmem:s16+$0x9030] =	vst v1  }
0x1c: {  	[tilespmem:s16+$0x1000] =	vst v1  }
0x1d: {  	[tilespmem:s16+$0x5000] =	vst v1  }
0x1e: {  	[tilespmem:s16+$0x9000] =	vst v1  }
0x1f: {  	[tilespmem:s16+$0x1010] =	vst v1  }
0x20: {  	[tilespmem:s16+$0x5010] =	vst v1  }
0x21: {  	[tilespmem:s16+$0x9010] =	vst v1  }
.Ltmp0:
0x22: {  	[tilespmem:s16+$0x1020] =	vst v1;
	(pc) =	sbr.rel @p1 .LBB2_2-.Ltmp0, $4  }
0x23: {  	[tilespmem:s16+$0x5020] =	vst v1  }
0x24: {  	[tilespmem:s16+$0x9020] =	vst v1  }
0x25: {  	[tilespmem:s16+$0x1030] =	vst v1  }
0x26: {  	[tilespmem:s16+$0x5030] =	vst v1;
	s16 =	sshra.s32 s17, $0x2;
	s17 =	sadd.s32 $0x100, s17  }
0x27: {  	[tilespmem:s16+$0x9030] =	vst v1  }
0x28: {  	[tilespmem:s16+$0x1000] =	vst v1  }
0x29: {  	[tilespmem:s16+$0x5000] =	vst v1  }
0x2a: {  	[tilespmem:s16+$0x9000] =	vst v1  }
0x2b: {  	[tilespmem:s16+$0x1010] =	vst v1  }
0x2c: {  	[tilespmem:s16+$0x5010] =	vst v1  }
0x2d: {  	[tilespmem:s16+$0x9010] =	vst v1  }
0x2e: {  	[tilespmem:s16+$0x1020] =	vst v1  }
0x2f: {  	[tilespmem:s16+$0x5020] =	vst v1  }
0x30: {  	[tilespmem:s16+$0x9020] =	vst v1  }
0x31: {  	[tilespmem:s16+$0x1030] =	vst v1  }
0x32: {  	s17 =	simm.s32 $0x0;
	[tilespmem:s16+$0x5030] =	vst v1;
	s16 =	simm.s32 $0x0  }
.LBB2_4:
0x33: {  	s18 =	sshra.s32 s16, $0x2  }
0x34: {  	v4 =	vld [tilespmem:s18+$0x0];
	_ =	sdelay $0x4  }
0x35: {  	v5 =	vld [tilespmem:s18+$0x800];
	v4 =	vshll.u32 v4, $0x4  }
0x36: {  	v4 =	vor.u32 v0, v4;
	_ =	sdelay $0x3  }
0x37: {  	vm0 =	vgt.f32 v5, $0.0e+00  }
0x38: {  	v6 =	vsel vm0, $0x3F800000, v1;
	[tilespmem:v4+s9+$0x0] =	vst.idx.add.f32.msk $0xffff, v2  }
0x39: {  	v5 =	vand.u32 $0x7FFFFFFF, v5;
	[tilespmem:v4+s10+$0x0] =	vst.idx.add.f32.msk $0xffff, v6  }
0x3a: {  	[tilespmem:v4+s11+$0x0] =	vst.idx.add.f32.msk $0xffff, v5  }
0x3b: {  	v4 =	vld [tilespmem:s18+$0x10];
	_ =	sdelay $0x4  }
0x3c: {  	v5 =	vld [tilespmem:s18+$0x810];
	v4 =	vshll.u32 v4, $0x4  }
0x3d: {  	v4 =	vor.u32 v0, v4;
	_ =	sdelay $0x3  }
0x3e: {  	vm13 =	vgt.f32 v5, $0.0e+00  }
0x3f: {  	v61 =	vsel vm13, $0x3F800000, v1;
	[tilespmem:v4+s9+$0x0] =	vst.idx.add.f32.msk $0xffff, v2  }
0x40: {  	v5 =	vand.u32 $0x7FFFFFFF, v5;
	[tilespmem:v4+s10+$0x0] =	vst.idx.add.f32.msk $0xffff, v61  }
0x41: {  	[tilespmem:v4+s11+$0x0] =	vst.idx.add.f32.msk $0xffff, v5  }
0x42: {  	v4 =	vld [tilespmem:s18+$0x20];
	_ =	sdelay $0x4  }
0x43: {  	v5 =	vld [tilespmem:s18+$0x820];
	v4 =	vshll.u32 v4, $0x4  }
0x44: {  	v4 =	vor.u32 v0, v4;
	_ =	sdelay $0x3  }
0x45: {  	vm14 =	vgt.f32 v5, $0.0e+00  }
0x46: {  	v62 =	vsel vm14, $0x3F800000, v1;
	[tilespmem:v4+s9+$0x0] =	vst.idx.add.f32.msk $0xffff, v2  }
0x47: {  	v5 =	vand.u32 $0x7FFFFFFF, v5;
	[tilespmem:v4+s10+$0x0] =	vst.idx.add.f32.msk $0xffff, v62  }
0x48: {  	[tilespmem:v4+s11+$0x0] =	vst.idx.add.f32.msk $0xffff, v5  }
0x49: {  	v4 =	vld [tilespmem:s18+$0x30];
	_ =	sdelay $0x4  }
0x4a: {  	v5 =	vld [tilespmem:s18+$0x830];
	v4 =	vshll.u32 v4, $0x4  }
0x4b: {  	v4 =	vor.u32 v0, v4;
	_ =	sdelay $0x1  }
0x4c: {  	p1 =	sne.s32 s16, $0x1F00  }
.Ltmp1:
0x4d: {  	_ = 	snop;
	(pc) =	sbr.rel @p1 .LBB2_4-.Ltmp1, $4  }
0x4e: {  	vm15 =	vgt.f32 v5, $0.0e+00  }
0x4f: {  	v63 =	vsel vm15, $0x3F800000, v1;
	[tilespmem:v4+s9+$0x0] =	vst.idx.add.f32.msk $0xffff, v2  }
0x50: {  	v5 =	vand.u32 $0x7FFFFFFF, v5;
	[tilespmem:v4+s10+$0x0] =	vst.idx.add.f32.msk $0xffff, v63  }
0x51: {  	s16 =	sadd.s32 $0x100, s16;
	[tilespmem:v4+s11+$0x0] =	vst.idx.add.f32.msk $0xffff, v5  }
0x52: {  	v4 =	vmov s17  }
0x53: {  	v4 =	vshll.u32 v4, $0x4  }
0x54: {  	v4 =	vor.u32 v3, v4;
	_ =	sdelay $0x1  }
0x55: {  	v5 =	vor.u32 $0x1, v4;
	_ =	sdelay $0x1  }
0x56: {  	v6 =	vor.u32 $0x2, v4  }
0x57: {  	v7 =	vld.idx.msk [tilespmem:v4+s9+$0x0], $0xffff  }
0x58: {  	v8 =	vor.u32 $0x3, v4  }
0x59: {  	v9 =	vld.idx.msk [tilespmem:v5+s9+$0x0], $0xffff  }
0x5a: {  	v10 =	vor.u32 $0x4, v4  }
0x5b: {  	v11 =	vld.idx.msk [tilespmem:v6+s9+$0x0], $0xffff  }
0x5c: {  	v12 =	vor.u32 $0x5, v4;
	v7 =	vadd.f32 $0.0e+00, v7  }
0x5d: {  	v13 =	vld.idx.msk [tilespmem:v8+s9+$0x0], $0xffff  }
0x5e: {  	v14 =	vor.u32 $0x6, v4;
	v7 =	vadd.f32 v9, v7  }
0x5f: {  	v9 =	vld.idx.msk [tilespmem:v10+s9+$0x0], $0xffff  }
0x60: {  	v15 =	vor.u32 $0x7, v4;
	v7 =	vadd.f32 v11, v7  }
0x61: {  	v11 =	vld.idx.msk [tilespmem:v12+s9+$0x0], $0xffff  }
0x62: {  	v16 =	vor.u32 $0x8, v4;
	v7 =	vadd.f32 v13, v7  }
0x63: {  	v13 =	vld.idx.msk [tilespmem:v14+s9+$0x0], $0xffff  }
0x64: {  	v17 =	vor.u32 $0x9, v4;
	v7 =	vadd.f32 v9, v7  }
0x65: {  	v9 =	vld.idx.msk [tilespmem:v15+s9+$0x0], $0xffff  }
0x66: {  	v18 =	vor.u32 $0xA, v4;
	v7 =	vadd.f32 v11, v7  }
0x67: {  	v11 =	vld.idx.msk [tilespmem:v16+s9+$0x0], $0xffff  }
0x68: {  	v19 =	vor.u32 $0xB, v4;
	v7 =	vadd.f32 v13, v7  }
0x69: {  	v13 =	vld.idx.msk [tilespmem:v17+s9+$0x0], $0xffff  }
0x6a: {  	v20 =	vor.u32 $0xC, v4;
	v7 =	vadd.f32 v9, v7  }
0x6b: {  	v9 =	vld.idx.msk [tilespmem:v18+s9+$0x0], $0xffff  }
0x6c: {  	v21 =	vor.u32 $0xD, v4;
	v7 =	vadd.f32 v11, v7  }
0x6d: {  	v11 =	vld.idx.msk [tilespmem:v19+s9+$0x0], $0xffff  }
0x6e: {  	v22 =	vor.u32 $0xE, v4;
	v7 =	vadd.f32 v13, v7  }
0x6f: {  	v13 =	vld.idx.msk [tilespmem:v20+s9+$0x0], $0xffff  }
0x70: {  	v23 =	vor.u32 $0xF, v4;
	v7 =	vadd.f32 v9, v7  }
0x71: {  	v9 =	vld.idx.msk [tilespmem:v21+s9+$0x0], $0xffff  }
0x72: {  	v7 =	vadd.f32 v11, v7  }
0x73: {  	v11 =	vld.idx.msk [tilespmem:v22+s9+$0x0], $0xffff  }
0x74: {  	v7 =	vadd.f32 v13, v7  }
0x75: {  	v13 =	vld.idx.msk [tilespmem:v23+s9+$0x0], $0xffff  }
0x76: {  	v7 =	vadd.f32 v9, v7;
	_ =	sdelay $0x1  }
0x77: {  	v7 =	vadd.f32 v11, v7;
	_ =	sdelay $0x1  }
0x78: {  	v7 =	vadd.f32 v13, v7  }
0x79: {  	s16 =	simm.s32 $0xD000  }
0x7a: {  	[tilespmem:s16+$0x0] =	vst v7  }
0x7b: {  	v7 =	vld.idx.msk [tilespmem:v4+s10+$0x0], $0xffff;
	_ =	sdelay $0x1  }
0x7c: {  	v9 =	vld.idx.msk [tilespmem:v5+s10+$0x0], $0xffff;
	_ =	sdelay $0x1  }
0x7d: {  	v11 =	vld.idx.msk [tilespmem:v6+s10+$0x0], $0xffff  }
0x7e: {  	v7 =	vadd.f32 $0.0e+00, v7  }
0x7f: {  	v13 =	vld.idx.msk [tilespmem:v8+s10+$0x0], $0xffff  }
0x80: {  	v7 =	vadd.f32 v9, v7  }
0x81: {  	v9 =	vld.idx.msk [tilespmem:v10+s10+$0x0], $0xffff  }
0x82: {  	v7 =	vadd.f32 v11, v7  }
0x83: {  	v11 =	vld.idx.msk [tilespmem:v12+s10+$0x0], $0xffff  }
0x84: {  	v7 =	vadd.f32 v13, v7  }
0x85: {  	v13 =	vld.idx.msk [tilespmem:v14+s10+$0x0], $0xffff  }
0x86: {  	v7 =	vadd.f32 v9, v7  }
0x87: {  	v9 =	vld.idx.msk [tilespmem:v15+s10+$0x0], $0xffff  }
0x88: {  	v7 =	vadd.f32 v11, v7  }
0x89: {  	v11 =	vld.idx.msk [tilespmem:v16+s10+$0x0], $0xffff  }
0x8a: {  	v7 =	vadd.f32 v13, v7  }
0x8b: {  	v13 =	vld.idx.msk [tilespmem:v17+s10+$0x0], $0xffff  }
0x8c: {  	v7 =	vadd.f32 v9, v7  }
0x8d: {  	v9 =	vld.idx.msk [tilespmem:v18+s10+$0x0], $0xffff  }
0x8e: {  	v7 =	vadd.f32 v11, v7  }
0x8f: {  	v11 =	vld.idx.msk [tilespmem:v19+s10+$0x0], $0xffff  }
0x90: {  	v7 =	vadd.f32 v13, v7  }
0x91: {  	v13 =	vld.idx.msk [tilespmem:v20+s10+$0x0], $0xffff  }
0x92: {  	v7 =	vadd.f32 v9, v7  }
0x93: {  	v9 =	vld.idx.msk [tilespmem:v21+s10+$0x0], $0xffff  }
0x94: {  	v7 =	vadd.f32 v11, v7  }
0x95: {  	v11 =	vld.idx.msk [tilespmem:v22+s10+$0x0], $0xffff  }
0x96: {  	v7 =	vadd.f32 v13, v7  }
0x97: {  	v13 =	vld.idx.msk [tilespmem:v23+s10+$0x0], $0xffff  }
0x98: {  	v7 =	vadd.f32 v9, v7;
	_ =	sdelay $0x1  }
0x99: {  	v7 =	vadd.f32 v11, v7;
	_ =	sdelay $0x1  }
0x9a: {  	v7 =	vadd.f32 v13, v7  }
0x9b: {  	s20 =	sand.u32 $0x3F0, s17  }
0x9c: {  	[tilespmem:s20+$0xD400] =	vst v7  }
0x9d: {  	v4 =	vld.idx.msk [tilespmem:v4+s11+$0x0], $0xffff;
	_ =	sdelay $0x1  }
0x9e: {  	v5 =	vld.idx.msk [tilespmem:v5+s11+$0x0], $0xffff;
	_ =	sdelay $0x1  }
0x9f: {  	v6 =	vld.idx.msk [tilespmem:v6+s11+$0x0], $0xffff  }
0xa0: {  	v4 =	vadd.f32 $0.0e+00, v4  }
0xa1: {  	v7 =	vld.idx.msk [tilespmem:v8+s11+$0x0], $0xffff  }
0xa2: {  	v4 =	vadd.f32 v5, v4  }
0xa3: {  	v5 =	vld.idx.msk [tilespmem:v10+s11+$0x0], $0xffff  }
0xa4: {  	v4 =	vadd.f32 v6, v4  }
0xa5: {  	v6 =	vld.idx.msk [tilespmem:v12+s11+$0x0], $0xffff  }
0xa6: {  	v4 =	vadd.f32 v7, v4  }
0xa7: {  	v7 =	vld.idx.msk [tilespmem:v14+s11+$0x0], $0xffff  }
0xa8: {  	v4 =	vadd.f32 v5, v4  }
0xa9: {  	v5 =	vld.idx.msk [tilespmem:v15+s11+$0x0], $0xffff  }
0xaa: {  	v4 =	vadd.f32 v6, v4  }
0xab: {  	v6 =	vld.idx.msk [tilespmem:v16+s11+$0x0], $0xffff  }
0xac: {  	v4 =	vadd.f32 v7, v4  }
0xad: {  	v7 =	vld.idx.msk [tilespmem:v17+s11+$0x0], $0xffff  }
0xae: {  	v4 =	vadd.f32 v5, v4  }
0xaf: {  	v5 =	vld.idx.msk [tilespmem:v18+s11+$0x0], $0xffff  }
0xb0: {  	v4 =	vadd.f32 v6, v4  }
0xb1: {  	v6 =	vld.idx.msk [tilespmem:v19+s11+$0x0], $0xffff  }
0xb2: {  	v4 =	vadd.f32 v7, v4  }
0xb3: {  	v7 =	vld.idx.msk [tilespmem:v20+s11+$0x0], $0xffff  }
0xb4: {  	v4 =	vadd.f32 v5, v4  }
0xb5: {  	v5 =	vld.idx.msk [tilespmem:v21+s11+$0x0], $0xffff  }
0xb6: {  	v4 =	vadd.f32 v6, v4  }
0xb7: {  	v6 =	vld.idx.msk [tilespmem:v22+s11+$0x0], $0xffff  }
0xb8: {  	v4 =	vadd.f32 v7, v4  }
0xb9: {  	s17 =	simm.s32 $0x10  }
0xba: {  	v8 =	vmov s17;
	v7 =	vld.idx.msk [tilespmem:v23+s11+$0x0], $0xffff;
	v4 =	vadd.f32 v5, v4  }
0xbb: {  	v5 =	vshll.u32 v8, $0x4  }
0xbc: {  	v10 =	vor.u32 v3, v5;
	v4 =	vadd.f32 v6, v4  }
0xbd: {  	v12 =	vor.u32 $0x1, v10;
	v11 =	vor.u32 $0x2, v10;
	v9 =	vor.u32 $0x3, v10  }
0xbe: {  	v8 =	vor.u32 $0x4, v10;
	v6 =	vor.u32 $0x5, v10;
	v5 =	vor.u32 $0x7, v10  }
0xbf: {  	s18 =	simm.s32 $0x20;
	v15 =	vadd.f32 v7, v4;
	v7 =	vor.u32 $0x6, v10;
	v4 =	vor.u32 $0x8, v10  }
.LBB2_6:
0xc0: {  	p1 =	sne.s32 s18, $0x3F0  }
0xc1: {  	v17 =	vor.u32 $0x9, v10;
	v14 =	vor.u32 $0xA, v10;
	v13 =	vor.u32 $0xB, v10;
	[tilespmem:s20+$0xD800] =	vst v15;
	s16 =	sadd.s32 $0x10, s16;
	s19 =	smov.u32 s18;
	s18 =	sadd.s32 $0x10, s18  }
0xc2: {  	v19 =	vor.u32 $0xC, v10;
	v18 =	vor.u32 $0xD, v10;
	v15 =	vor.u32 $0xE, v10;
	v20 =	vld.idx.msk [tilespmem:v10+s9+$0x0], $0xffff  }
0xc3: {  	v16 =	vor.u32 $0xF, v10  }
0xc4: {  	v21 =	vld.idx.msk [tilespmem:v12+s9+$0x0], $0xffff;
	_ =	sdelay $0x1  }
0xc5: {  	v22 =	vld.idx.msk [tilespmem:v11+s9+$0x0], $0xffff;
	_ =	sdelay $0x1  }
0xc6: {  	v20 =	vadd.f32 $0.0e+00, v20;
	v23 =	vld.idx.msk [tilespmem:v9+s9+$0x0], $0xffff;
	_ =	sdelay $0x1  }
0xc7: {  	v20 =	vadd.f32 v21, v20;
	v21 =	vld.idx.msk [tilespmem:v8+s9+$0x0], $0xffff;
	_ =	sdelay $0x1  }
0xc8: {  	v20 =	vadd.f32 v22, v20;
	v22 =	vld.idx.msk [tilespmem:v6+s9+$0x0], $0xffff;
	_ =	sdelay $0x1  }
0xc9: {  	v20 =	vadd.f32 v23, v20;
	v23 =	vld.idx.msk [tilespmem:v7+s9+$0x0], $0xffff;
	_ =	sdelay $0x1  }
0xca: {  	v20 =	vadd.f32 v21, v20;
	v21 =	vld.idx.msk [tilespmem:v5+s9+$0x0], $0xffff;
	_ =	sdelay $0x1  }
0xcb: {  	v20 =	vadd.f32 v22, v20;
	v22 =	vld.idx.msk [tilespmem:v4+s9+$0x0], $0xffff;
	_ =	sdelay $0x1  }
0xcc: {  	v20 =	vadd.f32 v23, v20;
	v23 =	vld.idx.msk [tilespmem:v17+s9+$0x0], $0xffff;
	_ =	sdelay $0x1  }
0xcd: {  	v20 =	vadd.f32 v21, v20;
	v21 =	vld.idx.msk [tilespmem:v14+s9+$0x0], $0xffff;
	_ =	sdelay $0x1  }
0xce: {  	v20 =	vadd.f32 v22, v20;
	v22 =	vld.idx.msk [tilespmem:v13+s9+$0x0], $0xffff;
	_ =	sdelay $0x1  }
0xcf: {  	v20 =	vadd.f32 v23, v20;
	v23 =	vld.idx.msk [tilespmem:v19+s9+$0x0], $0xffff;
	_ =	sdelay $0x1  }
0xd0: {  	v20 =	vadd.f32 v21, v20;
	v21 =	vld.idx.msk [tilespmem:v18+s9+$0x0], $0xffff;
	_ =	sdelay $0x1  }
0xd1: {  	v20 =	vadd.f32 v22, v20;
	v22 =	vld.idx.msk [tilespmem:v15+s9+$0x0], $0xffff;
	_ =	sdelay $0x1  }
0xd2: {  	v20 =	vadd.f32 v23, v20;
	v23 =	vld.idx.msk [tilespmem:v16+s9+$0x0], $0xffff;
	_ =	sdelay $0x1  }
0xd3: {  	v20 =	vadd.f32 v21, v20;
	_ =	sdelay $0x1  }
0xd4: {  	v20 =	vadd.f32 v22, v20;
	_ =	sdelay $0x1  }
0xd5: {  	v20 =	vadd.f32 v23, v20;
	_ =	sdelay $0x1  }
0xd6: {  	[tilespmem:s16+$0x0] =	vst v20  }
0xd7: {  	v20 =	vld.idx.msk [tilespmem:v10+s10+$0x0], $0xffff;
	_ =	sdelay $0x1  }
0xd8: {  	v21 =	vld.idx.msk [tilespmem:v12+s10+$0x0], $0xffff;
	_ =	sdelay $0x1  }
0xd9: {  	v22 =	vld.idx.msk [tilespmem:v11+s10+$0x0], $0xffff;
	_ =	sdelay $0x1  }
0xda: {  	v20 =	vadd.f32 $0.0e+00, v20;
	v23 =	vld.idx.msk [tilespmem:v9+s10+$0x0], $0xffff;
	_ =	sdelay $0x1  }
0xdb: {  	v20 =	vadd.f32 v21, v20;
	v21 =	vld.idx.msk [tilespmem:v8+s10+$0x0], $0xffff;
	_ =	sdelay $0x1  }
0xdc: {  	v20 =	vadd.f32 v22, v20;
	v22 =	vld.idx.msk [tilespmem:v6+s10+$0x0], $0xffff;
	_ =	sdelay $0x1  }
0xdd: {  	v20 =	vadd.f32 v23, v20;
	v23 =	vld.idx.msk [tilespmem:v7+s10+$0x0], $0xffff;
	_ =	sdelay $0x1  }
0xde: {  	v20 =	vadd.f32 v21, v20;
	v21 =	vld.idx.msk [tilespmem:v5+s10+$0x0], $0xffff;
	_ =	sdelay $0x1  }
0xdf: {  	v20 =	vadd.f32 v22, v20;
	v22 =	vld.idx.msk [tilespmem:v4+s10+$0x0], $0xffff;
	_ =	sdelay $0x1  }
0xe0: {  	v20 =	vadd.f32 v23, v20;
	v23 =	vld.idx.msk [tilespmem:v17+s10+$0x0], $0xffff;
	_ =	sdelay $0x1  }
0xe1: {  	v20 =	vadd.f32 v21, v20;
	v21 =	vld.idx.msk [tilespmem:v14+s10+$0x0], $0xffff;
	_ =	sdelay $0x1  }
0xe2: {  	v20 =	vadd.f32 v22, v20;
	v22 =	vld.idx.msk [tilespmem:v13+s10+$0x0], $0xffff;
	_ =	sdelay $0x1  }
0xe3: {  	v20 =	vadd.f32 v23, v20;
	v23 =	vld.idx.msk [tilespmem:v19+s10+$0x0], $0xffff;
	_ =	sdelay $0x1  }
0xe4: {  	v20 =	vadd.f32 v21, v20;
	v21 =	vld.idx.msk [tilespmem:v18+s10+$0x0], $0xffff;
	_ =	sdelay $0x1  }
0xe5: {  	v20 =	vadd.f32 v22, v20;
	v22 =	vld.idx.msk [tilespmem:v15+s10+$0x0], $0xffff;
	_ =	sdelay $0x1  }
0xe6: {  	v20 =	vadd.f32 v23, v20;
	v23 =	vld.idx.msk [tilespmem:v16+s10+$0x0], $0xffff;
	_ =	sdelay $0x1  }
0xe7: {  	v20 =	vadd.f32 v21, v20;
	_ =	sdelay $0x1  }
0xe8: {  	v20 =	vadd.f32 v22, v20;
	_ =	sdelay $0x1  }
0xe9: {  	v20 =	vadd.f32 v23, v20  }
0xea: {  	s20 =	sand.u32 $0x3F0, s17;
	s17 =	smov.u32 s19  }
0xeb: {  	[tilespmem:s20+$0xD400] =	vst v20  }
0xec: {  	v10 =	vld.idx.msk [tilespmem:v10+s11+$0x0], $0xffff  }
0xed: {  	v12 =	vld.idx.msk [tilespmem:v12+s11+$0x0], $0xffff  }
0xee: {  	v11 =	vld.idx.msk [tilespmem:v11+s11+$0x0], $0xffff  }
0xef: {  	v9 =	vld.idx.msk [tilespmem:v9+s11+$0x0], $0xffff  }
0xf0: {  	v8 =	vld.idx.msk [tilespmem:v8+s11+$0x0], $0xffff  }
0xf1: {  	v6 =	vld.idx.msk [tilespmem:v6+s11+$0x0], $0xffff  }
0xf2: {  	v10 =	vadd.f32 $0.0e+00, v10;
	v7 =	vld.idx.msk [tilespmem:v7+s11+$0x0], $0xffff  }
0xf3: {  	v5 =	vld.idx.msk [tilespmem:v5+s11+$0x0], $0xffff  }
0xf4: {  	v10 =	vadd.f32 v12, v10;
	v4 =	vld.idx.msk [tilespmem:v4+s11+$0x0], $0xffff  }
0xf5: {  	v12 =	vld.idx.msk [tilespmem:v17+s11+$0x0], $0xffff  }
0xf6: {  	v10 =	vadd.f32 v11, v10;
	v11 =	vld.idx.msk [tilespmem:v14+s11+$0x0], $0xffff  }
0xf7: {  	v13 =	vld.idx.msk [tilespmem:v13+s11+$0x0], $0xffff  }
0xf8: {  	v9 =	vadd.f32 v9, v10;
	v10 =	vld.idx.msk [tilespmem:v19+s11+$0x0], $0xffff  }
0xf9: {  	v14 =	vld.idx.msk [tilespmem:v18+s11+$0x0], $0xffff  }
0xfa: {  	v8 =	vadd.f32 v8, v9;
	v9 =	vld.idx.msk [tilespmem:v15+s11+$0x0], $0xffff  }
0xfb: {  	v15 =	vld.idx.msk [tilespmem:v16+s11+$0x0], $0xffff  }
0xfc: {  	v6 =	vadd.f32 v6, v8;
	_ =	sdelay $0x1  }
0xfd: {  	v6 =	vadd.f32 v7, v6;
	_ =	sdelay $0x1  }
0xfe: {  	v5 =	vadd.f32 v5, v6;
	_ =	sdelay $0x1  }
0xff: {  	v4 =	vadd.f32 v4, v5;
	_ =	sdelay $0x1  }
0x100: {  	v4 =	vadd.f32 v12, v4;
	_ =	sdelay $0x1  }
0x101: {  	v4 =	vadd.f32 v11, v4;
	_ =	sdelay $0x1  }
0x102: {  	v4 =	vadd.f32 v13, v4;
	_ =	sdelay $0x1  }
0x103: {  	v4 =	vadd.f32 v10, v4;
	_ =	sdelay $0x1  }
0x104: {  	v5 =	vmov s17;
	v4 =	vadd.f32 v14, v4  }
.Ltmp2:
0x105: {  	v5 =	vshll.u32 v5, $0x4;
	(pc) =	sbr.rel @p1 .LBB2_6-.Ltmp2, $4  }
0x106: {  	v10 =	vor.u32 v3, v5;
	v4 =	vadd.f32 v9, v4  }
0x107: {  	v12 =	vor.u32 $0x1, v10;
	v11 =	vor.u32 $0x2, v10;
	v9 =	vor.u32 $0x3, v10  }
0x108: {  	v8 =	vor.u32 $0x4, v10;
	v6 =	vor.u32 $0x5, v10;
	v15 =	vadd.f32 v15, v4  }
0x109: {  	v7 =	vor.u32 $0x6, v10;
	v5 =	vor.u32 $0x7, v10;
	v4 =	vor.u32 $0x8, v10  }
0x10a: {  	_ =	sdelay $0x2  }
0x10b: {  	[tilespmem:s20+$0xD800] =	vst v15  }
0x10c: {  	v13 =	vld.idx.msk [tilespmem:v10+s9+$0x0], $0xffff;
	_ =	sdelay $0x1  }
0x10d: {  	v14 =	vld.idx.msk [tilespmem:v12+s9+$0x0], $0xffff;
	_ =	sdelay $0x1  }
0x10e: {  	v15 =	vld.idx.msk [tilespmem:v11+s9+$0x0], $0xffff  }
0x10f: {  	v13 =	vadd.f32 $0.0e+00, v13  }
0x110: {  	v16 =	vld.idx.msk [tilespmem:v9+s9+$0x0], $0xffff  }
0x111: {  	v13 =	vadd.f32 v14, v13  }
0x112: {  	v25 =	vld.idx.msk [tilespmem:v8+s9+$0x0], $0xffff  }
0x113: {  	v13 =	vadd.f32 v15, v13  }
0x114: {  	v26 =	vld.idx.msk [tilespmem:v6+s9+$0x0], $0xffff  }
0x115: {  	v13 =	vadd.f32 v16, v13  }
0x116: {  	v27 =	vld.idx.msk [tilespmem:v7+s9+$0x0], $0xffff  }
0x117: {  	v17 =	vor.u32 $0x9, v10;
	v13 =	vadd.f32 v25, v13  }
0x118: {  	v28 =	vld.idx.msk [tilespmem:v5+s9+$0x0], $0xffff  }
0x119: {  	v18 =	vor.u32 $0xA, v10;
	v13 =	vadd.f32 v26, v13  }
0x11a: {  	v29 =	vld.idx.msk [tilespmem:v4+s9+$0x0], $0xffff  }
0x11b: {  	v19 =	vor.u32 $0xB, v10;
	v13 =	vadd.f32 v27, v13  }
0x11c: {  	v30 =	vld.idx.msk [tilespmem:v17+s9+$0x0], $0xffff  }
0x11d: {  	v20 =	vor.u32 $0xC, v10;
	v13 =	vadd.f32 v28, v13  }
0x11e: {  	v31 =	vld.idx.msk [tilespmem:v18+s9+$0x0], $0xffff  }
0x11f: {  	v21 =	vor.u32 $0xD, v10;
	v13 =	vadd.f32 v29, v13  }
0x120: {  	v32 =	vld.idx.msk [tilespmem:v19+s9+$0x0], $0xffff  }
0x121: {  	v22 =	vor.u32 $0xE, v10;
	v13 =	vadd.f32 v30, v13  }
0x122: {  	v33 =	vld.idx.msk [tilespmem:v20+s9+$0x0], $0xffff  }
0x123: {  	v23 =	vor.u32 $0xF, v10;
	v13 =	vadd.f32 v31, v13  }
0x124: {  	v34 =	vld.idx.msk [tilespmem:v21+s9+$0x0], $0xffff  }
0x125: {  	v13 =	vadd.f32 v32, v13  }
0x126: {  	v35 =	vld.idx.msk [tilespmem:v22+s9+$0x0], $0xffff  }
0x127: {  	v13 =	vadd.f32 v33, v13  }
0x128: {  	v36 =	vld.idx.msk [tilespmem:v23+s9+$0x0], $0xffff  }
0x129: {  	v13 =	vadd.f32 v34, v13;
	_ =	sdelay $0x1  }
0x12a: {  	v13 =	vadd.f32 v35, v13;
	_ =	sdelay $0x1  }
0x12b: {  	v13 =	vadd.f32 v36, v13  }
0x12c: {  	s16 =	sadd.s32 $0x10, s16  }
0x12d: {  	[tilespmem:s16+$0x0] =	vst v13  }
0x12e: {  	v13 =	vld.idx.msk [tilespmem:v10+s10+$0x0], $0xffff;
	_ =	sdelay $0x1  }
0x12f: {  	v37 =	vld.idx.msk [tilespmem:v12+s10+$0x0], $0xffff;
	_ =	sdelay $0x1  }
0x130: {  	v38 =	vld.idx.msk [tilespmem:v11+s10+$0x0], $0xffff  }
0x131: {  	v13 =	vadd.f32 $0.0e+00, v13  }
0x132: {  	v39 =	vld.idx.msk [tilespmem:v9+s10+$0x0], $0xffff  }
0x133: {  	v13 =	vadd.f32 v37, v13  }
0x134: {  	v40 =	vld.idx.msk [tilespmem:v8+s10+$0x0], $0xffff  }
0x135: {  	v13 =	vadd.f32 v38, v13  }
0x136: {  	v41 =	vld.idx.msk [tilespmem:v6+s10+$0x0], $0xffff  }
0x137: {  	v13 =	vadd.f32 v39, v13  }
0x138: {  	v42 =	vld.idx.msk [tilespmem:v7+s10+$0x0], $0xffff  }
0x139: {  	v13 =	vadd.f32 v40, v13  }
0x13a: {  	v43 =	vld.idx.msk [tilespmem:v5+s10+$0x0], $0xffff  }
0x13b: {  	v13 =	vadd.f32 v41, v13  }
0x13c: {  	v44 =	vld.idx.msk [tilespmem:v4+s10+$0x0], $0xffff  }
0x13d: {  	v13 =	vadd.f32 v42, v13  }
0x13e: {  	v45 =	vld.idx.msk [tilespmem:v17+s10+$0x0], $0xffff  }
0x13f: {  	v13 =	vadd.f32 v43, v13  }
0x140: {  	v46 =	vld.idx.msk [tilespmem:v18+s10+$0x0], $0xffff  }
0x141: {  	v13 =	vadd.f32 v44, v13  }
0x142: {  	v47 =	vld.idx.msk [tilespmem:v19+s10+$0x0], $0xffff  }
0x143: {  	v13 =	vadd.f32 v45, v13  }
0x144: {  	v48 =	vld.idx.msk [tilespmem:v20+s10+$0x0], $0xffff  }
0x145: {  	v13 =	vadd.f32 v46, v13  }
0x146: {  	v49 =	vld.idx.msk [tilespmem:v21+s10+$0x0], $0xffff  }
0x147: {  	v13 =	vadd.f32 v47, v13  }
0x148: {  	v50 =	vld.idx.msk [tilespmem:v22+s10+$0x0], $0xffff  }
0x149: {  	v13 =	vadd.f32 v48, v13  }
0x14a: {  	v51 =	vld.idx.msk [tilespmem:v23+s10+$0x0], $0xffff  }
0x14b: {  	v13 =	vadd.f32 v49, v13;
	_ =	sdelay $0x1  }
0x14c: {  	v13 =	vadd.f32 v50, v13;
	_ =	sdelay $0x1  }
0x14d: {  	v13 =	vadd.f32 v51, v13  }
0x14e: {  	s31 =	sand.u32 $0x3F0, s17  }
0x14f: {  	[tilespmem:s31+$0xD400] =	vst v13  }
0x150: {  	v52 =	vld.idx.msk [tilespmem:v10+s11+$0x0], $0xffff;
	_ =	sdelay $0x1  }
0x151: {  	v53 =	vld.idx.msk [tilespmem:v12+s11+$0x0], $0xffff;
	_ =	sdelay $0x1  }
0x152: {  	v54 =	vld.idx.msk [tilespmem:v11+s11+$0x0], $0xffff  }
0x153: {  	v10 =	vadd.f32 $0.0e+00, v52  }
0x154: {  	v55 =	vld.idx.msk [tilespmem:v9+s11+$0x0], $0xffff  }
0x155: {  	v10 =	vadd.f32 v53, v10  }
0x156: {  	v56 =	vld.idx.msk [tilespmem:v8+s11+$0x0], $0xffff  }
0x157: {  	v10 =	vadd.f32 v54, v10  }
0x158: {  	v57 =	vld.idx.msk [tilespmem:v6+s11+$0x0], $0xffff  }
0x159: {  	v9 =	vadd.f32 v55, v10  }
0x15a: {  	v58 =	vld.idx.msk [tilespmem:v7+s11+$0x0], $0xffff  }
0x15b: {  	v8 =	vadd.f32 v56, v9  }
0x15c: {  	v5 =	vld.idx.msk [tilespmem:v5+s11+$0x0], $0xffff  }
0x15d: {  	v6 =	vadd.f32 v57, v8  }
0x15e: {  	v4 =	vld.idx.msk [tilespmem:v4+s11+$0x0], $0xffff  }
0x15f: {  	v6 =	vadd.f32 v58, v6  }
0x160: {  	v59 =	vld.idx.msk [tilespmem:v17+s11+$0x0], $0xffff  }
0x161: {  	v5 =	vadd.f32 v5, v6  }
0x162: {  	v60 =	vld.idx.msk [tilespmem:v18+s11+$0x0], $0xffff  }
0x163: {  	v4 =	vadd.f32 v4, v5  }
0x164: {  	v5 =	vld.idx.msk [tilespmem:v19+s11+$0x0], $0xffff  }
0x165: {  	v4 =	vadd.f32 v59, v4  }
0x166: {  	v61 =	vld.idx.msk [tilespmem:v20+s11+$0x0], $0xffff  }
0x167: {  	v4 =	vadd.f32 v60, v4  }
0x168: {  	v62 =	vld.idx.msk [tilespmem:v21+s11+$0x0], $0xffff  }
0x169: {  	v4 =	vadd.f32 v5, v4  }
0x16a: {  	v5 =	vld.idx.msk [tilespmem:v22+s11+$0x0], $0xffff  }
0x16b: {  	v4 =	vadd.f32 v61, v4  }
0x16c: {  	v63 =	vld.idx.msk [tilespmem:v23+s11+$0x0], $0xffff  }
0x16d: {  	v4 =	vadd.f32 v62, v4;
	_ =	sdelay $0x1  }
0x16e: {  	v4 =	vadd.f32 v5, v4;
	_ =	sdelay $0x1  }
0x16f: {  	s15 =	sadd.s32 $0x1, s15;
	v4 =	vadd.f32 v63, v4  }
0x170: {  	p1 =	sne.s32 s15, s7  }
.Ltmp3:
0x171: {  	[tilespmem:s31+$0xD800] =	vst v4;
	(pc) =	sbr.rel @p1 .LBB2_1-.Ltmp3, $4  }
0x172: {  	[hbm4b:s6+s12] =	stream.strided.scatter [tilespmem:s14], [sflag:$0x1], $0xC00, s13, s12, $0x38;
	[tilespmem:$0xDC00] =	vst v63  }
0x173: {  	_ =	swait.ge [sflag:s8], $0xC00  }
0x174: {  	[sflag:s8] =	ssyncset.done $0x0  }
0x175: {  	[sflag:s8] =	ssyncadd.s32 $0xFFFFF400  }
0x176: {  	_ =	sfence.sel $0x180000  }
0x177: {  	[bflag:$0x0] =	sbarrier.arrive $0xFFFF  }
0x178: {  	p0 =	sne.s32 s1, $0x0;
	_ =	strace $0x9000004A  }
0x179: {  	s0 =	sadd.s32 @!p0 $0x100000, s0;
	[bflag:$0x2] =	sbarrier.arrive $0xFFFF  }
0x17a: {  	[sflag:s0] =	ssyncadd.tile.s32 @!p0 $0x1;
	_ =	shalt  }
.Lfunc_end2:
_tile_overlayer_lowered:
.L_overlay_start_2:
0x17b: {  	(tag) =	ssettag $0x2  }
0x17c: {  	s0 =	rddreg [dreg:$0x0];
	s2 =	stileid.u32  }
0x17d: {  	s1 =	rddreg [dreg:$0x1];
	p0 =	sne.s32 s2, $0x0  }
0x17e: {  	s3 =	rddreg [dreg:$0x2];
	[bflag:$0x3] =	sbarrier.arrive $0xFFFF;
	s2 =	simm.s32 @!p0 $0x1C01  }
0x17f: {  	[timem:s3], [sflag:s2] =	dma.local @!p0 [hbm:s0], s1  }
0x180: {  	s0 =	simm.s32 @!p0 $0x1  }
0x181: {  	_ =	swait.ge @!p0 [sflag:s0], s1  }
0x182: {  	s1 =	ssub.s32 @!p0 $0x0, s1;
	[sflag:s0] =	ssyncset.done @!p0 $0x0  }
0x183: {  	[sflag:s0] =	ssyncadd.s32 @!p0 s1  }
0x184: {  	[bflag:$0x3] =	sbarrier.arrive $0xFFFF  }
0x185: {  	_ =	shalt  }

// kernel: kernel.7.cloned.1.call-start
scs
__scs_entry_jumppad:
0x0: {  	(pc) =	sbr.rel $0x88, $3  }
0x1: {  	(tag) =	ssettag $0x0;
	lr =	simm.s32 $0x1  }
0x2: {  	[smem:$0x3F9F] =	sst lr;
	_ =	strace $0xD0000000  }
0x3: {  	_ = 	snop  }
0x4: {  	_ = 	snop  }
0x5: {  	_ = 	snop  }
0x6: {  	_ = 	snop  }
0x7: {  	_ = 	snop  }
__scs_overlays_trampoline_lowered:
0x8: {  	[smem:$0x3FAE] =	sst s0  }
0x9: {  	[smem:$0x3FAF] =	sst s1  }
0xa: {  	[smem:$0x3FB0] =	sst s2  }
0xb: {  	[smem:$0x3FB1] =	sst s3  }
0xc: {  	[smem:$0x3FB2] =	sst s4  }
0xd: {  	[smem:$0x3FB3] =	sst s5  }
0xe: {  	[smem:$0x3FB4] =	sst s6  }
0xf: {  	[smem:$0x3FB5] =	sst s7  }
0x10: {  	[smem:$0x3FB6] =	sst s8  }
0x11: {  	[smem:$0x3FB7] =	sst s9;
	s0 =	simm.s32 @!p0 $0x0  }
0x12: {  	s1 =	sld [smem:$0x3F9D];
	s0 =	simm.s32 @p0 $0x1  }
0x13: {  	[smem:$0x3FB8] =	sst s0;
	s0 =	simm.s32 @!p1 $0x0  }
0x14: {  	s2 =	sld [smem:$0x3F9C];
	s0 =	simm.s32 @p1 $0x1  }
0x15: {  	[smem:$0x3FB9] =	sst s0;
	s0 =	simm.s32 @!p2 $0x0  }
0x16: {  	s3 =	sld [smem:$0x3FDB];
	s0 =	simm.s32 @p2 $0x1  }
0x17: {  	s4 =	simm.s32 $0x1BF5;
	[smem:$0x3FBB] =	sst s0  }
0x18: {  	s0 =	sld [smem:$0x3F9E];
	_ =	swait.ge [sflag:s4], $0x0  }
0x19: {  	s7 =	sld [smem:$0x3F9F]  }
0x1a: {  	s8 =	sadd.s32 $0xFFFFE003, lr  }
0x1b: {  	s9 =	sadd.s32 $0xFFFFFEF7, lr;
	s5 =	simm.s32 $0xFFFFFFFF;
	p2 =	slt.u32 s8, $0xFFFFF086  }
0x1c: {  	p1 =	slt.u32 s9, $0xF7A;
	s5 =	simm.s32 @!p2 $0x0  }
0x1d: {  	s5 =	simm.s32 @p1 $0x1;
	p0 =	seq.s32 s7, s2  }
0x1e: {  	s7 =	smul.u32 @!p0 $0xF7A, s2;
	p2 =	seq.s32 @!p0 s5, $0x0  }
0x1f: {  	s9 =	smul.u32 $0xF7A, s1;
	s8 =	simm.s32 @!p0 $0x1BF5;
	p2 =	por !p2, p0  }
0x20: {  	[sflag:s8] =	ssyncset.s32 @!p0 $0xFFFFF086;
	s6 =	sadd.s32 @!p0 s3, s7;
	s7 =	simm.s32 @!p0 $0x108  }
0x21: {  	s3 =	sadd.s32 s3, s9;
	s6 =	sadd.s32 @!p0 $0x88, s6;
	s7 =	simm.s32 @p2 $0x1082  }
0x22: {  	[simem:s7], [sflag:s8] =	dma.local @!p0 [hbm:s6], $0xF7A  }
0x23: {  	s9 =	sor.u32 $0xD0000000, s2;
	s6 =	simm.s32 $0x108;
	_ =	swait.ge @!p0 [sflag:s8], $0x0  }
0x24: {  	s3 =	sadd.s32 $0x88, s3;
	s6 =	simm.s32 @!p1 $0x1082;
	[sflag:s4] =	ssyncset.s32 $0xFFFFF086  }
0x25: {  	[simem:s6], [sflag:s4] =	dma.local [hbm:s3], $0xF7A  }
0x26: {  	[smem:$0x3F9F] =	sst s1;
	(tag) =	ssettag s2;
	_ =	strace s9  }
0x27: {  	s1 =	sld [smem:$0x3FAF]  }
0x28: {  	s2 =	sld [smem:$0x3FB0]  }
0x29: {  	s4 =	sld [smem:$0x3FB2]  }
0x2a: {  	p0 =	seq.s32 s5, $0x0;
	s5 =	sld [smem:$0x3FB3]  }
0x2b: {  	s6 =	sld [smem:$0x3FB4]  }
0x2c: {  	s7 =	sld [smem:$0x3FB5]  }
0x2d: {  	s3 =	simm.s32 $0x108;
	s8 =	sld [smem:$0x3FB6]  }
0x2e: {  	s3 =	simm.s32 @!p0 $0x1082;
	s9 =	sld [smem:$0x3FB7]  }
0x2f: {  	lr =	sadd.s32 s0, s3;
	s0 =	sld [smem:$0x3FAE]  }
0x30: {  	s3 =	sld [smem:$0x3FB1]  }
0x31: {  	[smem:$0x3FBA] =	sst s10  }
0x32: {  	s10 =	sld [smem:$0x3FB8];
	_ =	sdelay $0x3  }
0x33: {  	p0 =	seq.s32 s10, $0x1;
	s10 =	sld [smem:$0x3FBA];
	_ =	sdelay $0x3  }
0x34: {  	[smem:$0x3FBA] =	sst s10  }
0x35: {  	s10 =	sld [smem:$0x3FB9];
	_ =	sdelay $0x3  }
0x36: {  	p1 =	seq.s32 s10, $0x1;
	s10 =	sld [smem:$0x3FBA];
	_ =	sdelay $0x3  }
0x37: {  	[smem:$0x3FBA] =	sst s10  }
0x38: {  	s10 =	sld [smem:$0x3FBB]  }
0x39: {  	_ = 	snop;
	(pc) =	sbr.ind lr, $3  }
0x3a: {  	_ = 	snop  }
0x3b: {  	_ = 	snop  }
0x3c: {  	p2 =	seq.s32 s10, $0x1;
	s10 =	sld [smem:$0x3FBA]  }
0x3d: {  	_ =	shalt  }
0x3e: {  	_ =	shalt  }
0x3f: {  	_ =	shalt  }
0x40: {  	_ =	shalt  }
0x41: {  	_ =	shalt  }
0x42: {  	_ =	shalt  }
0x43: {  	_ =	shalt  }
0x44: {  	_ =	shalt  }
0x45: {  	_ =	shalt  }
0x46: {  	_ =	shalt  }
0x47: {  	_ =	shalt  }
0x48: {  	_ =	shalt  }
0x49: {  	_ =	shalt  }
0x4a: {  	_ =	shalt  }
0x4b: {  	_ =	shalt  }
0x4c: {  	_ =	shalt  }
0x4d: {  	_ =	shalt  }
0x4e: {  	_ =	shalt  }
0x4f: {  	_ =	shalt  }
0x50: {  	_ =	shalt  }
0x51: {  	_ =	shalt  }
0x52: {  	_ =	shalt  }
0x53: {  	_ =	shalt  }
0x54: {  	_ =	shalt  }
0x55: {  	_ =	shalt  }
0x56: {  	_ =	shalt  }
0x57: {  	_ =	shalt  }
0x58: {  	_ =	shalt  }
0x59: {  	_ =	shalt  }
0x5a: {  	_ =	shalt  }
0x5b: {  	_ =	shalt  }
0x5c: {  	_ =	shalt  }
0x5d: {  	_ =	shalt  }
0x5e: {  	_ =	shalt  }
0x5f: {  	_ =	shalt  }
0x60: {  	_ =	shalt  }
0x61: {  	_ =	shalt  }
0x62: {  	_ =	shalt  }
0x63: {  	_ =	shalt  }
0x64: {  	_ =	shalt  }
0x65: {  	_ =	shalt  }
0x66: {  	_ =	shalt  }
0x67: {  	_ =	shalt  }
0x68: {  	_ =	shalt  }
0x69: {  	_ =	shalt  }
0x6a: {  	_ =	shalt  }
0x6b: {  	_ =	shalt  }
0x6c: {  	_ =	shalt  }
0x6d: {  	_ =	shalt  }
0x6e: {  	_ =	shalt  }
0x6f: {  	_ =	shalt  }
0x70: {  	_ =	shalt  }
0x71: {  	_ =	shalt  }
0x72: {  	_ =	shalt  }
0x73: {  	_ =	shalt  }
0x74: {  	_ =	shalt  }
0x75: {  	_ =	shalt  }
0x76: {  	_ =	shalt  }
0x77: {  	_ =	shalt  }
0x78: {  	_ =	shalt  }
0x79: {  	_ =	shalt  }
0x7a: {  	_ =	shalt  }
0x7b: {  	_ =	shalt  }
0x7c: {  	_ =	shalt  }
0x7d: {  	_ =	shalt  }
0x7e: {  	_ =	shalt  }
0x7f: {  	_ =	shalt  }
0x80: {  	_ =	shalt  }
0x81: {  	_ =	shalt  }
0x82: {  	_ =	shalt  }
0x83: {  	_ =	shalt  }
0x84: {  	_ =	shalt  }
0x85: {  	_ =	shalt  }
0x86: {  	_ =	shalt  }
0x87: {  	_ =	shalt  }
.Lfunc_end0:
.L_simem_size_0:
called_computation_lowered:
.L_overlay_start_0:
0x88: {  	s2 =	sld [smem:$0x3FD9]  }
0x89: {  	s3 =	sld [smem:$0x3FFE];
	_ =	sdelay $0x1  }
0x8a: {  	s1 =	srdreg.scid  }
0x8b: {  	s0 =	sand.u32 $0x1, s1  }
0x8c: {  	s17 =	sshll.u32 s0, $0xA;
	s2 =	sadd.s32 s3, s2  }
0x8d: {  	s2 =	sadd.s32 s2, s17  }
0x8e: {  	[smem:$0x3FC6] =	sst s2  }
0x8f: {  	_ = 	snop  }
0x90: {  	s2 =	sld [smem:$0x3FC8];
	(tm) =	ssettm $0x1  }
0x91: {  	s18 =	sld [smem:$0x3FFB];
	_ =	sdelay $0x3  }
0x92: {  	_ =	strace s18  }
0x93: {  	s3 =	sld [smem:$0x3FFC];
	_ =	sdelay $0x3  }
0x94: {  	_ =	strace s3  }
0x95: {  	s3 =	sld [smem:$0x3FFD];
	_ =	sdelay $0x3  }
0x96: {  	_ =	strace s3  }
0x97: {  	_ =	strace $0x8FFFFFFF  }
0x98: {  	s19 =	sld [smem:$0x3FDB];
	_ =	sdelay $0x1  }
0x99: {  	s4 =	simm.s32 $_scs_section_size  }
0x9a: {  	s5 =	simm.s32 $_size__tile_overlayer_lowered;
	s6 =	simm.s32 $_tile_overlayer_lowered  }
0x9b: {  	s22 =	simm.s32 $0x1BFF;
	s21 =	sshll.u32 s6, $0x1;
	s3 =	sadd.s32 s4, s19  }
0x9c: {  	s7 =	simm.s32 $0x0;
	s20 =	sshll.u32 s5, $0x1;
	s5 =	sadd.s32 s21, s3  }
0x9d: {  	[timem:s7], [sflag:s22] =	dma.local [hbm:s5], s20  }
0x9e: {  	_ =	swait.ge [sflag:s22], s20  }
0x9f: {  	s4 =	ssub.s32 $0x0, s20;
	[sflag:s22] =	ssyncset.done $0x0  }
0xa0: {  	[sflag:s22] =	ssyncadd.s32 s4;
	_ =	sdelay $0x1  }
0xa1: {  	s23 =	simm.s32 $0x1B8B  }
0xa2: {  	_ =	swait.ge [sflag:s23], $0x1  }
0xa3: {  	[sflag:s23] =	ssyncset.done $0x0  }
0xa4: {  	s25 =	simm.s32 $0x1B8E;
	s24 =	sld [smem:$0x3FFE];
	[sflag:s23] =	ssyncadd.s32 $0xFFFFFFFF  }
0xa5: {  	s26 =	simm.s32 $execute0_lowered;
	[smem:$0x3FD2] =	sst s25  }
0xa6: {  	s5 =	sshll.u32 s26, $0x1;
	_ =	strace $0x80000046;
	[dreg:$0x1] =	wrdreg $0xFFFFFFFF  }
0xa7: {  	s28 =	simm.s32 $_size_execute0_lowered;
	s3 =	sadd.s32 s3, s5;
	[dreg:$0x0] =	wrdreg $0x0  }
0xa8: {  	s5 =	sshll.u32 s28, $0x1;
	[dreg:$0x2] =	wrdreg s3  }
0xa9: {  	[dreg:$0x3] =	wrdreg s5  }
0xaa: {  	[dreg:$0x4] =	wrdreg $0xC0  }
0xab: {  	_ =	task [dreg:s7], $0x5FFFF  }
0xac: {  	[dreg:$0x1] =	wrdreg $0xFFFFFFFF  }
0xad: {  	[dreg:$0x0] =	wrdreg $0x60  }
0xae: {  	[dreg:$0x2] =	wrdreg s24  }
0xaf: {  	[dreg:$0x3] =	wrdreg s2  }
0xb0: {  	[dreg:$0x4] =	wrdreg $0x9  }
0xb1: {  	_ =	task.clear_ibuf [dreg:s7], $0x5FFFF;
	_ =	strace $0x90000046  }
0xb2: {  	s29 =	simm.s32 $0x9;
	_ =	strace $0x80000048  }
0xb3: {  	_ =	swait.ge [sflag:s29], $0x1  }
0xb4: {  	[sflag:s29] =	ssyncadd.s32 $0xFFFFFFFF  }
0xb5: {  	_ =	strace $0x90000048  }
0xb6: {  	_ =	sfence  }
0xb7: {  	s30 =	sld [smem:$0x0];
	_ =	sdelay $0x2  }
0xb8: {  	s31 =	sshll.u32 s1, $0xD;
	s1 =	sshrl.u32 s1, $0x2  }
0xb9: {  	s3 =	sand.u32 $0x4000, s31;
	s1 =	sadd.s32 s1, s30  }
0xba: {  	s0 =	sor.u32 s3, s0;
	s1 =	sshll.u32 s1, $0x11  }
0xbb: {  	s0 =	sor.u32 s1, s0  }
0xbc: {  	s0 =	sadd.s32 $0x8F2B, s0  }
0xbd: {  	[sflag:s0] =	ssyncadd.remote.s32 $0x1  }
0xbe: {  	_ =	sfence.sel $0xFFFF  }
0xbf: {  	[dreg:$0x0] =	wrdreg $0xFFFFFFFF;
	(pc) =	sbr.abs _section_cstart, $3  }
0xc0: {  	[dreg:$0x1] =	wrdreg $0xFFFFFFFF  }
0xc1: {  	_ =	task.clear_ibuf [dreg:s7], $0x2FFFF;
	_ =	strace $0x9FFFFFFF  }
0xc2: {  	(tm) =	ssettm $0x7FFFFFFF  }
0xc3: {  	_ =	shalt  }
tec
execute0_lowered:
.L_overlay_start_1:
0x0: {  	(tag) =	ssettag $0x1  }
0x1: {  	v0 =	vimm.s32 $0x2380;
	vm0 =	vcmask $0x300  }
0x2: {  	vm1 =	vcmask $0x704;
	v1 =	vimm.s32 $0x6380;
	vm2 =	vcmask $0xB08  }
0x3: {  	vm3 =	vcmask $0x3330;
	v0 =	vsel vm0, $0x0, v0;
	v1 =	vsel vm0, $0x4000, v1  }
0x4: {  	s3 =	rddreg [dreg:$0x0];
	v2 =	vlaneseq.u32;
	v0 =	vsel vm1, $0x80, v0;
	v1 =	vsel vm1, $0x4080, v1  }
0x5: {  	s4 =	rddreg [dreg:$0x1];
	vm0 =	vcmask $0xF0C;
	v0 =	vsel vm2, $0x100, v0;
	v1 =	vsel vm2, $0x4100, v1  }
0x6: {  	s0 =	rddreg [dreg:$0x2];
	s5 =	srdreg.scid;
	vm1 =	vcmask $0x1310;
	v0 =	vsel vm0, $0x180, v0;
	v1 =	vsel vm0, $0x4180, v1  }
0x7: {  	s1 =	stileid.u32;
	s2 =	simm.s32 $0x0;
	s10 =	simm.s32 $0x1;
	vm2 =	vcmask $0x1714;
	v0 =	vsel vm1, $0x200, v0;
	v1 =	vsel vm1, $0x4200, v1  }
0x8: {  	s11 =	simm.s32 $0x8600;
	s12 =	simm.s32 $0x8800;
	s13 =	simm.s32 $0x80;
	vm0 =	vcmask $0x1B18;
	v0 =	vsel vm2, $0x280, v0;
	v1 =	vsel vm2, $0x4280, v1  }
0x9: {  	s14 =	simm.s32 $0x400;
	s15 =	simm.s32 $0x8200;
	s16 =	simm.s32 $0x8400;
	vm1 =	vcmask $0x1F1C;
	v0 =	vsel vm0, $0x300, v0;
	v1 =	vsel vm0, $0x4300, v1  }
0xa: {  	s17 =	simm.s32 $0x0;
	s5 =	sand.u32 $0x1, s5;
	s6 =	sshll.u32 s1, $0x1;
	vm2 =	vcmask $0x2320;
	v0 =	vsel vm1, $0x380, v0;
	v1 =	vsel vm1, $0x4380, v1  }
0xb: {  	[smem:$0x7FF] =	sst s2;
	s8 =	sshll.u32 s1, $0x3;
	s6 =	sor.u32 s5, s6;
	vm0 =	vcmask $0x2724;
	v0 =	vsel vm2, $0x2000, v0;
	v1 =	vsel vm2, $0x6000, v1  }
0xc: {  	_ =	strace $0x80000047;
	s5 =	ssub.s32 $0x2, s5;
	s7 =	sshll.u32 s6, $0x9;
	vm1 =	vcmask $0x2B28;
	v0 =	vsel vm0, $0x2080, v0;
	v1 =	vsel vm0, $0x6080, v1  }
0xd: {  	s9 =	sshll.u32 s6, $0x10;
	s30 =	sshrl.u32 s5, $0x1;
	s7 =	sor.u32 s8, s7;
	vm2 =	vcmask $0x2F2C;
	v0 =	vsel vm1, $0x2100, v0;
	v1 =	vsel vm1, $0x6100, v1  }
0xe: {  	s31 =	sshll.u32 s6, $0x6;
	s29 =	sadd.s32 s9, s3;
	s7 =	sand.u32 $0x670, s7;
	vm0 =	vmmov $0xff;
	v0 =	vsel vm2, $0x2180, v0;
	v1 =	vsel vm2, $0x6180, v1  }
0xf: {  	s9 =	ssub.s32 s5, s30;
	s8 =	simm.s32 $0x8000;
	s7 =	sadd.s32 s7, s3;
	vm1 =	vcmask $0x3734;
	v0 =	vsel vm3, $0x2200, v0;
	v1 =	vsel vm3, $0x6200, v1  }
0x10: {  	s3 =	sadd.s32 s4, s31;
	s4 =	sadd.s32 $0x1800, s29;
	s5 =	sadd.s32 $0x801800, s7;
	vm2 =	vcmask $0x3B38;
	v0 =	vsel vm1, $0x2280, v0;
	v3 =	vsel vm1, $0x6280, v1  }
0x11: {  	s6 =	sadd.s32 $0x802000, s7;
	s7 =	smax.u32 s9, $0x1;
	s9 =	simm.s32 $0x2;
	v1 =	vmul.u32 $0x10, v2;
	v0 =	vsel vm2, $0x2300, v0;
	v2 =	vsel vm2, $0x6300, v3  }
.LBB2_1:
0x12: {  	[tilespmem:s8], [sflag:$0x2] =	stream.linear.gather [hbm4b:s3+s2], $0x200, $0x38;
	[tilespmem:$0x8A00] =	vst v63  }
0x13: {  	_ =	swait.ge [sflag:s9], $0x200  }
0x14: {  	[sflag:s9] =	ssyncset.done $0x0  }
0x15: {  	s18 =	simm.s32 $0x0;
	[sflag:s9] =	ssyncadd.s32 $0xFFFFFE00  }
.LBB2_2:
0x16: {  	s19 =	sshll.u32 s18, $0xC  }
0x17: {  	s20 =	sadd.s32 s19, s4;
	s19 =	simm.s32 $0x0  }
0x18: {  	[tilespmem:s19], [sflag:$0x1] =	stream.linear.gather [hbm4b:s20+s19], $0x8000, $0x38;
	[tilespmem:$0x8A00] =	vst v63  }
0x19: {  	s22 =	simm.s32 $0x0;
	_ =	swait.ge [sflag:s10], $0x8000  }
0x1a: {  	s20 =	sand.u32 $0x6000, s22;
	s21 =	sand.u32 $0x380, s19;
	[sflag:s10] =	ssyncset.done $0x0  }
0x1b: {  	s20 =	sor.u32 s21, s20;
	[sflag:s10] =	ssyncadd.s32 $0xFFFF8000  }
0x1c: {  	v22 =	vld [tilespmem:s20+$0x0];
	_ =	sdelay $0x1  }
0x1d: {  	v17 =	vld [tilespmem:s20+$0x10];
	_ =	sdelay $0x1  }
0x1e: {  	v12 =	vld [tilespmem:s20+$0x20]  }
0x1f: {  	v3 =	vmul.f32 $1.442695020e+00, v22  }
0x20: {  	v8 =	vld [tilespmem:s20+$0x30]  }
0x21: {  	v4 =	vmul.f32 $1.442695020e+00, v17;
	(erf) = vpow2.f32 v3  }
0x22: {  	v9 =	vld [tilespmem:s20+$0x40]  }
0x23: {  	v3 =	vmul.f32 $1.442695020e+00, v12;
	(erf) = vpow2.f32 v4  }
0x24: {  	v5 =	vld [tilespmem:s20+$0x50]  }
0x25: {  	v4 =	vmul.f32 $1.442695020e+00, v8;
	(erf) = vpow2.f32 v3  }
0x26: {  	v6 =	vld [tilespmem:s20+$0x60]  }
0x27: {  	v7 =	vmul.f32 $1.442695020e+00, v9;
	(erf) = vpow2.f32 v4  }
0x28: {  	v3 =	vld [tilespmem:s20+$0x70]  }
0x29: {  	v10 =	vmul.f32 $1.442695020e+00, v5;
	(erf) = vpow2.f32 v7  }
0x2a: {  	v4 =	vld [tilespmem:s20+$0x400];
	v21 =	vpop (erf)  }
0x2b: {  	v13 =	vmul.f32 $1.442695020e+00, v6;
	(erf) = vpow2.f32 v10;
	v11 =	vadd.f32 $0.0e+00, v21  }
0x2c: {  	v7 =	vld [tilespmem:s20+$0x410];
	v23 =	vpop (erf)  }
0x2d: {  	v14 =	vmul.f32 $1.442695020e+00, v3;
	(erf) = vpow2.f32 v13;
	v11 =	vadd.f32 v23, v11  }
0x2e: {  	v10 =	vld [tilespmem:s20+$0x420];
	v24 =	vpop (erf)  }
0x2f: {  	v15 =	vmul.f32 $1.442695020e+00, v4;
	(erf) = vpow2.f32 v14;
	v13 =	vadd.f32 v24, v11  }
0x30: {  	v25 =	vpop (erf);
	v11 =	vld [tilespmem:s20+$0x430]  }
0x31: {  	v16 =	vmul.f32 $1.442695020e+00, v7;
	(erf) = vpow2.f32 v15;
	v14 =	vadd.f32 v25, v13  }
0x32: {  	v26 =	vpop (erf);
	v13 =	vld [tilespmem:s20+$0x440]  }
0x33: {  	(erf) = vpow2.f32 v16;
	v18 =	vmul.f32 $1.442695020e+00, v10;
	v15 =	vadd.f32 v26, v14  }
0x34: {  	v14 =	vld [tilespmem:s20+$0x450];
	v27 =	vpop (erf)  }
0x35: {  	(erf) = vpow2.f32 v18;
	v19 =	vmul.f32 $1.442695020e+00, v11;
	v16 =	vadd.f32 v27, v15  }
0x36: {  	v28 =	vpop (erf);
	v15 =	vld [tilespmem:s20+$0x460]  }
0x37: {  	v20 =	vmul.f32 $1.442695020e+00, v13;
	(erf) = vpow2.f32 v19;
	v18 =	vadd.f32 v28, v16  }
0x38: {  	v29 =	vpop (erf);
	v16 =	vld [tilespmem:s20+$0x470]  }
0x39: {  	v21 =	vmul.f32 $1.442695020e+00, v14;
	(erf) = vpow2.f32 v20;
	v19 =	vadd.f32 v29, v18  }
0x3a: {  	v30 =	vpop (erf);
	v18 =	vld [tilespmem:s20+$0x800]  }
0x3b: {  	v23 =	vmul.f32 $1.442695020e+00, v15;
	(erf) = vpow2.f32 v21;
	v20 =	vadd.f32 v30, v19  }
0x3c: {  	v31 =	vpop (erf);
	v19 =	vld [tilespmem:s20+$0x810]  }
0x3d: {  	v24 =	vmul.f32 $1.442695020e+00, v16;
	(erf) = vpow2.f32 v23;
	v21 =	vadd.f32 v31, v20  }
0x3e: {  	v32 =	vpop (erf);
	v20 =	vld [tilespmem:s20+$0x820]  }
0x3f: {  	v25 =	vmul.f32 $1.442695020e+00, v18;
	(erf) = vpow2.f32 v24;
	v23 =	vadd.f32 v32, v21  }
0x40: {  	v21 =	vld [tilespmem:s20+$0x830];
	v33 =	vpop (erf)  }
0x41: {  	v26 =	vmul.f32 $1.442695020e+00, v19;
	(erf) = vpow2.f32 v25;
	v24 =	vadd.f32 v33, v23  }
0x42: {  	v23 =	vld [tilespmem:s20+$0x840];
	v34 =	vpop (erf)  }
0x43: {  	v27 =	vmul.f32 $1.442695020e+00, v20;
	(erf) = vpow2.f32 v26;
	v25 =	vadd.f32 v34, v24  }
0x44: {  	v24 =	vld [tilespmem:s20+$0x850];
	v35 =	vpop (erf)  }
0x45: {  	v28 =	vmul.f32 $1.442695020e+00, v21;
	(erf) = vpow2.f32 v27;
	v26 =	vadd.f32 v35, v25  }
0x46: {  	v25 =	vld [tilespmem:s20+$0x860];
	v36 =	vpop (erf)  }
0x47: {  	v29 =	vmul.f32 $1.442695020e+00, v23;
	(erf) = vpow2.f32 v28;
	v27 =	vadd.f32 v36, v26  }
0x48: {  	v26 =	vld [tilespmem:s20+$0x870];
	v37 =	vpop (erf)  }
0x49: {  	v30 =	vmul.f32 $1.442695020e+00, v24;
	(erf) = vpow2.f32 v29;
	v28 =	vadd.f32 v37, v27  }
0x4a: {  	v27 =	vld [tilespmem:s20+$0xC00];
	v38 =	vpop (erf)  }
0x4b: {  	v31 =	vmul.f32 $1.442695020e+00, v25;
	(erf) = vpow2.f32 v30;
	v29 =	vadd.f32 v38, v28  }
0x4c: {  	v28 =	vld [tilespmem:s20+$0xC10];
	v39 =	vpop (erf)  }
0x4d: {  	v32 =	vmul.f32 $1.442695020e+00, v26;
	(erf) = vpow2.f32 v31;
	v30 =	vadd.f32 v39, v29  }
0x4e: {  	v29 =	vld [tilespmem:s20+$0xC20];
	v40 =	vpop (erf)  }
0x4f: {  	v33 =	vmul.f32 $1.442695020e+00, v27;
	(erf) = vpow2.f32 v32;
	v31 =	vadd.f32 v40, v30  }
0x50: {  	v30 =	vld [tilespmem:s20+$0xC30];
	v41 =	vpop (erf)  }
0x51: {  	v34 =	vmul.f32 $1.442695020e+00, v28;
	(erf) = vpow2.f32 v33;
	v32 =	vadd.f32 v41, v31  }
0x52: {  	v31 =	vld [tilespmem:s20+$0xC40];
	v42 =	vpop (erf)  }
0x53: {  	v35 =	vmul.f32 $1.442695020e+00, v29;
	(erf) = vpow2.f32 v34;
	v33 =	vadd.f32 v42, v32  }
0x54: {  	v32 =	vld [tilespmem:s20+$0xC50];
	v43 =	vpop (erf)  }
0x55: {  	v36 =	vmul.f32 $1.442695020e+00, v30;
	(erf) = vpow2.f32 v35;
	v34 =	vadd.f32 v43, v33  }
0x56: {  	v33 =	vld [tilespmem:s20+$0xC60];
	v44 =	vpop (erf)  }
0x57: {  	v37 =	vmul.f32 $1.442695020e+00, v31;
	(erf) = vpow2.f32 v36;
	v35 =	vadd.f32 v44, v34  }
0x58: {  	v34 =	vld [tilespmem:s20+$0xC70];
	v45 =	vpop (erf)  }
0x59: {  	v38 =	vmul.f32 $1.442695020e+00, v32;
	(erf) = vpow2.f32 v37;
	v36 =	vadd.f32 v45, v35  }
0x5a: {  	v35 =	vld [tilespmem:s20+$0x1000];
	v46 =	vpop (erf)  }
0x5b: {  	v39 =	vmul.f32 $1.442695020e+00, v33;
	(erf) = vpow2.f32 v38;
	v37 =	vadd.f32 v46, v36  }
0x5c: {  	v36 =	vld [tilespmem:s20+$0x1010];
	v47 =	vpop (erf)  }
0x5d: {  	v40 =	vmul.f32 $1.442695020e+00, v34;
	(erf) = vpow2.f32 v39;
	v38 =	vadd.f32 v47, v37  }
0x5e: {  	v37 =	vld [tilespmem:s20+$0x1020];
	v48 =	vpop (erf)  }
0x5f: {  	v41 =	vmul.f32 $1.442695020e+00, v35;
	(erf) = vpow2.f32 v40;
	v39 =	vadd.f32 v48, v38  }
0x60: {  	v38 =	vld [tilespmem:s20+$0x1030];
	v49 =	vpop (erf)  }
0x61: {  	v42 =	vmul.f32 $1.442695020e+00, v36;
	(erf) = vpow2.f32 v41;
	v40 =	vadd.f32 v49, v39  }
0x62: {  	v39 =	vld [tilespmem:s20+$0x1040];
	v50 =	vpop (erf)  }
0x63: {  	v43 =	vmul.f32 $1.442695020e+00, v37;
	(erf) = vpow2.f32 v42;
	v41 =	vadd.f32 v50, v40  }
0x64: {  	v40 =	vld [tilespmem:s20+$0x1050];
	v51 =	vpop (erf)  }
0x65: {  	v44 =	vmul.f32 $1.442695020e+00, v38;
	(erf) = vpow2.f32 v43;
	v42 =	vadd.f32 v51, v41  }
0x66: {  	v54 =	vmax.f32 v22, $-1.000000020e+30;
	v41 =	vld [tilespmem:s20+$0x1060];
	v52 =	vpop (erf)  }
0x67: {  	v22 =	vld [tilespmem:s20+$0x1070];
	v53 =	vmul.f32 $1.442695020e+00, v39;
	(erf) = vpow2.f32 v44;
	v42 =	vadd.f32 v52, v42  }
0x68: {  	v55 =	vmax.f32 v54, v17;
	v45 =	vpop (erf)  }
0x69: {  	v46 =	vmul.f32 $1.442695020e+00, v40;
	(erf) = vpow2.f32 v53;
	v45 =	vadd.f32 v45, v42  }
0x6a: {  	v43 =	vmax.f32 v55, v12;
	v42 =	vld [tilespmem:s20+$0x1400];
	v56 =	vpop (erf)  }
0x6b: {  	v17 =	vld [tilespmem:s20+$0x1410];
	v58 =	vmul.f32 $1.442695020e+00, v41;
	(erf) = vpow2.f32 v46;
	v57 =	vadd.f32 v56, v45  }
0x6c: {  	v60 =	vmul.f32 $1.442695020e+00, v22;
	v8 =	vmax.f32 v43, v8;
	v59 =	vpop (erf)  }
0x6d: {  	v12 =	vld [tilespmem:s20+$0x1420];
	v9 =	vmax.f32 v8, v9;
	(erf) = vpow2.f32 v58;
	v44 =	vadd.f32 v59, v57  }
0x6e: {  	v5 =	vmax.f32 v9, v5;
	v62 =	vpop (erf)  }
0x6f: {  	v8 =	vld [tilespmem:s20+$0x1430];
	(erf) = vpow2.f32 v60;
	v61 =	vmul.f32 $1.442695020e+00, v42;
	v44 =	vadd.f32 v62, v44  }
0x70: {  	v63 =	vmul.f32 $1.442695020e+00, v17;
	v6 =	vmax.f32 v5, v6;
	v48 =	vpop (erf)  }
0x71: {  	v5 =	vld [tilespmem:s20+$0x1440];
	v3 =	vmax.f32 v6, v3;
	(erf) = vpow2.f32 v61;
	v44 =	vadd.f32 v48, v44  }
0x72: {  	v49 =	vmul.f32 $1.442695020e+00, v12;
	v4 =	vmax.f32 v3, v4;
	v50 =	vpop (erf)  }
0x73: {  	v3 =	vld [tilespmem:s20+$0x1450];
	v4 =	vmax.f32 v4, v7;
	(erf) = vpow2.f32 v63;
	v43 =	vadd.f32 v50, v44  }
0x74: {  	v51 =	vmul.f32 $1.442695020e+00, v8;
	v10 =	vmax.f32 v4, v10;
	v52 =	vpop (erf)  }
0x75: {  	v4 =	vld [tilespmem:s20+$0x1460];
	v53 =	vmax.f32 v10, v11;
	(erf) = vpow2.f32 v49;
	v9 =	vadd.f32 v52, v43  }
0x76: {  	v54 =	vmul.f32 $1.442695020e+00, v5;
	v13 =	vmax.f32 v53, v13;
	v55 =	vpop (erf)  }
0x77: {  	v6 =	vld [tilespmem:s20+$0x1470];
	v56 =	vmax.f32 v13, v14;
	(erf) = vpow2.f32 v51;
	v9 =	vadd.f32 v55, v9  }
0x78: {  	v57 =	vmul.f32 $1.442695020e+00, v3;
	v7 =	vmax.f32 v56, v15;
	v58 =	vpop (erf)  }
0x79: {  	v13 =	vld [tilespmem:s20+$0x1800];
	v7 =	vmax.f32 v7, v16;
	(erf) = vpow2.f32 v54;
	v9 =	vadd.f32 v58, v9  }
0x7a: {  	v59 =	vmul.f32 $1.442695020e+00, v4;
	v7 =	vmax.f32 v7, v18;
	v60 =	vpop (erf)  }
0x7b: {  	v14 =	vld [tilespmem:s20+$0x1810];
	v7 =	vmax.f32 v7, v19;
	(erf) = vpow2.f32 v57;
	v9 =	vadd.f32 v60, v9  }
0x7c: {  	v61 =	vmul.f32 $1.442695020e+00, v6;
	v7 =	vmax.f32 v7, v20;
	v62 =	vpop (erf)  }
0x7d: {  	v15 =	vld [tilespmem:s20+$0x1820];
	v7 =	vmax.f32 v7, v21;
	(erf) = vpow2.f32 v59;
	v9 =	vadd.f32 v62, v9  }
0x7e: {  	v63 =	vmul.f32 $1.442695020e+00, v13;
	v7 =	vmax.f32 v7, v23;
	v20 =	vpop (erf)  }
0x7f: {  	v16 =	vld [tilespmem:s20+$0x1830];
	v7 =	vmax.f32 v7, v24;
	(erf) = vpow2.f32 v61;
	v9 =	vadd.f32 v20, v9  }
0x80: {  	v21 =	vmul.f32 $1.442695020e+00, v14;
	v7 =	vmax.f32 v7, v25;
	v23 =	vpop (erf)  }
0x81: {  	v18 =	vld [tilespmem:s20+$0x1840];
	v7 =	vmax.f32 v7, v26;
	(erf) = vpow2.f32 v63;
	v9 =	vadd.f32 v23, v9  }
0x82: {  	v24 =	vmul.f32 $1.442695020e+00, v15;
	v7 =	vmax.f32 v7, v27;
	v25 =	vpop (erf)  }
0x83: {  	v19 =	vld [tilespmem:s20+$0x1850];
	v7 =	vmax.f32 v7, v28;
	(erf) = vpow2.f32 v21;
	v9 =	vadd.f32 v25, v9  }
0x84: {  	v26 =	vmul.f32 $1.442695020e+00, v16;
	v7 =	vmax.f32 v7, v29;
	v27 =	vpop (erf)  }
0x85: {  	s23 =	sand.u32 $0x7, s19;
	v7 =	vmax.f32 v7, v30;
	(erf) = vpow2.f32 v24;
	v9 =	vadd.f32 v27, v9  }
0x86: {  	s21 =	sshll.u32 s23, $0x7;
	v28 =	vmul.f32 $1.442695020e+00, v18;
	v7 =	vmax.f32 v7, v31;
	v20 =	vld [tilespmem:s20+$0x1860];
	v29 =	vpop (erf)  }
0x87: {  	s21 =	sadd.s32 $0x0, s21;
	v21 =	vld [tilespmem:s20+$0x1870];
	v7 =	vmax.f32 v7, v32;
	(erf) = vpow2.f32 v26;
	v9 =	vadd.f32 v29, v9  }
0x88: {  	s24 =	sor.u32 $0x1C00, s21;
	v30 =	vmul.f32 $1.442695020e+00, v19;
	v7 =	vmax.f32 v7, v33;
	v31 =	vpop (erf)  }
0x89: {  	v32 =	vld [tilespmem:s24+$0x0];
	v7 =	vmax.f32 v7, v34;
	(erf) = vpow2.f32 v28;
	v9 =	vadd.f32 v31, v9  }
0x8a: {  	s25 =	sor.u32 $0x1C10, s21;
	v7 =	vmax.f32 v7, v35;
	v34 =	vpop (erf)  }
0x8b: {  	v35 =	vld [tilespmem:s25+$0x0];
	v33 =	vmul.f32 $1.442695020e+00, v20;
	(erf) = vpow2.f32 v30;
	v9 =	vadd.f32 v34, v9  }
0x8c: {  	s26 =	sor.u32 $0x1C20, s21;
	v7 =	vmax.f32 v7, v36;
	v43 =	vmul.f32 $1.442695020e+00, v21;
	v44 =	vpop (erf)  }
0x8d: {  	v45 =	vld [tilespmem:s26+$0x0];
	v7 =	vmax.f32 v7, v37;
	(erf) = vpow2.f32 v33;
	v9 =	vadd.f32 v44, v9  }
0x8e: {  	s28 =	sor.u32 $0x1C30, s21;
	v46 =	vmul.f32 $1.442695020e+00, v32;
	v7 =	vmax.f32 v7, v38;
	v47 =	vpop (erf)  }
0x8f: {  	v48 =	vld [tilespmem:s28+$0x0];
	v7 =	vmax.f32 v7, v39;
	(erf) = vpow2.f32 v43;
	v9 =	vadd.f32 v47, v9  }
0x90: {  	s29 =	sor.u32 $0x1C40, s21;
	v7 =	vmax.f32 v7, v40;
	v49 =	vmul.f32 $1.442695020e+00, v35;
	v50 =	vpop (erf)  }
0x91: {  	v51 =	vld [tilespmem:s29+$0x0];
	v7 =	vmax.f32 v7, v41;
	(erf) = vpow2.f32 v46;
	v9 =	vadd.f32 v50, v9  }
0x92: {  	s30 =	sor.u32 $0x1C50, s21;
	v52 =	vmul.f32 $1.442695020e+00, v45;
	v7 =	vmax.f32 v7, v22;
	v53 =	vpop (erf)  }
0x93: {  	v54 =	vld [tilespmem:s30+$0x0];
	v7 =	vmax.f32 v7, v42;
	(erf) = vpow2.f32 v49;
	v9 =	vadd.f32 v53, v9  }
0x94: {  	s31 =	sor.u32 $0x1C58, s21;
	v55 =	vmul.f32 $1.442695020e+00, v48;
	v7 =	vmax.f32 v7, v17;
	v56 =	vpop (erf)  }
0x95: {  	v57 =	vld [tilespmem:s31+$0x0];
	v7 =	vmax.f32 v7, v12;
	(erf) = vpow2.f32 v52;
	v9 =	vadd.f32 v56, v9  }
0x96: {  	v58 =	vmul.f32 $1.442695020e+00, v51;
	v7 =	vmax.f32 v7, v8;
	v59 =	vpop (erf)  }
0x97: {  	v5 =	vmax.f32 v7, v5;
	(erf) = vpow2.f32 v55;
	v60 =	vadd.f32 v59, v9  }
0x98: {  	v3 =	vmax.f32 v5, v3;
	v5 =	vmul.f32 $1.442695020e+00, v54;
	v61 =	vpop (erf)  }
0x99: {  	v3 =	vmax.f32 v3, v4;
	(erf) = vpow2.f32 v58;
	v4 =	vadd.f32 v61, v60  }
0x9a: {  	v62 =	vmul.f32 $1.442695020e+00, v57;
	v3 =	vmax.f32 v3, v6;
	v63 =	vpop (erf)  }
0x9b: {  	v3 =	vmax.f32 v3, v13;
	(erf) = vpow2.f32 v5;
	v4 =	vadd.f32 v63, v4  }
0x9c: {  	v3 =	vmax.f32 v3, v14;
	v5 =	vpop (erf);
	(erf) = vpow2.f32 v62  }
0x9d: {  	v3 =	vmax.f32 v3, v15;
	v4 =	vadd.f32 v5, v4  }
0x9e: {  	v3 =	vmax.f32 v3, v16;
	v5 =	vpop (erf)  }
0x9f: {  	v3 =	vmax.f32 v3, v18;
	v4 =	vadd.f32 v5, v4  }
0xa0: {  	v3 =	vmax.f32 v3, v19;
	v5 =	vpop (erf)  }
0xa1: {  	v3 =	vmax.f32 v3, v20;
	v4 =	vadd.f32 v5, v4  }
0xa2: {  	v3 =	vmax.f32 v3, v21;
	v5 =	vpop (erf)  }
0xa3: {  	v3 =	vmax.f32 v3, v32;
	v4 =	vadd.f32 v5, v4  }
0xa4: {  	v3 =	vmax.f32 v3, v35;
	v5 =	vpop (erf)  }
0xa5: {  	v3 =	vmax.f32 v3, v45;
	v4 =	vadd.f32 v5, v4;
	v5 =	vpop (erf)  }
0xa6: {  	v3 =	vmax.f32 v3, v48;
	v5 =	vsel vm0, $0x0, v5  }
0xa7: {  	s22 =	simm.s32 $0x400;
	s23 =	simm.s32 $0xFFFF8400;
	s24 =	simm.s32 $0x80;
	v3 =	vmax.f32 v3, v51;
	v4 =	vadd.f32 v5, v4  }
0xa8: {  	s21 =	simm.s32 $0x8600;
	s20 =	simm.s32 $0x8800;
	s26 =	sand.u32 $0x380, s24;
	v3 =	vmax.f32 v3, v54;
	v5 =	vsel vm0, $0xF149F2CA, v57  }
0xa9: {  	s24 =	simm.s32 $0x100;
	s25 =	sand.u32 $0x6000, s22;
	s22 =	simm.s32 $0x0;
	v3 =	vmax.f32 v3, v5;
	[tilespmem:s21+$0x0] =	vst v4  }
.LBB2_3:
0xaa: {  	p0 =	sne.s32 s24, $0xF80;
	s25 =	sor.u32 s26, s25;
	[tilespmem:s20+$0x0] =	vst v3  }
0xab: {  	v3 =	vld [tilespmem:s25+$0x0];
	_ =	sdelay $0x1  }
0xac: {  	v4 =	vld [tilespmem:s25+$0x10];
	_ =	sdelay $0x1  }
0xad: {  	v5 =	vld [tilespmem:s25+$0x20]  }
0xae: {  	v6 =	vmul.f32 $1.442695020e+00, v3;
	v3 =	vmax.f32 v3, $-1.000000020e+30  }
0xaf: {  	v7 =	vld [tilespmem:s25+$0x30]  }
0xb0: {  	v8 =	vmul.f32 $1.442695020e+00, v4;
	v4 =	vmax.f32 v3, v4;
	(erf) = vpow2.f32 v6  }
0xb1: {  	v3 =	vld [tilespmem:s25+$0x40]  }
0xb2: {  	v6 =	vmul.f32 $1.442695020e+00, v5;
	v5 =	vmax.f32 v4, v5;
	(erf) = vpow2.f32 v8  }
0xb3: {  	v4 =	vld [tilespmem:s25+$0x50]  }
0xb4: {  	v8 =	vmul.f32 $1.442695020e+00, v7;
	v9 =	vmax.f32 v5, v7;
	(erf) = vpow2.f32 v6  }
0xb5: {  	v5 =	vld [tilespmem:s25+$0x60]  }
0xb6: {  	v7 =	vmul.f32 $1.442695020e+00, v3;
	(erf) = vpow2.f32 v8  }
0xb7: {  	v6 =	vld [tilespmem:s25+$0x70]  }
0xb8: {  	v8 =	vmul.f32 $1.442695020e+00, v4;
	(erf) = vpow2.f32 v7  }
0xb9: {  	v7 =	vld [tilespmem:s25+$0x400];
	v10 =	vpop (erf)  }
0xba: {  	v10 =	vadd.f32 $0.0e+00, v10;
	v14 =	vmul.f32 $1.442695020e+00, v5;
	(erf) = vpow2.f32 v8  }
0xbb: {  	v8 =	vld [tilespmem:s25+$0x410];
	v12 =	vpop (erf)  }
0xbc: {  	v12 =	vadd.f32 v12, v10;
	v15 =	vmul.f32 $1.442695020e+00, v6;
	(erf) = vpow2.f32 v14  }
0xbd: {  	v10 =	vld [tilespmem:s25+$0x420];
	v11 =	vpop (erf)  }
0xbe: {  	v12 =	vadd.f32 v11, v12;
	v16 =	vmul.f32 $1.442695020e+00, v7;
	(erf) = vpow2.f32 v15  }
0xbf: {  	v11 =	vld [tilespmem:s25+$0x430];
	v13 =	vpop (erf)  }
0xc0: {  	v13 =	vadd.f32 v13, v12;
	v17 =	vmul.f32 $1.442695020e+00, v8;
	(erf) = vpow2.f32 v16  }
0xc1: {  	v12 =	vld [tilespmem:s25+$0x440];
	v14 =	vpop (erf)  }
0xc2: {  	v14 =	vadd.f32 v14, v13;
	v18 =	vmul.f32 $1.442695020e+00, v10;
	(erf) = vpow2.f32 v17  }
0xc3: {  	v13 =	vld [tilespmem:s25+$0x450];
	v15 =	vpop (erf)  }
0xc4: {  	v15 =	vadd.f32 v15, v14;
	v19 =	vmul.f32 $1.442695020e+00, v11;
	(erf) = vpow2.f32 v18  }
0xc5: {  	v14 =	vld [tilespmem:s25+$0x460];
	v16 =	vpop (erf)  }
0xc6: {  	v16 =	vadd.f32 v16, v15;
	v20 =	vmul.f32 $1.442695020e+00, v12;
	(erf) = vpow2.f32 v19  }
0xc7: {  	v15 =	vld [tilespmem:s25+$0x470];
	v17 =	vpop (erf)  }
0xc8: {  	v17 =	vadd.f32 v17, v16;
	v21 =	vmul.f32 $1.442695020e+00, v13;
	(erf) = vpow2.f32 v20  }
0xc9: {  	v16 =	vld [tilespmem:s25+$0x800];
	v18 =	vpop (erf)  }
0xca: {  	v18 =	vadd.f32 v18, v17;
	v22 =	vmul.f32 $1.442695020e+00, v14;
	(erf) = vpow2.f32 v21  }
0xcb: {  	v17 =	vld [tilespmem:s25+$0x810];
	v19 =	vpop (erf)  }
0xcc: {  	v19 =	vadd.f32 v19, v18;
	v23 =	vmul.f32 $1.442695020e+00, v15;
	(erf) = vpow2.f32 v22  }
0xcd: {  	v18 =	vld [tilespmem:s25+$0x820];
	v20 =	vpop (erf)  }
0xce: {  	v20 =	vadd.f32 v20, v19;
	v24 =	vmul.f32 $1.442695020e+00, v16;
	(erf) = vpow2.f32 v23  }
0xcf: {  	v19 =	vld [tilespmem:s25+$0x830];
	v21 =	vpop (erf)  }
0xd0: {  	v21 =	vadd.f32 v21, v20;
	v25 =	vmul.f32 $1.442695020e+00, v17;
	(erf) = vpow2.f32 v24  }
0xd1: {  	v20 =	vld [tilespmem:s25+$0x840];
	v22 =	vpop (erf)  }
0xd2: {  	v22 =	vadd.f32 v22, v21;
	v26 =	vmul.f32 $1.442695020e+00, v18;
	(erf) = vpow2.f32 v25  }
0xd3: {  	v21 =	vld [tilespmem:s25+$0x850];
	v23 =	vpop (erf)  }
0xd4: {  	v23 =	vadd.f32 v23, v22;
	v27 =	vmul.f32 $1.442695020e+00, v19;
	(erf) = vpow2.f32 v26  }
0xd5: {  	v22 =	vld [tilespmem:s25+$0x860];
	v24 =	vpop (erf)  }
0xd6: {  	v24 =	vadd.f32 v24, v23;
	v28 =	vmul.f32 $1.442695020e+00, v20;
	(erf) = vpow2.f32 v27  }
0xd7: {  	v23 =	vld [tilespmem:s25+$0x870];
	v25 =	vpop (erf)  }
0xd8: {  	v25 =	vadd.f32 v25, v24;
	v29 =	vmul.f32 $1.442695020e+00, v21;
	(erf) = vpow2.f32 v28  }
0xd9: {  	v24 =	vld [tilespmem:s25+$0xC00];
	v26 =	vpop (erf)  }
0xda: {  	v26 =	vadd.f32 v26, v25;
	v30 =	vmul.f32 $1.442695020e+00, v22;
	(erf) = vpow2.f32 v29  }
0xdb: {  	v25 =	vld [tilespmem:s25+$0xC10];
	v27 =	vpop (erf)  }
0xdc: {  	v27 =	vadd.f32 v27, v26;
	v31 =	vmul.f32 $1.442695020e+00, v23;
	(erf) = vpow2.f32 v30  }
0xdd: {  	v26 =	vld [tilespmem:s25+$0xC20];
	v28 =	vpop (erf)  }
0xde: {  	v28 =	vadd.f32 v28, v27;
	v32 =	vmul.f32 $1.442695020e+00, v24;
	(erf) = vpow2.f32 v31  }
0xdf: {  	v27 =	vld [tilespmem:s25+$0xC30];
	v29 =	vpop (erf)  }
0xe0: {  	v29 =	vadd.f32 v29, v28;
	v33 =	vmul.f32 $1.442695020e+00, v25;
	(erf) = vpow2.f32 v32  }
0xe1: {  	v28 =	vld [tilespmem:s25+$0xC40];
	v30 =	vpop (erf)  }
0xe2: {  	v30 =	vadd.f32 v30, v29;
	v34 =	vmul.f32 $1.442695020e+00, v26;
	(erf) = vpow2.f32 v33  }
0xe3: {  	v29 =	vld [tilespmem:s25+$0xC50];
	v31 =	vpop (erf)  }
0xe4: {  	v31 =	vadd.f32 v31, v30;
	v35 =	vmul.f32 $1.442695020e+00, v27;
	(erf) = vpow2.f32 v34  }
0xe5: {  	v30 =	vld [tilespmem:s25+$0xC60];
	v32 =	vpop (erf)  }
0xe6: {  	v32 =	vadd.f32 v32, v31;
	v36 =	vmul.f32 $1.442695020e+00, v28;
	(erf) = vpow2.f32 v35  }
0xe7: {  	v31 =	vld [tilespmem:s25+$0xC70];
	v33 =	vpop (erf)  }
0xe8: {  	v33 =	vadd.f32 v33, v32;
	v37 =	vmul.f32 $1.442695020e+00, v29;
	(erf) = vpow2.f32 v36  }
0xe9: {  	v32 =	vld [tilespmem:s25+$0x1000];
	v34 =	vpop (erf)  }
0xea: {  	v34 =	vadd.f32 v34, v33;
	v38 =	vmul.f32 $1.442695020e+00, v30;
	(erf) = vpow2.f32 v37  }
0xeb: {  	v33 =	vld [tilespmem:s25+$0x1010];
	v35 =	vpop (erf)  }
0xec: {  	v35 =	vadd.f32 v35, v34;
	v39 =	vmul.f32 $1.442695020e+00, v31;
	(erf) = vpow2.f32 v38  }
0xed: {  	v34 =	vld [tilespmem:s25+$0x1020];
	v36 =	vpop (erf)  }
0xee: {  	v36 =	vadd.f32 v36, v35;
	v40 =	vmul.f32 $1.442695020e+00, v32;
	(erf) = vpow2.f32 v39  }
0xef: {  	v35 =	vld [tilespmem:s25+$0x1030];
	v37 =	vpop (erf)  }
0xf0: {  	v37 =	vadd.f32 v37, v36;
	v41 =	vmul.f32 $1.442695020e+00, v33;
	(erf) = vpow2.f32 v40  }
0xf1: {  	v36 =	vld [tilespmem:s25+$0x1040];
	v38 =	vpop (erf)  }
0xf2: {  	v38 =	vadd.f32 v38, v37;
	v42 =	vmul.f32 $1.442695020e+00, v34;
	(erf) = vpow2.f32 v41  }
0xf3: {  	v37 =	vld [tilespmem:s25+$0x1050];
	v39 =	vpop (erf)  }
0xf4: {  	v39 =	vadd.f32 v39, v38;
	v43 =	vmul.f32 $1.442695020e+00, v35;
	(erf) = vpow2.f32 v42  }
0xf5: {  	v38 =	vld [tilespmem:s25+$0x1060];
	v40 =	vpop (erf)  }
0xf6: {  	v40 =	vadd.f32 v40, v39;
	v44 =	vmul.f32 $1.442695020e+00, v36;
	(erf) = vpow2.f32 v43  }
0xf7: {  	v39 =	vld [tilespmem:s25+$0x1070];
	v41 =	vpop (erf)  }
0xf8: {  	v41 =	vadd.f32 v41, v40;
	v45 =	vmul.f32 $1.442695020e+00, v37;
	v40 =	vld [tilespmem:s25+$0x1400];
	(erf) = vpow2.f32 v44  }
0xf9: {  	v42 =	vpop (erf)  }
0xfa: {  	v42 =	vadd.f32 v42, v41;
	v44 =	vmul.f32 $1.442695020e+00, v38;
	v41 =	vld [tilespmem:s25+$0x1410];
	(erf) = vpow2.f32 v45  }
0xfb: {  	v43 =	vpop (erf)  }
0xfc: {  	v43 =	vadd.f32 v43, v42;
	v47 =	vmul.f32 $1.442695020e+00, v39;
	v42 =	vld [tilespmem:s25+$0x1420];
	(erf) = vpow2.f32 v44  }
0xfd: {  	v44 =	vmul.f32 $1.442695020e+00, v40;
	v46 =	vpop (erf)  }
0xfe: {  	v9 =	vmax.f32 v9, v3;
	v43 =	vadd.f32 v46, v43;
	v3 =	vld [tilespmem:s25+$0x1430];
	(erf) = vpow2.f32 v47  }
0xff: {  	v4 =	vmax.f32 v9, v4;
	v9 =	vmul.f32 $1.442695020e+00, v41;
	v45 =	vpop (erf)  }
0x100: {  	v5 =	vmax.f32 v4, v5;
	v43 =	vadd.f32 v45, v43;
	v4 =	vld [tilespmem:s25+$0x1440];
	(erf) = vpow2.f32 v44  }
0x101: {  	v5 =	vmax.f32 v5, v6;
	v44 =	vmul.f32 $1.442695020e+00, v42;
	v6 =	vpop (erf)  }
0x102: {  	v7 =	vmax.f32 v5, v7;
	v6 =	vadd.f32 v6, v43;
	v5 =	vld [tilespmem:s25+$0x1450];
	(erf) = vpow2.f32 v9  }
0x103: {  	v7 =	vmax.f32 v7, v8;
	v8 =	vmul.f32 $1.442695020e+00, v3;
	v9 =	vpop (erf)  }
0x104: {  	v7 =	vmax.f32 v7, v10;
	v9 =	vadd.f32 v9, v6;
	v6 =	vld [tilespmem:s25+$0x1460];
	(erf) = vpow2.f32 v44  }
0x105: {  	v7 =	vmax.f32 v7, v11;
	v10 =	vmul.f32 $1.442695020e+00, v4;
	v11 =	vpop (erf)  }
0x106: {  	v43 =	vmax.f32 v7, v12;
	v9 =	vadd.f32 v11, v9;
	v7 =	vld [tilespmem:s25+$0x1470];
	(erf) = vpow2.f32 v8  }
0x107: {  	v8 =	vmax.f32 v43, v13;
	v11 =	vmul.f32 $1.442695020e+00, v5;
	v12 =	vpop (erf)  }
0x108: {  	v14 =	vmax.f32 v8, v14;
	v9 =	vadd.f32 v12, v9;
	v8 =	vld [tilespmem:s25+$0x1800];
	(erf) = vpow2.f32 v10  }
0x109: {  	v10 =	vmax.f32 v14, v15;
	v12 =	vmul.f32 $1.442695020e+00, v6;
	v13 =	vpop (erf)  }
0x10a: {  	v10 =	vmax.f32 v10, v16;
	v13 =	vadd.f32 v13, v9;
	v9 =	vld [tilespmem:s25+$0x1810];
	(erf) = vpow2.f32 v11  }
0x10b: {  	v10 =	vmax.f32 v10, v17;
	v14 =	vmul.f32 $1.442695020e+00, v7;
	v11 =	vpop (erf)  }
0x10c: {  	v16 =	vmax.f32 v10, v18;
	v11 =	vadd.f32 v11, v13;
	v10 =	vld [tilespmem:s25+$0x1820];
	(erf) = vpow2.f32 v12  }
0x10d: {  	v12 =	vmax.f32 v16, v19;
	v13 =	vmul.f32 $1.442695020e+00, v8;
	v15 =	vpop (erf)  }
0x10e: {  	v12 =	vmax.f32 v12, v20;
	v15 =	vadd.f32 v15, v11;
	v11 =	vld [tilespmem:s25+$0x1830];
	(erf) = vpow2.f32 v14  }
0x10f: {  	v12 =	vmax.f32 v12, v21;
	v14 =	vmul.f32 $1.442695020e+00, v9;
	v16 =	vpop (erf)  }
0x110: {  	v18 =	vmax.f32 v12, v22;
	v15 =	vadd.f32 v16, v15;
	v12 =	vld [tilespmem:s25+$0x1840];
	(erf) = vpow2.f32 v13  }
0x111: {  	v13 =	vmax.f32 v18, v23;
	v16 =	vmul.f32 $1.442695020e+00, v10;
	v17 =	vpop (erf)  }
0x112: {  	v19 =	vmax.f32 v13, v24;
	v15 =	vadd.f32 v17, v15;
	v13 =	vld [tilespmem:s25+$0x1850];
	(erf) = vpow2.f32 v14  }
0x113: {  	s19 =	sadd.s32 $0x1, s19;
	v14 =	vmax.f32 v19, v25;
	v17 =	vmul.f32 $1.442695020e+00, v11;
	v18 =	vpop (erf)  }
0x114: {  	s26 =	sand.u32 $0x7, s19;
	v14 =	vmax.f32 v14, v26;
	v15 =	vadd.f32 v18, v15;
	v18 =	vld [tilespmem:s25+$0x1860];
	(erf) = vpow2.f32 v16  }
0x115: {  	s22 =	sadd.s32 $0x400, s22;
	s26 =	sshll.u32 s26, $0x7;
	v14 =	vmax.f32 v14, v27;
	v16 =	vmul.f32 $1.442695020e+00, v12;
	v19 =	vpop (erf)  }
0x116: {  	s26 =	sadd.s32 s26, s22;
	v14 =	vmax.f32 v14, v28;
	v15 =	vadd.f32 v19, v15;
	v19 =	vld [tilespmem:s25+$0x1870];
	(erf) = vpow2.f32 v17  }
0x117: {  	v14 =	vmax.f32 v14, v29;
	s25 =	sor.u32 $0x1C00, s26;
	v17 =	vmul.f32 $1.442695020e+00, v13;
	v20 =	vpop (erf)  }
0x118: {  	v14 =	vmax.f32 v14, v30;
	v15 =	vadd.f32 v20, v15;
	v20 =	vld [tilespmem:s25+$0x0];
	(erf) = vpow2.f32 v16  }
0x119: {  	v14 =	vmax.f32 v14, v31;
	s25 =	sor.u32 $0x1C10, s26;
	v16 =	vmul.f32 $1.442695020e+00, v18;
	v21 =	vpop (erf)  }
0x11a: {  	v14 =	vmax.f32 v14, v32;
	v15 =	vadd.f32 v21, v15;
	v21 =	vld [tilespmem:s25+$0x0];
	(erf) = vpow2.f32 v17  }
0x11b: {  	v14 =	vmax.f32 v14, v33;
	s25 =	sor.u32 $0x1C20, s26;
	v17 =	vmul.f32 $1.442695020e+00, v19;
	v22 =	vpop (erf)  }
0x11c: {  	v14 =	vmax.f32 v14, v34;
	v15 =	vadd.f32 v22, v15;
	v22 =	vld [tilespmem:s25+$0x0];
	(erf) = vpow2.f32 v16  }
0x11d: {  	v14 =	vmax.f32 v14, v35;
	s25 =	sor.u32 $0x1C30, s26;
	v16 =	vmul.f32 $1.442695020e+00, v20;
	v23 =	vpop (erf)  }
0x11e: {  	v14 =	vmax.f32 v14, v36;
	v15 =	vadd.f32 v23, v15;
	v23 =	vld [tilespmem:s25+$0x0];
	(erf) = vpow2.f32 v17  }
0x11f: {  	v14 =	vmax.f32 v14, v37;
	s25 =	sor.u32 $0x1C40, s26;
	v17 =	vmul.f32 $1.442695020e+00, v21;
	v24 =	vpop (erf)  }
0x120: {  	v14 =	vmax.f32 v14, v38;
	v15 =	vadd.f32 v24, v15;
	v24 =	vld [tilespmem:s25+$0x0];
	(erf) = vpow2.f32 v16  }
0x121: {  	v14 =	vmax.f32 v14, v39;
	s25 =	sor.u32 $0x1C50, s26;
	v16 =	vmul.f32 $1.442695020e+00, v22;
	v25 =	vpop (erf)  }
0x122: {  	v14 =	vmax.f32 v14, v40;
	v15 =	vadd.f32 v25, v15;
	v25 =	vld [tilespmem:s25+$0x0];
	(erf) = vpow2.f32 v17  }
0x123: {  	v14 =	vmax.f32 v14, v41;
	s25 =	sor.u32 $0x1C58, s26;
	v17 =	vmul.f32 $1.442695020e+00, v23;
	v26 =	vpop (erf)  }
0x124: {  	v14 =	vmax.f32 v14, v42;
	v27 =	vadd.f32 v26, v15;
	v26 =	vld [tilespmem:s25+$0x0];
	(erf) = vpow2.f32 v16  }
0x125: {  	v3 =	vmax.f32 v14, v3;
	v14 =	vmul.f32 $1.442695020e+00, v24;
	v16 =	vpop (erf)  }
0x126: {  	v3 =	vmax.f32 v3, v4;
	v4 =	vadd.f32 v16, v27;
	(erf) = vpow2.f32 v17  }
0x127: {  	v3 =	vmax.f32 v3, v5;
	v5 =	vmul.f32 $1.442695020e+00, v25;
	v15 =	vpop (erf)  }
0x128: {  	v3 =	vmax.f32 v3, v6;
	v4 =	vadd.f32 v15, v4;
	(erf) = vpow2.f32 v14  }
0x129: {  	v3 =	vmax.f32 v3, v7;
	v6 =	vmul.f32 $1.442695020e+00, v26;
	v7 =	vsel vm0, $0xF149F2CA, v26;
	v14 =	vpop (erf)  }
0x12a: {  	v3 =	vmax.f32 v3, v8;
	v4 =	vadd.f32 v14, v4;
	(erf) = vpow2.f32 v5  }
0x12b: {  	v3 =	vmax.f32 v3, v9;
	v5 =	vpop (erf);
	(erf) = vpow2.f32 v6  }
0x12c: {  	v3 =	vmax.f32 v3, v10;
	v4 =	vadd.f32 v5, v4  }
0x12d: {  	v3 =	vmax.f32 v3, v11;
	v5 =	vpop (erf)  }
0x12e: {  	v3 =	vmax.f32 v3, v12;
	v4 =	vadd.f32 v5, v4  }
0x12f: {  	v3 =	vmax.f32 v3, v13;
	v5 =	vpop (erf)  }
0x130: {  	v3 =	vmax.f32 v3, v18;
	v4 =	vadd.f32 v5, v4  }
0x131: {  	v3 =	vmax.f32 v3, v19;
	v5 =	vpop (erf)  }
0x132: {  	v3 =	vmax.f32 v3, v20;
	v4 =	vadd.f32 v5, v4  }
0x133: {  	v3 =	vmax.f32 v3, v21;
	v5 =	vpop (erf)  }
.Ltmp0:
0x134: {  	v3 =	vmax.f32 v3, v22;
	v4 =	vadd.f32 v5, v4;
	v5 =	vpop (erf);
	(pc) =	sbr.rel @p0 .LBB2_3-.Ltmp0, $4  }
0x135: {  	v3 =	vmax.f32 v3, v23;
	v5 =	vsel vm0, $0x0, v5  }
0x136: {  	s23 =	sadd.s32 $0x400, s23;
	v3 =	vmax.f32 v3, v24;
	v4 =	vadd.f32 v5, v4  }
0x137: {  	s21 =	sadd.s32 $0x10, s21;
	s20 =	sadd.s32 $0x10, s20;
	s25 =	sadd.s32 $0x8000, s23;
	v3 =	vmax.f32 v3, v25  }
0x138: {  	s26 =	sand.u32 $0x380, s24;
	s24 =	sadd.s32 $0x80, s24;
	s25 =	sand.u32 $0x6000, s25;
	v3 =	vmax.f32 v3, v7;
	[tilespmem:s21+$0x0] =	vst v4  }
0x139: {  	s23 =	sor.u32 s26, s25;
	[tilespmem:s20+$0x0] =	vst v3  }
0x13a: {  	v22 =	vld [tilespmem:s23+$0x0];
	_ =	sdelay $0x1  }
0x13b: {  	v17 =	vld [tilespmem:s23+$0x10];
	_ =	sdelay $0x1  }
0x13c: {  	v12 =	vld [tilespmem:s23+$0x20]  }
0x13d: {  	v3 =	vmul.f32 $1.442695020e+00, v22  }
0x13e: {  	v8 =	vld [tilespmem:s23+$0x30]  }
0x13f: {  	v4 =	vmul.f32 $1.442695020e+00, v17;
	(erf) = vpow2.f32 v3  }
0x140: {  	v9 =	vld [tilespmem:s23+$0x40]  }
0x141: {  	v3 =	vmul.f32 $1.442695020e+00, v12;
	(erf) = vpow2.f32 v4  }
0x142: {  	v5 =	vld [tilespmem:s23+$0x50]  }
0x143: {  	v20 =	vmul.f32 $1.442695020e+00, v8;
	(erf) = vpow2.f32 v3  }
0x144: {  	v6 =	vld [tilespmem:s23+$0x60]  }
0x145: {  	v7 =	vmul.f32 $1.442695020e+00, v9;
	(erf) = vpow2.f32 v20  }
0x146: {  	v3 =	vld [tilespmem:s23+$0x70]  }
0x147: {  	v10 =	vmul.f32 $1.442695020e+00, v5;
	(erf) = vpow2.f32 v7  }
0x148: {  	v4 =	vld [tilespmem:s23+$0x400];
	v21 =	vpop (erf)  }
0x149: {  	v13 =	vmul.f32 $1.442695020e+00, v6;
	(erf) = vpow2.f32 v10;
	v11 =	vadd.f32 $0.0e+00, v21  }
0x14a: {  	v7 =	vld [tilespmem:s23+$0x410];
	v23 =	vpop (erf)  }
0x14b: {  	v14 =	vmul.f32 $1.442695020e+00, v3;
	(erf) = vpow2.f32 v13;
	v11 =	vadd.f32 v23, v11  }
0x14c: {  	v10 =	vld [tilespmem:s23+$0x420];
	v24 =	vpop (erf)  }
0x14d: {  	v15 =	vmul.f32 $1.442695020e+00, v4;
	(erf) = vpow2.f32 v14;
	v13 =	vadd.f32 v24, v11  }
0x14e: {  	v25 =	vpop (erf);
	v11 =	vld [tilespmem:s23+$0x430]  }
0x14f: {  	v16 =	vmul.f32 $1.442695020e+00, v7;
	(erf) = vpow2.f32 v15;
	v14 =	vadd.f32 v25, v13  }
0x150: {  	v26 =	vpop (erf);
	v13 =	vld [tilespmem:s23+$0x440]  }
0x151: {  	(erf) = vpow2.f32 v16;
	v18 =	vmul.f32 $1.442695020e+00, v10;
	v15 =	vadd.f32 v26, v14  }
0x152: {  	v14 =	vld [tilespmem:s23+$0x450];
	v27 =	vpop (erf)  }
0x153: {  	(erf) = vpow2.f32 v18;
	v19 =	vmul.f32 $1.442695020e+00, v11;
	v16 =	vadd.f32 v27, v15  }
0x154: {  	v28 =	vpop (erf);
	v15 =	vld [tilespmem:s23+$0x460]  }
0x155: {  	v20 =	vmul.f32 $1.442695020e+00, v13;
	(erf) = vpow2.f32 v19;
	v18 =	vadd.f32 v28, v16  }
0x156: {  	v29 =	vpop (erf);
	v16 =	vld [tilespmem:s23+$0x470]  }
0x157: {  	v21 =	vmul.f32 $1.442695020e+00, v14;
	(erf) = vpow2.f32 v20;
	v19 =	vadd.f32 v29, v18  }
0x158: {  	v30 =	vpop (erf);
	v18 =	vld [tilespmem:s23+$0x800]  }
0x159: {  	v23 =	vmul.f32 $1.442695020e+00, v15;
	(erf) = vpow2.f32 v21;
	v20 =	vadd.f32 v30, v19  }
0x15a: {  	v31 =	vpop (erf);
	v19 =	vld [tilespmem:s23+$0x810]  }
0x15b: {  	v24 =	vmul.f32 $1.442695020e+00, v16;
	(erf) = vpow2.f32 v23;
	v21 =	vadd.f32 v31, v20  }
0x15c: {  	v32 =	vpop (erf);
	v20 =	vld [tilespmem:s23+$0x820]  }
0x15d: {  	v25 =	vmul.f32 $1.442695020e+00, v18;
	(erf) = vpow2.f32 v24;
	v23 =	vadd.f32 v32, v21  }
0x15e: {  	v21 =	vld [tilespmem:s23+$0x830];
	v33 =	vpop (erf)  }
0x15f: {  	v26 =	vmul.f32 $1.442695020e+00, v19;
	(erf) = vpow2.f32 v25;
	v24 =	vadd.f32 v33, v23  }
0x160: {  	v23 =	vld [tilespmem:s23+$0x840];
	v34 =	vpop (erf)  }
0x161: {  	v27 =	vmul.f32 $1.442695020e+00, v20;
	(erf) = vpow2.f32 v26;
	v25 =	vadd.f32 v34, v24  }
0x162: {  	v24 =	vld [tilespmem:s23+$0x850];
	v35 =	vpop (erf)  }
0x163: {  	v28 =	vmul.f32 $1.442695020e+00, v21;
	(erf) = vpow2.f32 v27;
	v26 =	vadd.f32 v35, v25  }
0x164: {  	v25 =	vld [tilespmem:s23+$0x860];
	v36 =	vpop (erf)  }
0x165: {  	v29 =	vmul.f32 $1.442695020e+00, v23;
	(erf) = vpow2.f32 v28;
	v27 =	vadd.f32 v36, v26  }
0x166: {  	v26 =	vld [tilespmem:s23+$0x870];
	v37 =	vpop (erf)  }
0x167: {  	v30 =	vmul.f32 $1.442695020e+00, v24;
	(erf) = vpow2.f32 v29;
	v28 =	vadd.f32 v37, v27  }
0x168: {  	v27 =	vld [tilespmem:s23+$0xC00];
	v38 =	vpop (erf)  }
0x169: {  	v31 =	vmul.f32 $1.442695020e+00, v25;
	(erf) = vpow2.f32 v30;
	v29 =	vadd.f32 v38, v28  }
0x16a: {  	v28 =	vld [tilespmem:s23+$0xC10];
	v39 =	vpop (erf)  }
0x16b: {  	v32 =	vmul.f32 $1.442695020e+00, v26;
	(erf) = vpow2.f32 v31;
	v30 =	vadd.f32 v39, v29  }
0x16c: {  	v29 =	vld [tilespmem:s23+$0xC20];
	v40 =	vpop (erf)  }
0x16d: {  	v33 =	vmul.f32 $1.442695020e+00, v27;
	(erf) = vpow2.f32 v32;
	v31 =	vadd.f32 v40, v30  }
0x16e: {  	v30 =	vld [tilespmem:s23+$0xC30];
	v41 =	vpop (erf)  }
0x16f: {  	v34 =	vmul.f32 $1.442695020e+00, v28;
	(erf) = vpow2.f32 v33;
	v32 =	vadd.f32 v41, v31  }
0x170: {  	v31 =	vld [tilespmem:s23+$0xC40];
	v42 =	vpop (erf)  }
0x171: {  	v35 =	vmul.f32 $1.442695020e+00, v29;
	(erf) = vpow2.f32 v34;
	v33 =	vadd.f32 v42, v32  }
0x172: {  	v32 =	vld [tilespmem:s23+$0xC50];
	v43 =	vpop (erf)  }
0x173: {  	v36 =	vmul.f32 $1.442695020e+00, v30;
	(erf) = vpow2.f32 v35;
	v34 =	vadd.f32 v43, v33  }
0x174: {  	v33 =	vld [tilespmem:s23+$0xC60];
	v44 =	vpop (erf)  }
0x175: {  	v37 =	vmul.f32 $1.442695020e+00, v31;
	(erf) = vpow2.f32 v36;
	v35 =	vadd.f32 v44, v34  }
0x176: {  	v34 =	vld [tilespmem:s23+$0xC70];
	v45 =	vpop (erf)  }
0x177: {  	v38 =	vmul.f32 $1.442695020e+00, v32;
	(erf) = vpow2.f32 v37;
	v36 =	vadd.f32 v45, v35  }
0x178: {  	v35 =	vld [tilespmem:s23+$0x1000];
	v46 =	vpop (erf)  }
0x179: {  	v39 =	vmul.f32 $1.442695020e+00, v33;
	(erf) = vpow2.f32 v38;
	v37 =	vadd.f32 v46, v36  }
0x17a: {  	v36 =	vld [tilespmem:s23+$0x1010];
	v47 =	vpop (erf)  }
0x17b: {  	v40 =	vmul.f32 $1.442695020e+00, v34;
	(erf) = vpow2.f32 v39;
	v38 =	vadd.f32 v47, v37  }
0x17c: {  	v37 =	vld [tilespmem:s23+$0x1020];
	v48 =	vpop (erf)  }
0x17d: {  	v41 =	vmul.f32 $1.442695020e+00, v35;
	(erf) = vpow2.f32 v40;
	v39 =	vadd.f32 v48, v38  }
0x17e: {  	v38 =	vld [tilespmem:s23+$0x1030];
	v49 =	vpop (erf)  }
0x17f: {  	v42 =	vmul.f32 $1.442695020e+00, v36;
	(erf) = vpow2.f32 v41;
	v40 =	vadd.f32 v49, v39  }
0x180: {  	v39 =	vld [tilespmem:s23+$0x1040];
	v50 =	vpop (erf)  }
0x181: {  	v43 =	vmul.f32 $1.442695020e+00, v37;
	(erf) = vpow2.f32 v42;
	v41 =	vadd.f32 v50, v40  }
0x182: {  	v40 =	vld [tilespmem:s23+$0x1050];
	v51 =	vpop (erf)  }
0x183: {  	v44 =	vmul.f32 $1.442695020e+00, v38;
	(erf) = vpow2.f32 v43;
	v42 =	vadd.f32 v51, v41  }
0x184: {  	v54 =	vmax.f32 v22, $-1.000000020e+30;
	v41 =	vld [tilespmem:s23+$0x1060];
	v52 =	vpop (erf)  }
0x185: {  	v22 =	vld [tilespmem:s23+$0x1070];
	v53 =	vmul.f32 $1.442695020e+00, v39;
	(erf) = vpow2.f32 v44;
	v42 =	vadd.f32 v52, v42  }
0x186: {  	v55 =	vmax.f32 v54, v17;
	v45 =	vpop (erf)  }
0x187: {  	v46 =	vmul.f32 $1.442695020e+00, v40;
	(erf) = vpow2.f32 v53;
	v45 =	vadd.f32 v45, v42  }
0x188: {  	v43 =	vmax.f32 v55, v12;
	v42 =	vld [tilespmem:s23+$0x1400];
	v56 =	vpop (erf)  }
0x189: {  	v17 =	vld [tilespmem:s23+$0x1410];
	v58 =	vmul.f32 $1.442695020e+00, v41;
	(erf) = vpow2.f32 v46;
	v57 =	vadd.f32 v56, v45  }
0x18a: {  	v60 =	vmul.f32 $1.442695020e+00, v22;
	v8 =	vmax.f32 v43, v8;
	v59 =	vpop (erf)  }
0x18b: {  	v12 =	vld [tilespmem:s23+$0x1420];
	v9 =	vmax.f32 v8, v9;
	(erf) = vpow2.f32 v58;
	v44 =	vadd.f32 v59, v57  }
0x18c: {  	v5 =	vmax.f32 v9, v5;
	v62 =	vpop (erf)  }
0x18d: {  	v8 =	vld [tilespmem:s23+$0x1430];
	(erf) = vpow2.f32 v60;
	v61 =	vmul.f32 $1.442695020e+00, v42;
	v44 =	vadd.f32 v62, v44  }
0x18e: {  	v63 =	vmul.f32 $1.442695020e+00, v17;
	v6 =	vmax.f32 v5, v6;
	v48 =	vpop (erf)  }
0x18f: {  	v5 =	vld [tilespmem:s23+$0x1440];
	v3 =	vmax.f32 v6, v3;
	(erf) = vpow2.f32 v61;
	v44 =	vadd.f32 v48, v44  }
0x190: {  	v49 =	vmul.f32 $1.442695020e+00, v12;
	v4 =	vmax.f32 v3, v4;
	v50 =	vpop (erf)  }
0x191: {  	v3 =	vld [tilespmem:s23+$0x1450];
	v4 =	vmax.f32 v4, v7;
	(erf) = vpow2.f32 v63;
	v43 =	vadd.f32 v50, v44  }
0x192: {  	v51 =	vmul.f32 $1.442695020e+00, v8;
	v10 =	vmax.f32 v4, v10;
	v52 =	vpop (erf)  }
0x193: {  	v4 =	vld [tilespmem:s23+$0x1460];
	v53 =	vmax.f32 v10, v11;
	(erf) = vpow2.f32 v49;
	v9 =	vadd.f32 v52, v43  }
0x194: {  	v54 =	vmul.f32 $1.442695020e+00, v5;
	v13 =	vmax.f32 v53, v13;
	v55 =	vpop (erf)  }
0x195: {  	v6 =	vld [tilespmem:s23+$0x1470];
	v56 =	vmax.f32 v13, v14;
	(erf) = vpow2.f32 v51;
	v9 =	vadd.f32 v55, v9  }
0x196: {  	v57 =	vmul.f32 $1.442695020e+00, v3;
	v7 =	vmax.f32 v56, v15;
	v58 =	vpop (erf)  }
0x197: {  	v13 =	vld [tilespmem:s23+$0x1800];
	v7 =	vmax.f32 v7, v16;
	(erf) = vpow2.f32 v54;
	v9 =	vadd.f32 v58, v9  }
0x198: {  	v59 =	vmul.f32 $1.442695020e+00, v4;
	v7 =	vmax.f32 v7, v18;
	v60 =	vpop (erf)  }
0x199: {  	v14 =	vld [tilespmem:s23+$0x1810];
	v7 =	vmax.f32 v7, v19;
	(erf) = vpow2.f32 v57;
	v9 =	vadd.f32 v60, v9  }
0x19a: {  	v61 =	vmul.f32 $1.442695020e+00, v6;
	v7 =	vmax.f32 v7, v20;
	v62 =	vpop (erf)  }
0x19b: {  	v15 =	vld [tilespmem:s23+$0x1820];
	v7 =	vmax.f32 v7, v21;
	(erf) = vpow2.f32 v59;
	v9 =	vadd.f32 v62, v9  }
0x19c: {  	v63 =	vmul.f32 $1.442695020e+00, v13;
	v7 =	vmax.f32 v7, v23;
	v20 =	vpop (erf)  }
0x19d: {  	v16 =	vld [tilespmem:s23+$0x1830];
	v7 =	vmax.f32 v7, v24;
	(erf) = vpow2.f32 v61;
	v9 =	vadd.f32 v20, v9  }
0x19e: {  	v21 =	vmul.f32 $1.442695020e+00, v14;
	v7 =	vmax.f32 v7, v25;
	v23 =	vpop (erf)  }
0x19f: {  	v18 =	vld [tilespmem:s23+$0x1840];
	v7 =	vmax.f32 v7, v26;
	(erf) = vpow2.f32 v63;
	v9 =	vadd.f32 v23, v9  }
0x1a0: {  	v24 =	vmul.f32 $1.442695020e+00, v15;
	v7 =	vmax.f32 v7, v27;
	v25 =	vpop (erf)  }
0x1a1: {  	v19 =	vld [tilespmem:s23+$0x1850];
	v7 =	vmax.f32 v7, v28;
	(erf) = vpow2.f32 v21;
	v9 =	vadd.f32 v25, v9  }
0x1a2: {  	s19 =	sadd.s32 $0x1, s19;
	v26 =	vmul.f32 $1.442695020e+00, v16;
	v7 =	vmax.f32 v7, v29;
	v27 =	vpop (erf)  }
0x1a3: {  	s19 =	sand.u32 $0x7, s19;
	v7 =	vmax.f32 v7, v30;
	(erf) = vpow2.f32 v24;
	v9 =	vadd.f32 v27, v9  }
0x1a4: {  	s22 =	sadd.s32 $0x400, s22;
	s19 =	sshll.u32 s19, $0x7;
	v28 =	vmul.f32 $1.442695020e+00, v18;
	v7 =	vmax.f32 v7, v31;
	v20 =	vld [tilespmem:s23+$0x1860];
	v29 =	vpop (erf)  }
0x1a5: {  	s19 =	sadd.s32 s19, s22;
	v21 =	vld [tilespmem:s23+$0x1870];
	v7 =	vmax.f32 v7, v32;
	(erf) = vpow2.f32 v26;
	v9 =	vadd.f32 v29, v9  }
0x1a6: {  	s22 =	sor.u32 $0x1C00, s19;
	v30 =	vmul.f32 $1.442695020e+00, v19;
	v7 =	vmax.f32 v7, v33;
	v31 =	vpop (erf)  }
0x1a7: {  	v32 =	vld [tilespmem:s22+$0x0];
	v7 =	vmax.f32 v7, v34;
	(erf) = vpow2.f32 v28;
	v9 =	vadd.f32 v31, v9  }
0x1a8: {  	s23 =	sor.u32 $0x1C10, s19;
	v7 =	vmax.f32 v7, v35;
	v34 =	vpop (erf)  }
0x1a9: {  	v43 =	vld [tilespmem:s23+$0x0];
	v33 =	vmul.f32 $1.442695020e+00, v20;
	(erf) = vpow2.f32 v30;
	v9 =	vadd.f32 v34, v9  }
0x1aa: {  	s24 =	sor.u32 $0x1C20, s19;
	v7 =	vmax.f32 v7, v36;
	v44 =	vmul.f32 $1.442695020e+00, v21;
	v45 =	vpop (erf)  }
0x1ab: {  	v46 =	vld [tilespmem:s24+$0x0];
	v7 =	vmax.f32 v7, v37;
	(erf) = vpow2.f32 v33;
	v9 =	vadd.f32 v45, v9  }
0x1ac: {  	s25 =	sor.u32 $0x1C30, s19;
	v47 =	vmul.f32 $1.442695020e+00, v32;
	v7 =	vmax.f32 v7, v38;
	v48 =	vpop (erf)  }
0x1ad: {  	v49 =	vld [tilespmem:s25+$0x0];
	v7 =	vmax.f32 v7, v39;
	(erf) = vpow2.f32 v44;
	v9 =	vadd.f32 v48, v9  }
0x1ae: {  	s26 =	sor.u32 $0x1C40, s19;
	v50 =	vmul.f32 $1.442695020e+00, v43;
	v7 =	vmax.f32 v7, v40;
	v51 =	vpop (erf)  }
0x1af: {  	v52 =	vld [tilespmem:s26+$0x0];
	v7 =	vmax.f32 v7, v41;
	(erf) = vpow2.f32 v47;
	v9 =	vadd.f32 v51, v9  }
0x1b0: {  	s28 =	sor.u32 $0x1C50, s19;
	v53 =	vmul.f32 $1.442695020e+00, v46;
	v7 =	vmax.f32 v7, v22;
	v54 =	vpop (erf)  }
0x1b1: {  	v55 =	vld [tilespmem:s28+$0x0];
	v7 =	vmax.f32 v7, v42;
	(erf) = vpow2.f32 v50;
	v9 =	vadd.f32 v54, v9  }
0x1b2: {  	v56 =	vmul.f32 $1.442695020e+00, v49;
	s19 =	sor.u32 $0x1C58, s19;
	v7 =	vmax.f32 v7, v17;
	v57 =	vpop (erf)  }
0x1b3: {  	v58 =	vld [tilespmem:s19+$0x0];
	v7 =	vmax.f32 v7, v12;
	(erf) = vpow2.f32 v53;
	v9 =	vadd.f32 v57, v9  }
0x1b4: {  	v59 =	vmul.f32 $1.442695020e+00, v52;
	v7 =	vmax.f32 v7, v8;
	v60 =	vpop (erf)  }
0x1b5: {  	v5 =	vmax.f32 v7, v5;
	(erf) = vpow2.f32 v56;
	v61 =	vadd.f32 v60, v9  }
0x1b6: {  	v62 =	vmul.f32 $1.442695020e+00, v55;
	v3 =	vmax.f32 v5, v3;
	v63 =	vpop (erf)  }
0x1b7: {  	v3 =	vmax.f32 v3, v4;
	(erf) = vpow2.f32 v59;
	v9 =	vadd.f32 v63, v61  }
0x1b8: {  	v10 =	vmul.f32 $1.442695020e+00, v58;
	v3 =	vmax.f32 v3, v6;
	v11 =	vpop (erf)  }
0x1b9: {  	v3 =	vmax.f32 v3, v13;
	(erf) = vpow2.f32 v62;
	v4 =	vadd.f32 v11, v9  }
0x1ba: {  	v3 =	vmax.f32 v3, v14;
	v14 =	vpop (erf);
	(erf) = vpow2.f32 v10  }
0x1bb: {  	v3 =	vmax.f32 v3, v15;
	v4 =	vadd.f32 v14, v4  }
0x1bc: {  	v3 =	vmax.f32 v3, v16;
	v17 =	vpop (erf)  }
0x1bd: {  	v3 =	vmax.f32 v3, v18;
	v4 =	vadd.f32 v17, v4  }
0x1be: {  	v3 =	vmax.f32 v3, v19;
	v19 =	vpop (erf)  }
0x1bf: {  	v3 =	vmax.f32 v3, v20;
	v4 =	vadd.f32 v19, v4  }
0x1c0: {  	v3 =	vmax.f32 v3, v21;
	v28 =	vpop (erf)  }
0x1c1: {  	v3 =	vmax.f32 v3, v32;
	v4 =	vadd.f32 v28, v4  }
0x1c2: {  	v3 =	vmax.f32 v3, v43;
	v29 =	vpop (erf)  }
0x1c3: {  	v3 =	vmax.f32 v3, v46;
	v30 =	vpop (erf);
	v4 =	vadd.f32 v29, v4  }
0x1c4: {  	v3 =	vmax.f32 v3, v49;
	v5 =	vsel vm0, $0x0, v30  }
0x1c5: {  	v3 =	vmax.f32 v3, v52;
	v4 =	vadd.f32 v5, v4  }
0x1c6: {  	s29 =	sadd.s32 $0x10, s21;
	v31 =	vsel vm0, $0xF149F2CA, v58;
	v32 =	vor.u32 $0x1, v1;
	v3 =	vmax.f32 v3, v55  }
0x1c7: {  	s30 =	sadd.s32 $0x10, s20;
	v3 =	vmax.f32 v3, v31;
	[tilespmem:s29+$0x0] =	vst v4  }
0x1c8: {  	[tilespmem:s30+$0x0] =	vst v3;
	v3 =	vor.u32 $0x2, v1  }
0x1c9: {  	s31 =	sshll.u32 s18, $0x5;
	v4 =	vld.idx.msk [tilespmem:v1+s11+$0x0], $0xffff  }
0x1ca: {  	v34 =	vor.u32 $0x3, v1;
	v33 =	vld [tilespmem:s31+$0x8000]  }
0x1cb: {  	v37 =	vor.u32 $0x4, v1;
	v35 =	vld.idx.msk [tilespmem:v32+s11+$0x0], $0xffff  }
0x1cc: {  	v36 =	vld.idx.msk [tilespmem:v1+s12+$0x0], $0xffff  }
0x1cd: {  	v39 =	vor.u32 $0x5, v1;
	v38 =	vld.idx.msk [tilespmem:v3+s11+$0x0], $0xffff  }
0x1ce: {  	v6 =	vld.idx.msk [tilespmem:v32+s12+$0x0], $0xffff;
	v4 =	vadd.f32 $0.0e+00, v4  }
0x1cf: {  	v41 =	vor.u32 $0x6, v1;
	v40 =	vld.idx.msk [tilespmem:v34+s11+$0x0], $0xffff  }
0x1d0: {  	v42 =	vld.idx.msk [tilespmem:v37+s11+$0x0], $0xffff;
	v4 =	vadd.f32 v35, v4  }
0x1d1: {  	v43 =	vor.u32 $0x7, v1;
	v7 =	vld.idx.msk [tilespmem:v34+s12+$0x0], $0xffff  }
0x1d2: {  	v44 =	vld.idx.msk [tilespmem:v39+s11+$0x0], $0xffff;
	v4 =	vadd.f32 v38, v4  }
0x1d3: {  	v45 =	vor.u32 $0x8, v1;
	v10 =	vld.idx.msk [tilespmem:v37+s12+$0x0], $0xffff  }
0x1d4: {  	v46 =	vld.idx.msk [tilespmem:v41+s11+$0x0], $0xffff;
	v4 =	vadd.f32 v40, v4  }
0x1d5: {  	v47 =	vor.u32 $0x9, v1;
	v12 =	vld.idx.msk [tilespmem:v39+s12+$0x0], $0xffff  }
0x1d6: {  	v48 =	vld.idx.msk [tilespmem:v43+s11+$0x0], $0xffff;
	v4 =	vadd.f32 v42, v4  }
0x1d7: {  	v8 =	vld.idx.msk [tilespmem:v41+s12+$0x0], $0xffff  }
0x1d8: {  	v49 =	vor.u32 $0xA, v1;
	v50 =	vld.idx.msk [tilespmem:v45+s11+$0x0], $0xffff;
	v4 =	vadd.f32 v44, v4  }
0x1d9: {  	v11 =	vld.idx.msk [tilespmem:v43+s12+$0x0], $0xffff  }
0x1da: {  	v51 =	vor.u32 $0xB, v1;
	v52 =	vld.idx.msk [tilespmem:v47+s11+$0x0], $0xffff;
	v4 =	vadd.f32 v46, v4  }
0x1db: {  	v13 =	vld.idx.msk [tilespmem:v45+s12+$0x0], $0xffff  }
0x1dc: {  	v53 =	vor.u32 $0xC, v1;
	v3 =	vld.idx.msk [tilespmem:v3+s12+$0x0], $0xffff;
	v4 =	vadd.f32 v48, v4  }
0x1dd: {  	v54 =	vld.idx.msk [tilespmem:v49+s11+$0x0], $0xffff  }
0x1de: {  	v55 =	vor.u32 $0xD, v1;
	v14 =	vld.idx.msk [tilespmem:v47+s12+$0x0], $0xffff;
	v4 =	vadd.f32 v50, v4  }
0x1df: {  	v56 =	vld.idx.msk [tilespmem:v51+s11+$0x0], $0xffff;
	v9 =	vmax.f32 v36, $-1.000000020e+30  }
0x1e0: {  	v58 =	vor.u32 $0xE, v1;
	v57 =	vld.idx.msk [tilespmem:v49+s12+$0x0], $0xffff;
	v6 =	vmax.f32 v9, v6;
	v4 =	vadd.f32 v52, v4  }
0x1e1: {  	v62 =	vor.u32 $0xF, v1;
	v60 =	vld.idx.msk [tilespmem:v53+s11+$0x0], $0xffff;
	v3 =	vmax.f32 v6, v3  }
0x1e2: {  	v61 =	vld.idx.msk [tilespmem:v51+s12+$0x0], $0xffff;
	v59 =	vshll.u32 v33, $0x3;
	v3 =	vmax.f32 v3, v7;
	v4 =	vadd.f32 v54, v4  }
0x1e3: {  	v63 =	vld.idx.msk [tilespmem:v55+s11+$0x0], $0xffff;
	v5 =	vand.u32 $0x7F, v33;
	v19 =	vand.u32 $0xFFFFFC00, v59;
	v3 =	vmax.f32 v3, v10  }
0x1e4: {  	v17 =	vld.idx.msk [tilespmem:v53+s12+$0x0], $0xffff;
	v5 =	vor.u32 v5, v19;
	v3 =	vmax.f32 v3, v12;
	v4 =	vadd.f32 v56, v4  }
0x1e5: {  	v19 =	vld.idx.msk [tilespmem:v58+s11+$0x0], $0xffff;
	v5 =	vadd.s32 v0, v5;
	v3 =	vmax.f32 v3, v8  }
0x1e6: {  	v20 =	vld.idx.msk [tilespmem:v55+s12+$0x0], $0xffff;
	v3 =	vmax.f32 v3, v11;
	v4 =	vadd.f32 v60, v4  }
0x1e7: {  	v21 =	vld.idx.msk [tilespmem:v62+s11+$0x0], $0xffff;
	v3 =	vmax.f32 v3, v13  }
0x1e8: {  	v22 =	vld.idx.msk [tilespmem:v58+s12+$0x0], $0xffff;
	v3 =	vmax.f32 v3, v14;
	v4 =	vadd.f32 v63, v4  }
0x1e9: {  	v23 =	vld.idx.msk [tilespmem:v62+s12+$0x0], $0xffff;
	v3 =	vmax.f32 v3, v57  }
0x1ea: {  	v5 =	vld.idx.msk [tilespmem:v5+s2+$0x0], $0xffff;
	v3 =	vmax.f32 v3, v61;
	v4 =	vadd.f32 v19, v4  }
0x1eb: {  	v3 =	vmax.f32 v3, v17  }
0x1ec: {  	v3 =	vmax.f32 v3, v20;
	v4 =	vadd.f32 v21, v4  }
0x1ed: {  	v25 =	vor.u32 $0x100, v1;
	v3 =	vmax.f32 v3, v22  }
0x1ee: {  	v3 =	vmax.f32 v3, v23;
	v24 =	vsub.f32 $0.0e+00, v4  }
0x1ef: {  	v26 =	vor.u32 $0x101, v1;
	vm1 =	vlt.f32 v5, v3  }
0x1f0: {  	[tilespmem:s31+$0x8400] =	vst v5;
	v3 =	vsel vm1, v4, v24  }
0x1f1: {  	[tilespmem:s31+$0x8200] =	vst v3;
	v3 =	vor.u32 $0x102, v1  }
0x1f2: {  	v5 =	vld.idx.msk [tilespmem:v25+s11+$0x0], $0xffff  }
0x1f3: {  	v28 =	vor.u32 $0x103, v1;
	v27 =	vld [tilespmem:s31+$0x8010]  }
0x1f4: {  	v30 =	vor.u32 $0x104, v1;
	v29 =	vld.idx.msk [tilespmem:v26+s11+$0x0], $0xffff  }
0x1f5: {  	v7 =	vld.idx.msk [tilespmem:v25+s12+$0x0], $0xffff  }
0x1f6: {  	v32 =	vor.u32 $0x105, v1;
	v31 =	vld.idx.msk [tilespmem:v3+s11+$0x0], $0xffff  }
0x1f7: {  	v4 =	vld.idx.msk [tilespmem:v26+s12+$0x0], $0xffff;
	v5 =	vadd.f32 $0.0e+00, v5  }
0x1f8: {  	v34 =	vor.u32 $0x106, v1;
	v33 =	vld.idx.msk [tilespmem:v28+s11+$0x0], $0xffff  }
0x1f9: {  	v35 =	vld.idx.msk [tilespmem:v30+s11+$0x0], $0xffff;
	v5 =	vadd.f32 v29, v5  }
0x1fa: {  	v36 =	vor.u32 $0x107, v1;
	v8 =	vld.idx.msk [tilespmem:v28+s12+$0x0], $0xffff  }
0x1fb: {  	v37 =	vld.idx.msk [tilespmem:v32+s11+$0x0], $0xffff;
	v5 =	vadd.f32 v31, v5  }
0x1fc: {  	v38 =	vor.u32 $0x108, v1;
	v10 =	vld.idx.msk [tilespmem:v30+s12+$0x0], $0xffff  }
0x1fd: {  	v39 =	vld.idx.msk [tilespmem:v34+s11+$0x0], $0xffff;
	v5 =	vadd.f32 v33, v5  }
0x1fe: {  	v40 =	vor.u32 $0x109, v1;
	v12 =	vld.idx.msk [tilespmem:v32+s12+$0x0], $0xffff  }
0x1ff: {  	v41 =	vld.idx.msk [tilespmem:v36+s11+$0x0], $0xffff;
	v5 =	vadd.f32 v35, v5  }
0x200: {  	v9 =	vld.idx.msk [tilespmem:v34+s12+$0x0], $0xffff  }
0x201: {  	v42 =	vor.u32 $0x10A, v1;
	v43 =	vld.idx.msk [tilespmem:v38+s11+$0x0], $0xffff;
	v5 =	vadd.f32 v37, v5  }
0x202: {  	v11 =	vld.idx.msk [tilespmem:v36+s12+$0x0], $0xffff  }
0x203: {  	v44 =	vor.u32 $0x10B, v1;
	v45 =	vld.idx.msk [tilespmem:v40+s11+$0x0], $0xffff;
	v5 =	vadd.f32 v39, v5  }
0x204: {  	v13 =	vld.idx.msk [tilespmem:v38+s12+$0x0], $0xffff  }
0x205: {  	v46 =	vor.u32 $0x10C, v1;
	v3 =	vld.idx.msk [tilespmem:v3+s12+$0x0], $0xffff;
	v5 =	vadd.f32 v41, v5  }
0x206: {  	v47 =	vld.idx.msk [tilespmem:v42+s11+$0x0], $0xffff  }
0x207: {  	v48 =	vor.u32 $0x10D, v1;
	v14 =	vld.idx.msk [tilespmem:v40+s12+$0x0], $0xffff;
	v5 =	vadd.f32 v43, v5  }
0x208: {  	v49 =	vld.idx.msk [tilespmem:v44+s11+$0x0], $0xffff;
	v7 =	vmax.f32 v7, $-1.000000020e+30  }
0x209: {  	v51 =	vor.u32 $0x10E, v1;
	v50 =	vld.idx.msk [tilespmem:v42+s12+$0x0], $0xffff;
	v4 =	vmax.f32 v7, v4;
	v5 =	vadd.f32 v45, v5  }
0x20a: {  	v55 =	vor.u32 $0x10F, v1;
	v53 =	vld.idx.msk [tilespmem:v46+s11+$0x0], $0xffff;
	v3 =	vmax.f32 v4, v3  }
0x20b: {  	v52 =	vshll.u32 v27, $0x3;
	v54 =	vld.idx.msk [tilespmem:v44+s12+$0x0], $0xffff;
	v3 =	vmax.f32 v3, v8;
	v5 =	vadd.f32 v47, v5  }
0x20c: {  	v6 =	vand.u32 $0x7F, v27;
	v19 =	vand.u32 $0xFFFFFC00, v52;
	v56 =	vld.idx.msk [tilespmem:v48+s11+$0x0], $0xffff;
	v3 =	vmax.f32 v3, v10  }
0x20d: {  	v6 =	vor.u32 v6, v19;
	v57 =	vld.idx.msk [tilespmem:v46+s12+$0x0], $0xffff;
	v3 =	vmax.f32 v3, v12;
	v5 =	vadd.f32 v49, v5  }
0x20e: {  	v6 =	vadd.s32 v2, v6;
	v58 =	vld.idx.msk [tilespmem:v51+s11+$0x0], $0xffff;
	v3 =	vmax.f32 v3, v9  }
0x20f: {  	v59 =	vld.idx.msk [tilespmem:v48+s12+$0x0], $0xffff;
	v3 =	vmax.f32 v3, v11;
	v4 =	vadd.f32 v53, v5  }
0x210: {  	v60 =	vld.idx.msk [tilespmem:v55+s11+$0x0], $0xffff;
	v3 =	vmax.f32 v3, v13  }
0x211: {  	v61 =	vld.idx.msk [tilespmem:v51+s12+$0x0], $0xffff;
	v3 =	vmax.f32 v3, v14;
	v4 =	vadd.f32 v56, v4  }
0x212: {  	v62 =	vld.idx.msk [tilespmem:v55+s12+$0x0], $0xffff;
	v3 =	vmax.f32 v3, v50  }
0x213: {  	v6 =	vld.idx.msk [tilespmem:v6+s2+$0x0], $0xffff;
	v3 =	vmax.f32 v3, v54;
	v4 =	vadd.f32 v58, v4  }
0x214: {  	s18 =	sadd.s32 $0x1, s18;
	v3 =	vmax.f32 v3, v57  }
0x215: {  	p0 =	sne.s32 s18, $0x10;
	v3 =	vmax.f32 v3, v59;
	v4 =	vadd.f32 v60, v4  }
.Ltmp1:
0x216: {  	v3 =	vmax.f32 v3, v61;
	(pc) =	sbr.rel @p0 .LBB2_2-.Ltmp1, $4  }
0x217: {  	v3 =	vmax.f32 v3, v62;
	v63 =	vsub.f32 $0.0e+00, v4  }
0x218: {  	vm1 =	vlt.f32 v6, v3  }
0x219: {  	[tilespmem:s31+$0x8410] =	vst v6;
	v3 =	vsel vm1, v4, v63  }
0x21a: {  	[tilespmem:s31+$0x8210] =	vst v3  }
0x21b: {  	[hbm4b:s5+s13] =	stream.strided.scatter [tilespmem:s15], [sflag:$0x2], $0x200, s14, s13, $0x38;
	[tilespmem:$0x8A00] =	vst v63  }
0x21c: {  	s17 =	sadd.s32 $0x1, s17;
	_ =	swait.ge [sflag:s9], $0x200  }
0x21d: {  	p0 =	sne.s32 s17, s7;
	[sflag:s9] =	ssyncset.done $0x0  }
.Ltmp2:
0x21e: {  	[sflag:s9] =	ssyncadd.s32 $0xFFFFFE00;
	(pc) =	sbr.rel @p0 .LBB2_1-.Ltmp2, $4  }
0x21f: {  	[hbm4b:s6+s13] =	stream.strided.scatter [tilespmem:s16], [sflag:$0x2], $0x200, s14, s13, $0x38;
	[tilespmem:$0x8A00] =	vst v63  }
0x220: {  	_ =	swait.ge [sflag:s9], $0x200  }
0x221: {  	[sflag:s9] =	ssyncset.done $0x0  }
0x222: {  	[sflag:s9] =	ssyncadd.s32 $0xFFFFFE00  }
0x223: {  	_ =	sfence.sel $0x180000  }
0x224: {  	[bflag:$0x0] =	sbarrier.arrive $0xFFFF  }
0x225: {  	p0 =	sne.s32 s1, $0x0;
	_ =	strace $0x90000047  }
0x226: {  	s0 =	sadd.s32 @!p0 $0x100000, s0;
	[bflag:$0x2] =	sbarrier.arrive $0xFFFF  }
0x227: {  	[sflag:s0] =	ssyncadd.tile.s32 @!p0 $0x1;
	_ =	shalt  }
.Lfunc_end2:
_tile_overlayer_lowered:
.L_overlay_start_2:
0x228: {  	(tag) =	ssettag $0x2  }
0x229: {  	s0 =	rddreg [dreg:$0x0];
	s2 =	stileid.u32  }
0x22a: {  	s1 =	rddreg [dreg:$0x1];
	p0 =	sne.s32 s2, $0x0  }
0x22b: {  	s3 =	rddreg [dreg:$0x2];
	[bflag:$0x3] =	sbarrier.arrive $0xFFFF;
	s2 =	simm.s32 @!p0 $0x1C02  }
0x22c: {  	[timem:s3], [sflag:s2] =	dma.local @!p0 [hbm:s0], s1  }
0x22d: {  	s0 =	simm.s32 @!p0 $0x2  }
0x22e: {  	_ =	swait.ge @!p0 [sflag:s0], s1  }
0x22f: {  	s1 =	ssub.s32 @!p0 $0x0, s1;
	[sflag:s0] =	ssyncset.done @!p0 $0x0  }
0x230: {  	[sflag:s0] =	ssyncadd.s32 @!p0 s1  }
0x231: {  	[bflag:$0x3] =	sbarrier.arrive $0xFFFF  }
0x232: {  	_ =	shalt  }

</sc_bundles>
